<compile_context>
chip_gen: v7x
topology: tpu7x:2x2x1
jax: 0.10.2.dev20260603
libtpu: 0.0.44.dev20260713+nightly
codegen_flags: <defaults>
</compile_context>

<pallas_src>
import jax
import jax.numpy as jnp
from jax import lax
from jax.experimental import pallas as pl
from jax.experimental.pallas import tpu as pltpu
from jax.experimental.pallas import tpu_sc as plsc

N_WORDS = 2048
N_SAMPLES = 4096
PATH_LEN = 256

NC = 2
NS = 16
NW = NC * NS

EPW = (N_SAMPLES * PATH_LEN) // NW
ROWS = EPW // 128
VPR = 8
HALF = 8
SUPER = ROWS // 16
SE_PW = N_SAMPLES // NW
SROWS = SE_PW
DIAG_PW = N_WORDS // NW

_INV = 1.0 / N_SAMPLES


def _add_body(x_ref, y_ref, o_ref):
    o_ref[...] = (x_ref[...] + y_ref[...]).reshape(128, 16, 128)


def _tc_add(x, y):
    return pl.pallas_call(
        _add_body,
        grid=(16,),
        in_specs=[pl.BlockSpec((128, N_WORDS), lambda i: (i, 0))] * 2,
        out_specs=pl.BlockSpec((128, 16, 128), lambda i: (i, 0, 0)),
        out_shape=jax.ShapeDtypeStruct((N_WORDS, 16, 128), jnp.float32),
    )(x, y)


def _sc_body(bg_hbm, start_hbm, end_hbm, s_hbm,
             out_hbm,
             sv, idx_v, gb_v, s0i_v, e0i_v, sg_v, eg_v, ps_v, pe_v,
             di_v, dg_v, w0_v, w1_v, o_v,
             semA, semB, semT):
    wid = lax.axis_index("s") * NC + lax.axis_index("c")
    iota = lax.iota(jnp.int32, 16)
    zeros16 = jnp.zeros((16,), jnp.int32)

    pltpu.sync_copy(s_hbm.at[pl.ds(wid * EPW, EPW)], sv.at[pl.ds(0, EPW)])
    sv[pl.ds(EPW, 16)] = zeros16

    def idx_body(r, carry):
        for c in range(VPR):
            base = r * 128 + c * 16
            va = sv[pl.ds(base, 16)]
            vb = sv[pl.ds(base + 1, 16)]
            idx_v[r, pl.ds(c * 16, 16)] = va * N_WORDS + vb
        return carry
    lax.fori_loop(0, ROWS, idx_body, 0)

    def fire(row, slot, sem):
        pltpu.async_copy(bg_hbm.at[idx_v.at[row]], gb_v.at[slot], sem)

    def drain_half(sem, lo):
        for k in range(HALF):
            pltpu.make_async_copy(bg_hbm.at[pl.ds(0, 128)], gb_v.at[lo + k], sem).wait()

    for j in range(SROWS // 16):
        pos = wid * EPW + (j * 16 + iota) * PATH_LEN
        ps_v[pl.ds(j * 16, 16)] = pos
        pe_v[pl.ds(j * 16, 16)] = pos + (PATH_LEN - 1)
    for j in range(DIAG_PW // 16):
        i_vec = wid * DIAG_PW + j * 16 + iota
        valid = i_vec < N_WORDS - 1
        di_v[pl.ds(j * 16, 16)] = jnp.where(valid, i_vec * (N_WORDS + 1) + 1, 0)
    pltpu.async_copy(s_hbm.at[ps_v], s0i_v, semT)
    pltpu.async_copy(s_hbm.at[pe_v], e0i_v, semT)
    pltpu.async_copy(bg_hbm.at[di_v], dg_v, semT)
    pltpu.async_copy(start_hbm.at[zeros16], w0_v, semT)
    pltpu.async_copy(end_hbm.at[zeros16 + (N_WORDS - 1)], w1_v, semT)

    for k in range(HALF):
        fire(k, k, semA)
    for k in range(HALF):
        fire(HALF + k, HALF + k, semB)

    mask7 = jnp.where(iota < 15, 1.0, 0.0).astype(jnp.float32)

    def acc_slot(acc, k):
        for c in range(VPR - 1):
            acc = acc + gb_v[k, pl.ds(c * 16, 16)]
        last = gb_v[k, pl.ds(112, 16)]
        if k % 2 == 1:
            last = last * mask7
        return acc + last

    def gather_body(g, acc):
        drain_half(semA, 0)
        for k in range(HALF):
            acc = acc_slot(acc, k)

        @pl.when(g < SUPER - 1)
        def _():
            for k in range(HALF):
                fire((g + 1) * 16 + k, k, semA)

        drain_half(semB, HALF)
        for k in range(HALF):
            acc = acc_slot(acc, HALF + k)

        @pl.when(g < SUPER - 1)
        def _():
            for k in range(HALF):
                fire((g + 1) * 16 + 8 + k, HALF + k, semB)

        return acc

    acc = lax.fori_loop(0, SUPER, gather_body, jnp.zeros((16,), jnp.float32))

    pltpu.make_async_copy(start_hbm.at[pl.ds(0, SE_PW)], s0i_v, semT).wait()
    pltpu.make_async_copy(start_hbm.at[pl.ds(0, SE_PW)], e0i_v, semT).wait()
    pltpu.make_async_copy(bg_hbm.at[pl.ds(0, DIAG_PW)], dg_v, semT).wait()
    pltpu.make_async_copy(start_hbm.at[pl.ds(0, 16)], w0_v, semT).wait()
    pltpu.make_async_copy(end_hbm.at[pl.ds(0, 16)], w1_v, semT).wait()
    h1 = pltpu.async_copy(start_hbm.at[s0i_v], sg_v, semA)
    h2 = pltpu.async_copy(end_hbm.at[e0i_v], eg_v, semB)
    h1.wait()
    h2.wait()
    for c in range(SE_PW // 16):
        acc = acc + sg_v[pl.ds(c * 16, 16)] + eg_v[pl.ds(c * 16, 16)]

    accn = jnp.zeros((16,), jnp.float32)
    for j in range(DIAG_PW // 16):
        i_vec = wid * DIAG_PW + j * 16 + iota
        m = jnp.where(i_vec < N_WORDS - 1, 1.0, 0.0).astype(jnp.float32)
        accn = accn + dg_v[pl.ds(j * 16, 16)] * m

    lane0 = jnp.where(iota == 0, 1.0, 0.0).astype(jnp.float32)
    wmask = jnp.where(wid == 0, 1.0, 0.0).astype(jnp.float32)
    accn = accn + (w0_v[...] + w1_v[...]) * lane0 * wmask

    o_v[...] = acc * _INV - accn
    pltpu.sync_copy(o_v, out_hbm.at[pl.ds(wid * 16, 16)])


@jax.jit
def _sc_loss(bg, start, end, s):
    mesh = plsc.VectorSubcoreMesh(core_axis_name="c", subcore_axis_name="s",
                                  num_cores=NC, num_subcores=NS)
    grid_kernel = pl.kernel(
        _sc_body,
        out_type=jax.ShapeDtypeStruct((NW * 16,), jnp.float32),
        mesh=mesh,
        scratch_types=[
            pltpu.VMEM((EPW + 16,), jnp.int32),
            pltpu.VMEM((ROWS, 128), jnp.int32),
            pltpu.VMEM((2 * HALF, 128), jnp.float32),
            pltpu.VMEM((SE_PW,), jnp.int32),
            pltpu.VMEM((SE_PW,), jnp.int32),
            pltpu.VMEM((SE_PW,), jnp.float32),
            pltpu.VMEM((SE_PW,), jnp.float32),
            pltpu.VMEM((SE_PW,), jnp.int32),
            pltpu.VMEM((SE_PW,), jnp.int32),
            pltpu.VMEM((DIAG_PW,), jnp.int32),
            pltpu.VMEM((DIAG_PW,), jnp.float32),
            pltpu.VMEM((16,), jnp.float32),
            pltpu.VMEM((16,), jnp.float32),
            pltpu.VMEM((16,), jnp.float32),
            pltpu.SemaphoreType.DMA,
            pltpu.SemaphoreType.DMA,
            pltpu.SemaphoreType.DMA,
        ],
    )
    return grid_kernel(bg, start, end, s)


def kernel(bigram, start, end, bigram_bias, samples):
    big = _tc_add(bigram, bigram_bias)
    partials = _sc_loss(big.reshape(-1), start, end,
                        samples.astype(jnp.int32).reshape(-1))
    loss = jnp.sum(partials)
    return (loss, 0)

# --- scband reference (transcript-rebuilt; emitter-appended) ---
"""Pipeline reference for scband-loss-14714557956386 (READ-ONLY COPY).

The authoritative reference and input builder live on the scoring server;
editing this copy changes nothing except your own understanding.
"""

import jax, jax.numpy as jnp
import numpy as np

N_WORDS = 2048
N_SAMPLES = 4096
PATH_LEN = 256


def setup_inputs(seed: int = 0) -> dict:
    key = jax.random.key(seed)
    k1, k2, k3, k4, k5 = jax.random.split(key, 5)
    bigram = jax.random.normal(k1, (N_WORDS, N_WORDS), dtype=jnp.float32)
    start = jax.random.normal(k2, (N_WORDS,), dtype=jnp.float32)
    end = jax.random.normal(k3, (N_WORDS,), dtype=jnp.float32)
    bigram_bias = jax.random.normal(k4, (N_WORDS, N_WORDS), dtype=jnp.float32)
    # Precomputed sampler output: the torch module's self.sampler(n_words, bigram, start, end, bigram_bias)
    # returns integer paths of shape [n_samples, path_len] with values in [0, n_words).
    samples = jax.random.randint(k5, (N_SAMPLES, PATH_LEN), 0, N_WORDS, dtype=jnp.int64)
    return {"bigram": bigram, "start": start, "end": end, "bigram_bias": bigram_bias, "samples": samples}


def reference(bigram, start, end, bigram_bias, samples):
    n_words = start.shape[0]
    n_samples = samples.shape[0]
    inv = jnp.float32(1.0 / n_samples)

    # Target accumulators: first the deterministic -1 entries (overwrite semantics),
    # matching start_t[0] = -1; end_t[-1] = -1; bigram_t[arange[:-1], arange[1:]] = -1
    start_t = jnp.zeros_like(start).at[0].set(-1.0)
    end_t = jnp.zeros_like(end).at[-1].set(-1.0)
    arange = jnp.arange(n_words)
    bigram_t = jnp.zeros_like(bigram).at[arange[:-1], arange[1:]].set(-1.0)

    # Vectorized equivalent of the per-sample loop: scatter-add histogram counts.
    start_t = start_t.at[samples[:, 0]].add(inv)
    end_t = end_t.at[samples[:, -1]].add(inv)
    rows = samples[:, :-1].reshape(-1)
    cols = samples[:, 1:].reshape(-1)
    bigram_t = bigram_t.at[rows, cols].add(inv)

    loss = jnp.sum(start * start_t) + jnp.sum(end * end_t) + jnp.sum(bigram * bigram_t)
    loss = loss + jnp.sum(bigram_bias * bigram_t)
    return (loss, 0)


if False:  # reference __main__ guard neutralized (emitter)
    inp = setup_inputs()
    out = reference(**inp)
    print(out[0])

if __name__ == "__main__":
    import jax
    _d = setup_inputs()
    print(jax.jit(kernel)(*tuple(_d.values())))

</pallas_src>

<mosaic_0001>
#map = affine_map<(d0, d1) -> (0)>
module attributes {stable_mosaic.version = 14 : i64} {
  func.func @_sc_body(%arg0: i32, %arg1: i32, %arg2: memref<4194304xf32, #tpu.memory_space<hbm>>, %arg3: memref<2048xf32, #tpu.memory_space<hbm>>, %arg4: memref<2048xf32, #tpu.memory_space<hbm>>, %arg5: memref<1048576xi32, #tpu.memory_space<hbm>>, %arg6: memref<512xf32, #tpu.memory_space<hbm>>, %arg7: memref<32784xi32, #tpu.memory_space<vmem>>, %arg8: memref<256x128xi32, #tpu.memory_space<vmem>>, %arg9: memref<16x128xf32, #tpu.memory_space<vmem>>, %arg10: memref<128xi32, #tpu.memory_space<vmem>>, %arg11: memref<128xi32, #tpu.memory_space<vmem>>, %arg12: memref<128xf32, #tpu.memory_space<vmem>>, %arg13: memref<128xf32, #tpu.memory_space<vmem>>, %arg14: memref<128xi32, #tpu.memory_space<vmem>>, %arg15: memref<128xi32, #tpu.memory_space<vmem>>, %arg16: memref<64xi32, #tpu.memory_space<vmem>>, %arg17: memref<64xf32, #tpu.memory_space<vmem>>, %arg18: memref<16xf32, #tpu.memory_space<vmem>>, %arg19: memref<16xf32, #tpu.memory_space<vmem>>, %arg20: memref<16xf32, #tpu.memory_space<vmem>>, %arg21: memref<!tpu.dma_semaphore, #tpu.memory_space<semaphore_mem>>, %arg22: memref<!tpu.dma_semaphore, #tpu.memory_space<semaphore_mem>>, %arg23: memref<!tpu.dma_semaphore, #tpu.memory_space<semaphore_mem>>) attributes {dimension_semantics = [#tpu.dimension_semantics<core_parallel>, #tpu.dimension_semantics<subcore_parallel>], iteration_bounds = array<i64: 2, 16>, scalar_prefetch = 0 : i64, scratch_operands = 17 : i64, tpu.core_type = #tpu.core_type<sc_vector_subcore>, window_params = [{transform_indices = #map}, {transform_indices = #map}, {transform_indices = #map}, {transform_indices = #map}, {transform_indices = #map}]} {
    %mul3A = arith.constant 2 : i32
    %mul3A_0 = arith.muli %arg1, %mul3A : i32
    %add3A = arith.addi %mul3A_0, %arg0 : i32
    %iota3A = tpu.iota {dimensions = array<i32: 0>} : vector<16xi32>
    %broadcast_in_dim3A = arith.constant 0 : i32
    %broadcast_in_dim3A_1 = vector.broadcast %broadcast_in_dim3A : i32 to vector<16xi32>
    %mul3A_2 = arith.constant 32768 : i32
    %mul3A_3 = arith.muli %add3A, %mul3A_2 : i32
    "tpu.region"() ({
      %run_scoped3A = tpu.sem_alloc : memref<!tpu.dma_semaphore, #tpu.memory_space<semaphore_mem>>
      %dma_start3A_653 = arith.constant 0 : i32
      %dma_start3A_654 = tpu.memref_slice %arg7[%dma_start3A_653] : memref<32784xi32, #tpu.memory_space<vmem>> -> memref<32768xi32, #tpu.memory_space<vmem>>
      %dma_start3A_655 = tpu.memref_slice %arg5[%mul3A_3] : memref<1048576xi32, #tpu.memory_space<hbm>> -> memref<32768xi32, #tpu.memory_space<hbm>>
      %dma_start3A_656 = arith.constant 0 : i32
      %dma_start3A_657 = tpu.memref_slice %arg7[%dma_start3A_656] : memref<32784xi32, #tpu.memory_space<vmem>> -> memref<32768xi32, #tpu.memory_space<vmem>>
      %dma_start3A_658 = tpu.memref_slice %arg5[%mul3A_3] : memref<1048576xi32, #tpu.memory_space<hbm>> -> memref<32768xi32, #tpu.memory_space<hbm>>
      tpu.enqueue_dma source(%dma_start3A_658 : memref<32768xi32, #tpu.memory_space<hbm>>) target(%dma_start3A_657 : memref<32768xi32, #tpu.memory_space<vmem>>) target_semaphore(%run_scoped3A : memref<!tpu.dma_semaphore, #tpu.memory_space<semaphore_mem>>)
      %dma_wait3A_659 = arith.constant 0 : i32
      %dma_wait3A_660 = tpu.memref_slice %arg7[%dma_wait3A_659] : memref<32784xi32, #tpu.memory_space<vmem>> -> memref<32768xi32, #tpu.memory_space<vmem>>
      %dma_wait3A_661 = tpu.memref_slice %arg5[%mul3A_3] : memref<1048576xi32, #tpu.memory_space<hbm>> -> memref<32768xi32, #tpu.memory_space<hbm>>
      %dma_wait3A_662 = arith.constant 0 : i32
      %dma_wait3A_663 = tpu.memref_slice %arg7[%dma_wait3A_662] : memref<32784xi32, #tpu.memory_space<vmem>> -> memref<32768xi32, #tpu.memory_space<vmem>>
      %dma_wait3A_664 = tpu.memref_slice %arg5[%mul3A_3] : memref<1048576xi32, #tpu.memory_space<hbm>> -> memref<32768xi32, #tpu.memory_space<hbm>>
      tpu.wait_dma2 semaphore(%run_scoped3A : memref<!tpu.dma_semaphore, #tpu.memory_space<semaphore_mem>>) src(%dma_wait3A_664 : memref<32768xi32, #tpu.memory_space<hbm>>) dst(%dma_wait3A_663 : memref<32768xi32, #tpu.memory_space<vmem>>)
      tpu.yield
    }) : () -> ()
    %swap3A = arith.constant 32768 : index
    %swap3A_4 = tpu.vector_load %arg7[%swap3A] {strides = array<i32>} : memref<32784xi32, #tpu.memory_space<vmem>>, vector<16xi32>,
    %swap3A_5 = vector.shape_cast %swap3A_4 : vector<16xi32> to vector<16xi32>
    %swap3A_6 = vector.shape_cast %broadcast_in_dim3A_1 : vector<16xi32> to vector<16xi32>
    tpu.vector_store %arg7[%swap3A], %swap3A_6 {strides = array<i32>} : memref<32784xi32, #tpu.memory_space<vmem>>, vector<16xi32>,
    %scan3A = arith.constant 0 : i32
    %scan3A_7 = arith.constant 0 : i32
    %scan3A_8 = arith.constant 256 : i32
    %scan3A_9 = arith.addi %scan3A_7, %scan3A_8 : i32
    %scan3A_10 = arith.constant 1 : i32
    scf.for %scan3A_653 = %scan3A_7 to %scan3A_9 step %scan3A_10  : i32 {
      %mul3A_654 = arith.constant 128 : i32
      %mul3A_655 = arith.muli %scan3A_653, %mul3A_654 : i32
      %add3A_656 = arith.constant 0 : i32
      %add3A_657 = arith.addi %mul3A_655, %add3A_656 : i32
      %get3A_658 = arith.index_cast %add3A_657 : i32 to index
      %get3A_659 = tpu.vector_load %arg7[%get3A_658] {strides = array<i32>} : memref<32784xi32, #tpu.memory_space<vmem>>, vector<16xi32>,
      %get3A_660 = vector.shape_cast %get3A_659 : vector<16xi32> to vector<16xi32>
      %add3A_661 = arith.constant 1 : i32
      %add3A_662 = arith.addi %add3A_657, %add3A_661 : i32
      %get3A_663 = arith.index_cast %add3A_662 : i32 to index
      %get3A_664 = tpu.vector_load %arg7[%get3A_663] {strides = array<i32>} : memref<32784xi32, #tpu.memory_space<vmem>>, vector<16xi32>,
      %get3A_665 = vector.shape_cast %get3A_664 : vector<16xi32> to vector<16xi32>
      %mul3A_666 = arith.constant 2048 : i32
      %mul3A_667 = vector.broadcast %mul3A_666 : i32 to vector<16xi32>
      %mul3A_668 = arith.muli %get3A_660, %mul3A_667 : vector<16xi32>
      %add3A_669 = arith.addi %mul3A_668, %get3A_665 : vector<16xi32>
      %swap3A_670 = arith.index_cast %scan3A_653 : i32 to index
      %swap3A_671 = arith.constant 0 : index
      %swap3A_672 = tpu.vector_load %arg8[%swap3A_670, %swap3A_671] {strides = array<i32>} : memref<256x128xi32, #tpu.memory_space<vmem>>, vector<1x16xi32>,
      %swap3A_673 = vector.shape_cast %swap3A_672 : vector<1x16xi32> to vector<16xi32>
      %swap3A_674 = vector.shape_cast %add3A_669 : vector<16xi32> to vector<1x16xi32>
      tpu.vector_store %arg8[%swap3A_670, %swap3A_671], %swap3A_674 {strides = array<i32>} : memref<256x128xi32, #tpu.memory_space<vmem>>, vector<1x16xi32>,
      %mul3A_675 = arith.constant 128 : i32
      %mul3A_676 = arith.muli %scan3A_653, %mul3A_675 : i32
      %add3A_677 = arith.constant 16 : i32
      %add3A_678 = arith.addi %mul3A_676, %add3A_677 : i32
      %get3A_679 = arith.index_cast %add3A_678 : i32 to index
      %get3A_680 = tpu.vector_load %arg7[%get3A_679] {strides = array<i32>} : memref<32784xi32, #tpu.memory_space<vmem>>, vector<16xi32>,
      %get3A_681 = vector.shape_cast %get3A_680 : vector<16xi32> to vector<16xi32>
      %add3A_682 = arith.constant 1 : i32
      %add3A_683 = arith.addi %add3A_678, %add3A_682 : i32
      %get3A_684 = arith.index_cast %add3A_683 : i32 to index
      %get3A_685 = tpu.vector_load %arg7[%get3A_684] {strides = array<i32>} : memref<32784xi32, #tpu.memory_space<vmem>>, vector<16xi32>,
      %get3A_686 = vector.shape_cast %get3A_685 : vector<16xi32> to vector<16xi32>
      %mul3A_687 = arith.constant 2048 : i32
      %mul3A_688 = vector.broadcast %mul3A_687 : i32 to vector<16xi32>
      %mul3A_689 = arith.muli %get3A_681, %mul3A_688 : vector<16xi32>
      %add3A_690 = arith.addi %mul3A_689, %get3A_686 : vector<16xi32>
      %swap3A_691 = arith.index_cast %scan3A_653 : i32 to index
      %swap3A_692 = arith.constant 16 : index
      %swap3A_693 = tpu.vector_load %arg8[%swap3A_691, %swap3A_692] {strides = array<i32>} : memref<256x128xi32, #tpu.memory_space<vmem>>, vector<1x16xi32>,
      %swap3A_694 = vector.shape_cast %swap3A_693 : vector<1x16xi32> to vector<16xi32>
      %swap3A_695 = vector.shape_cast %add3A_690 : vector<16xi32> to vector<1x16xi32>
      tpu.vector_store %arg8[%swap3A_691, %swap3A_692], %swap3A_695 {strides = array<i32>} : memref<256x128xi32, #tpu.memory_space<vmem>>, vector<1x16xi32>,
      %mul3A_696 = arith.constant 128 : i32
      %mul3A_697 = arith.muli %scan3A_653, %mul3A_696 : i32
      %add3A_698 = arith.constant 32 : i32
      %add3A_699 = arith.addi %mul3A_697, %add3A_698 : i32
      %get3A_700 = arith.index_cast %add3A_699 : i32 to index
      %get3A_701 = tpu.vector_load %arg7[%get3A_700] {strides = array<i32>} : memref<32784xi32, #tpu.memory_space<vmem>>, vector<16xi32>,
      %get3A_702 = vector.shape_cast %get3A_701 : vector<16xi32> to vector<16xi32>
      %add3A_703 = arith.constant 1 : i32
      %add3A_704 = arith.addi %add3A_699, %add3A_703 : i32
      %get3A_705 = arith.index_cast %add3A_704 : i32 to index
      %get3A_706 = tpu.vector_load %arg7[%get3A_705] {strides = array<i32>} : memref<32784xi32, #tpu.memory_space<vmem>>, vector<16xi32>,
      %get3A_707 = vector.shape_cast %get3A_706 : vector<16xi32> to vector<16xi32>
      %mul3A_708 = arith.constant 2048 : i32
      %mul3A_709 = vector.broadcast %mul3A_708 : i32 to vector<16xi32>
      %mul3A_710 = arith.muli %get3A_702, %mul3A_709 : vector<16xi32>
      %add3A_711 = arith.addi %mul3A_710, %get3A_707 : vector<16xi32>
      %swap3A_712 = arith.index_cast %scan3A_653 : i32 to index
      %swap3A_713 = arith.constant 32 : index
      %swap3A_714 = tpu.vector_load %arg8[%swap3A_712, %swap3A_713] {strides = array<i32>} : memref<256x128xi32, #tpu.memory_space<vmem>>, vector<1x16xi32>,
      %swap3A_715 = vector.shape_cast %swap3A_714 : vector<1x16xi32> to vector<16xi32>
      %swap3A_716 = vector.shape_cast %add3A_711 : vector<16xi32> to vector<1x16xi32>
      tpu.vector_store %arg8[%swap3A_712, %swap3A_713], %swap3A_716 {strides = array<i32>} : memref<256x128xi32, #tpu.memory_space<vmem>>, vector<1x16xi32>,
      %mul3A_717 = arith.constant 128 : i32
      %mul3A_718 = arith.muli %scan3A_653, %mul3A_717 : i32
      %add3A_719 = arith.constant 48 : i32
      %add3A_720 = arith.addi %mul3A_718, %add3A_719 : i32
      %get3A_721 = arith.index_cast %add3A_720 : i32 to index
      %get3A_722 = tpu.vector_load %arg7[%get3A_721] {strides = array<i32>} : memref<32784xi32, #tpu.memory_space<vmem>>, vector<16xi32>,
      %get3A_723 = vector.shape_cast %get3A_722 : vector<16xi32> to vector<16xi32>
      %add3A_724 = arith.constant 1 : i32
      %add3A_725 = arith.addi %add3A_720, %add3A_724 : i32
      %get3A_726 = arith.index_cast %add3A_725 : i32 to index
      %get3A_727 = tpu.vector_load %arg7[%get3A_726] {strides = array<i32>} : memref<32784xi32, #tpu.memory_space<vmem>>, vector<16xi32>,
      %get3A_728 = vector.shape_cast %get3A_727 : vector<16xi32> to vector<16xi32>
      %mul3A_729 = arith.constant 2048 : i32
      %mul3A_730 = vector.broadcast %mul3A_729 : i32 to vector<16xi32>
      %mul3A_731 = arith.muli %get3A_723, %mul3A_730 : vector<16xi32>
      %add3A_732 = arith.addi %mul3A_731, %get3A_728 : vector<16xi32>
      %swap3A_733 = arith.index_cast %scan3A_653 : i32 to index
      %swap3A_734 = arith.constant 48 : index
      %swap3A_735 = tpu.vector_load %arg8[%swap3A_733, %swap3A_734] {strides = array<i32>} : memref<256x128xi32, #tpu.memory_space<vmem>>, vector<1x16xi32>,
      %swap3A_736 = vector.shape_cast %swap3A_735 : vector<1x16xi32> to vector<16xi32>
      %swap3A_737 = vector.shape_cast %add3A_732 : vector<16xi32> to vector<1x16xi32>
      tpu.vector_store %arg8[%swap3A_733, %swap3A_734], %swap3A_737 {strides = array<i32>} : memref<256x128xi32, #tpu.memory_space<vmem>>, vector<1x16xi32>,
      %mul3A_738 = arith.constant 128 : i32
      %mul3A_739 = arith.muli %scan3A_653, %mul3A_738 : i32
      %add3A_740 = arith.constant 64 : i32
      %add3A_741 = arith.addi %mul3A_739, %add3A_740 : i32
      %get3A_742 = arith.index_cast %add3A_741 : i32 to index
      %get3A_743 = tpu.vector_load %arg7[%get3A_742] {strides = array<i32>} : memref<32784xi32, #tpu.memory_space<vmem>>, vector<16xi32>,
      %get3A_744 = vector.shape_cast %get3A_743 : vector<16xi32> to vector<16xi32>
      %add3A_745 = arith.constant 1 : i32
      %add3A_746 = arith.addi %add3A_741, %add3A_745 : i32
      %get3A_747 = arith.index_cast %add3A_746 : i32 to index
      %get3A_748 = tpu.vector_load %arg7[%get3A_747] {strides = array<i32>} : memref<32784xi32, #tpu.memory_space<vmem>>, vector<16xi32>,
      %get3A_749 = vector.shape_cast %get3A_748 : vector<16xi32> to vector<16xi32>
      %mul3A_750 = arith.constant 2048 : i32
      %mul3A_751 = vector.broadcast %mul3A_750 : i32 to vector<16xi32>
      %mul3A_752 = arith.muli %get3A_744, %mul3A_751 : vector<16xi32>
      %add3A_753 = arith.addi %mul3A_752, %get3A_749 : vector<16xi32>
      %swap3A_754 = arith.index_cast %scan3A_653 : i32 to index
      %swap3A_755 = arith.constant 64 : index
      %swap3A_756 = tpu.vector_load %arg8[%swap3A_754, %swap3A_755] {strides = array<i32>} : memref<256x128xi32, #tpu.memory_space<vmem>>, vector<1x16xi32>,
      %swap3A_757 = vector.shape_cast %swap3A_756 : vector<1x16xi32> to vector<16xi32>
      %swap3A_758 = vector.shape_cast %add3A_753 : vector<16xi32> to vector<1x16xi32>
      tpu.vector_store %arg8[%swap3A_754, %swap3A_755], %swap3A_758 {strides = array<i32>} : memref<256x128xi32, #tpu.memory_space<vmem>>, vector<1x16xi32>,
      %mul3A_759 = arith.constant 128 : i32
      %mul3A_760 = arith.muli %scan3A_653, %mul3A_759 : i32
      %add3A_761 = arith.constant 80 : i32
      %add3A_762 = arith.addi %mul3A_760, %add3A_761 : i32
      %get3A_763 = arith.index_cast %add3A_762 : i32 to index
      %get3A_764 = tpu.vector_load %arg7[%get3A_763] {strides = array<i32>} : memref<32784xi32, #tpu.memory_space<vmem>>, vector<16xi32>,
      %get3A_765 = vector.shape_cast %get3A_764 : vector<16xi32> to vector<16xi32>
      %add3A_766 = arith.constant 1 : i32
      %add3A_767 = arith.addi %add3A_762, %add3A_766 : i32
      %get3A_768 = arith.index_cast %add3A_767 : i32 to index
      %get3A_769 = tpu.vector_load %arg7[%get3A_768] {strides = array<i32>} : memref<32784xi32, #tpu.memory_space<vmem>>, vector<16xi32>,
      %get3A_770 = vector.shape_cast %get3A_769 : vector<16xi32> to vector<16xi32>
      %mul3A_771 = arith.constant 2048 : i32
      %mul3A_772 = vector.broadcast %mul3A_771 : i32 to vector<16xi32>
      %mul3A_773 = arith.muli %get3A_765, %mul3A_772 : vector<16xi32>
      %add3A_774 = arith.addi %mul3A_773, %get3A_770 : vector<16xi32>
      %swap3A_775 = arith.index_cast %scan3A_653 : i32 to index
      %swap3A_776 = arith.constant 80 : index
      %swap3A_777 = tpu.vector_load %arg8[%swap3A_775, %swap3A_776] {strides = array<i32>} : memref<256x128xi32, #tpu.memory_space<vmem>>, vector<1x16xi32>,
      %swap3A_778 = vector.shape_cast %swap3A_777 : vector<1x16xi32> to vector<16xi32>
      %swap3A_779 = vector.shape_cast %add3A_774 : vector<16xi32> to vector<1x16xi32>
      tpu.vector_store %arg8[%swap3A_775, %swap3A_776], %swap3A_779 {strides = array<i32>} : memref<256x128xi32, #tpu.memory_space<vmem>>, vector<1x16xi32>,
      %mul3A_780 = arith.constant 128 : i32
      %mul3A_781 = arith.muli %scan3A_653, %mul3A_780 : i32
      %add3A_782 = arith.constant 96 : i32
      %add3A_783 = arith.addi %mul3A_781, %add3A_782 : i32
      %get3A_784 = arith.index_cast %add3A_783 : i32 to index
      %get3A_785 = tpu.vector_load %arg7[%get3A_784] {strides = array<i32>} : memref<32784xi32, #tpu.memory_space<vmem>>, vector<16xi32>,
      %get3A_786 = vector.shape_cast %get3A_785 : vector<16xi32> to vector<16xi32>
      %add3A_787 = arith.constant 1 : i32
      %add3A_788 = arith.addi %add3A_783, %add3A_787 : i32
      %get3A_789 = arith.index_cast %add3A_788 : i32 to index
      %get3A_790 = tpu.vector_load %arg7[%get3A_789] {strides = array<i32>} : memref<32784xi32, #tpu.memory_space<vmem>>, vector<16xi32>,
      %get3A_791 = vector.shape_cast %get3A_790 : vector<16xi32> to vector<16xi32>
      %mul3A_792 = arith.constant 2048 : i32
      %mul3A_793 = vector.broadcast %mul3A_792 : i32 to vector<16xi32>
      %mul3A_794 = arith.muli %get3A_786, %mul3A_793 : vector<16xi32>
      %add3A_795 = arith.addi %mul3A_794, %get3A_791 : vector<16xi32>
      %swap3A_796 = arith.index_cast %scan3A_653 : i32 to index
      %swap3A_797 = arith.constant 96 : index
      %swap3A_798 = tpu.vector_load %arg8[%swap3A_796, %swap3A_797] {strides = array<i32>} : memref<256x128xi32, #tpu.memory_space<vmem>>, vector<1x16xi32>,
      %swap3A_799 = vector.shape_cast %swap3A_798 : vector<1x16xi32> to vector<16xi32>
      %swap3A_800 = vector.shape_cast %add3A_795 : vector<16xi32> to vector<1x16xi32>
      tpu.vector_store %arg8[%swap3A_796, %swap3A_797], %swap3A_800 {strides = array<i32>} : memref<256x128xi32, #tpu.memory_space<vmem>>, vector<1x16xi32>,
      %mul3A_801 = arith.constant 128 : i32
      %mul3A_802 = arith.muli %scan3A_653, %mul3A_801 : i32
      %add3A_803 = arith.constant 112 : i32
      %add3A_804 = arith.addi %mul3A_802, %add3A_803 : i32
      %get3A_805 = arith.index_cast %add3A_804 : i32 to index
      %get3A_806 = tpu.vector_load %arg7[%get3A_805] {strides = array<i32>} : memref<32784xi32, #tpu.memory_space<vmem>>, vector<16xi32>,
      %get3A_807 = vector.shape_cast %get3A_806 : vector<16xi32> to vector<16xi32>
      %add3A_808 = arith.constant 1 : i32
      %add3A_809 = arith.addi %add3A_804, %add3A_808 : i32
      %get3A_810 = arith.index_cast %add3A_809 : i32 to index
      %get3A_811 = tpu.vector_load %arg7[%get3A_810] {strides = array<i32>} : memref<32784xi32, #tpu.memory_space<vmem>>, vector<16xi32>,
      %get3A_812 = vector.shape_cast %get3A_811 : vector<16xi32> to vector<16xi32>
      %mul3A_813 = arith.constant 2048 : i32
      %mul3A_814 = vector.broadcast %mul3A_813 : i32 to vector<16xi32>
      %mul3A_815 = arith.muli %get3A_807, %mul3A_814 : vector<16xi32>
      %add3A_816 = arith.addi %mul3A_815, %get3A_812 : vector<16xi32>
      %swap3A_817 = arith.index_cast %scan3A_653 : i32 to index
      %swap3A_818 = arith.constant 112 : index
      %swap3A_819 = tpu.vector_load %arg8[%swap3A_817, %swap3A_818] {strides = array<i32>} : memref<256x128xi32, #tpu.memory_space<vmem>>, vector<1x16xi32>,
      %swap3A_820 = vector.shape_cast %swap3A_819 : vector<1x16xi32> to vector<16xi32>
      %swap3A_821 = vector.shape_cast %add3A_816 : vector<16xi32> to vector<1x16xi32>
      tpu.vector_store %arg8[%swap3A_817, %swap3A_818], %swap3A_821 {strides = array<i32>} : memref<256x128xi32, #tpu.memory_space<vmem>>, vector<1x16xi32>,
    }
    %scan3A_11 = arith.constant 256 : i32
    %mul3A_12 = arith.constant 32768 : i32
    %mul3A_13 = arith.muli %add3A, %mul3A_12 : i32
    %add3A_14 = arith.constant 0 : i32
    %add3A_15 = vector.broadcast %add3A_14 : i32 to vector<16xi32>
    %add3A_16 = arith.addi %add3A_15, %iota3A : vector<16xi32>
    %mul3A_17 = arith.constant 256 : i32
    %mul3A_18 = vector.broadcast %mul3A_17 : i32 to vector<16xi32>
    %mul3A_19 = arith.muli %add3A_16, %mul3A_18 : vector<16xi32>
    %add3A_20 = vector.broadcast %mul3A_13 : i32 to vector<16xi32>
    %add3A_21 = arith.addi %add3A_20, %mul3A_19 : vector<16xi32>
    %swap3A_22 = arith.constant 0 : index
    %swap3A_23 = tpu.vector_load %arg14[%swap3A_22] {strides = array<i32>} : memref<128xi32, #tpu.memory_space<vmem>>, vector<16xi32>,
    %swap3A_24 = vector.shape_cast %swap3A_23 : vector<16xi32> to vector<16xi32>
    %swap3A_25 = vector.shape_cast %add3A_21 : vector<16xi32> to vector<16xi32>
    tpu.vector_store %arg14[%swap3A_22], %swap3A_25 {strides = array<i32>} : memref<128xi32, #tpu.memory_space<vmem>>, vector<16xi32>,
    %add3A_26 = arith.constant 255 : i32
    %add3A_27 = vector.broadcast %add3A_26 : i32 to vector<16xi32>
    %add3A_28 = arith.addi %add3A_21, %add3A_27 : vector<16xi32>
    %swap3A_29 = arith.constant 0 : index
    %swap3A_30 = tpu.vector_load %arg15[%swap3A_29] {strides = array<i32>} : memref<128xi32, #tpu.memory_space<vmem>>, vector<16xi32>,
    %swap3A_31 = vector.shape_cast %swap3A_30 : vector<16xi32> to vector<16xi32>
    %swap3A_32 = vector.shape_cast %add3A_28 : vector<16xi32> to vector<16xi32>
    tpu.vector_store %arg15[%swap3A_29], %swap3A_32 {strides = array<i32>} : memref<128xi32, #tpu.memory_space<vmem>>, vector<16xi32>,
    %mul3A_33 = arith.constant 32768 : i32
    %mul3A_34 = arith.muli %add3A, %mul3A_33 : i32
    %add3A_35 = arith.constant 16 : i32
    %add3A_36 = vector.broadcast %add3A_35 : i32 to vector<16xi32>
    %add3A_37 = arith.addi %add3A_36, %iota3A : vector<16xi32>
    %mul3A_38 = arith.constant 256 : i32
    %mul3A_39 = vector.broadcast %mul3A_38 : i32 to vector<16xi32>
    %mul3A_40 = arith.muli %add3A_37, %mul3A_39 : vector<16xi32>
    %add3A_41 = vector.broadcast %mul3A_34 : i32 to vector<16xi32>
    %add3A_42 = arith.addi %add3A_41, %mul3A_40 : vector<16xi32>
    %swap3A_43 = arith.constant 16 : index
    %swap3A_44 = tpu.vector_load %arg14[%swap3A_43] {strides = array<i32>} : memref<128xi32, #tpu.memory_space<vmem>>, vector<16xi32>,
    %swap3A_45 = vector.shape_cast %swap3A_44 : vector<16xi32> to vector<16xi32>
    %swap3A_46 = vector.shape_cast %add3A_42 : vector<16xi32> to vector<16xi32>
    tpu.vector_store %arg14[%swap3A_43], %swap3A_46 {strides = array<i32>} : memref<128xi32, #tpu.memory_space<vmem>>, vector<16xi32>,
    %add3A_47 = arith.constant 255 : i32
    %add3A_48 = vector.broadcast %add3A_47 : i32 to vector<16xi32>
    %add3A_49 = arith.addi %add3A_42, %add3A_48 : vector<16xi32>
    %swap3A_50 = arith.constant 16 : index
    %swap3A_51 = tpu.vector_load %arg15[%swap3A_50] {strides = array<i32>} : memref<128xi32, #tpu.memory_space<vmem>>, vector<16xi32>,
    %swap3A_52 = vector.shape_cast %swap3A_51 : vector<16xi32> to vector<16xi32>
    %swap3A_53 = vector.shape_cast %add3A_49 : vector<16xi32> to vector<16xi32>
    tpu.vector_store %arg15[%swap3A_50], %swap3A_53 {strides = array<i32>} : memref<128xi32, #tpu.memory_space<vmem>>, vector<16xi32>,
    %mul3A_54 = arith.constant 32768 : i32
    %mul3A_55 = arith.muli %add3A, %mul3A_54 : i32
    %add3A_56 = arith.constant 32 : i32
    %add3A_57 = vector.broadcast %add3A_56 : i32 to vector<16xi32>
    %add3A_58 = arith.addi %add3A_57, %iota3A : vector<16xi32>
    %mul3A_59 = arith.constant 256 : i32
    %mul3A_60 = vector.broadcast %mul3A_59 : i32 to vector<16xi32>
    %mul3A_61 = arith.muli %add3A_58, %mul3A_60 : vector<16xi32>
    %add3A_62 = vector.broadcast %mul3A_55 : i32 to vector<16xi32>
    %add3A_63 = arith.addi %add3A_62, %mul3A_61 : vector<16xi32>
    %swap3A_64 = arith.constant 32 : index
    %swap3A_65 = tpu.vector_load %arg14[%swap3A_64] {strides = array<i32>} : memref<128xi32, #tpu.memory_space<vmem>>, vector<16xi32>,
    %swap3A_66 = vector.shape_cast %swap3A_65 : vector<16xi32> to vector<16xi32>
    %swap3A_67 = vector.shape_cast %add3A_63 : vector<16xi32> to vector<16xi32>
    tpu.vector_store %arg14[%swap3A_64], %swap3A_67 {strides = array<i32>} : memref<128xi32, #tpu.memory_space<vmem>>, vector<16xi32>,
    %add3A_68 = arith.constant 255 : i32
    %add3A_69 = vector.broadcast %add3A_68 : i32 to vector<16xi32>
    %add3A_70 = arith.addi %add3A_63, %add3A_69 : vector<16xi32>
    %swap3A_71 = arith.constant 32 : index
    %swap3A_72 = tpu.vector_load %arg15[%swap3A_71] {strides = array<i32>} : memref<128xi32, #tpu.memory_space<vmem>>, vector<16xi32>,
    %swap3A_73 = vector.shape_cast %swap3A_72 : vector<16xi32> to vector<16xi32>
    %swap3A_74 = vector.shape_cast %add3A_70 : vector<16xi32> to vector<16xi32>
    tpu.vector_store %arg15[%swap3A_71], %swap3A_74 {strides = array<i32>} : memref<128xi32, #tpu.memory_space<vmem>>, vector<16xi32>,
    %mul3A_75 = arith.constant 32768 : i32
    %mul3A_76 = arith.muli %add3A, %mul3A_75 : i32
    %add3A_77 = arith.constant 48 : i32
    %add3A_78 = vector.broadcast %add3A_77 : i32 to vector<16xi32>
    %add3A_79 = arith.addi %add3A_78, %iota3A : vector<16xi32>
    %mul3A_80 = arith.constant 256 : i32
    %mul3A_81 = vector.broadcast %mul3A_80 : i32 to vector<16xi32>
    %mul3A_82 = arith.muli %add3A_79, %mul3A_81 : vector<16xi32>
    %add3A_83 = vector.broadcast %mul3A_76 : i32 to vector<16xi32>
    %add3A_84 = arith.addi %add3A_83, %mul3A_82 : vector<16xi32>
    %swap3A_85 = arith.constant 48 : index
    %swap3A_86 = tpu.vector_load %arg14[%swap3A_85] {strides = array<i32>} : memref<128xi32, #tpu.memory_space<vmem>>, vector<16xi32>,
    %swap3A_87 = vector.shape_cast %swap3A_86 : vector<16xi32> to vector<16xi32>
    %swap3A_88 = vector.shape_cast %add3A_84 : vector<16xi32> to vector<16xi32>
    tpu.vector_store %arg14[%swap3A_85], %swap3A_88 {strides = array<i32>} : memref<128xi32, #tpu.memory_space<vmem>>, vector<16xi32>,
    %add3A_89 = arith.constant 255 : i32
    %add3A_90 = vector.broadcast %add3A_89 : i32 to vector<16xi32>
    %add3A_91 = arith.addi %add3A_84, %add3A_90 : vector<16xi32>
    %swap3A_92 = arith.constant 48 : index
    %swap3A_93 = tpu.vector_load %arg15[%swap3A_92] {strides = array<i32>} : memref<128xi32, #tpu.memory_space<vmem>>, vector<16xi32>,
    %swap3A_94 = vector.shape_cast %swap3A_93 : vector<16xi32> to vector<16xi32>
    %swap3A_95 = vector.shape_cast %add3A_91 : vector<16xi32> to vector<16xi32>
    tpu.vector_store %arg15[%swap3A_92], %swap3A_95 {strides = array<i32>} : memref<128xi32, #tpu.memory_space<vmem>>, vector<16xi32>,
    %mul3A_96 = arith.constant 32768 : i32
    %mul3A_97 = arith.muli %add3A, %mul3A_96 : i32
    %add3A_98 = arith.constant 64 : i32
    %add3A_99 = vector.broadcast %add3A_98 : i32 to vector<16xi32>
    %add3A_100 = arith.addi %add3A_99, %iota3A : vector<16xi32>
    %mul3A_101 = arith.constant 256 : i32
    %mul3A_102 = vector.broadcast %mul3A_101 : i32 to vector<16xi32>
    %mul3A_103 = arith.muli %add3A_100, %mul3A_102 : vector<16xi32>
    %add3A_104 = vector.broadcast %mul3A_97 : i32 to vector<16xi32>
    %add3A_105 = arith.addi %add3A_104, %mul3A_103 : vector<16xi32>
    %swap3A_106 = arith.constant 64 : index
    %swap3A_107 = tpu.vector_load %arg14[%swap3A_106] {strides = array<i32>} : memref<128xi32, #tpu.memory_space<vmem>>, vector<16xi32>,
    %swap3A_108 = vector.shape_cast %swap3A_107 : vector<16xi32> to vector<16xi32>
    %swap3A_109 = vector.shape_cast %add3A_105 : vector<16xi32> to vector<16xi32>
    tpu.vector_store %arg14[%swap3A_106], %swap3A_109 {strides = array<i32>} : memref<128xi32, #tpu.memory_space<vmem>>, vector<16xi32>,
    %add3A_110 = arith.constant 255 : i32
    %add3A_111 = vector.broadcast %add3A_110 : i32 to vector<16xi32>
    %add3A_112 = arith.addi %add3A_105, %add3A_111 : vector<16xi32>
    %swap3A_113 = arith.constant 64 : index
    %swap3A_114 = tpu.vector_load %arg15[%swap3A_113] {strides = array<i32>} : memref<128xi32, #tpu.memory_space<vmem>>, vector<16xi32>,
    %swap3A_115 = vector.shape_cast %swap3A_114 : vector<16xi32> to vector<16xi32>
    %swap3A_116 = vector.shape_cast %add3A_112 : vector<16xi32> to vector<16xi32>
    tpu.vector_store %arg15[%swap3A_113], %swap3A_116 {strides = array<i32>} : memref<128xi32, #tpu.memory_space<vmem>>, vector<16xi32>,
    %mul3A_117 = arith.constant 32768 : i32
    %mul3A_118 = arith.muli %add3A, %mul3A_117 : i32
    %add3A_119 = arith.constant 80 : i32
    %add3A_120 = vector.broadcast %add3A_119 : i32 to vector<16xi32>
    %add3A_121 = arith.addi %add3A_120, %iota3A : vector<16xi32>
    %mul3A_122 = arith.constant 256 : i32
    %mul3A_123 = vector.broadcast %mul3A_122 : i32 to vector<16xi32>
    %mul3A_124 = arith.muli %add3A_121, %mul3A_123 : vector<16xi32>
    %add3A_125 = vector.broadcast %mul3A_118 : i32 to vector<16xi32>
    %add3A_126 = arith.addi %add3A_125, %mul3A_124 : vector<16xi32>
    %swap3A_127 = arith.constant 80 : index
    %swap3A_128 = tpu.vector_load %arg14[%swap3A_127] {strides = array<i32>} : memref<128xi32, #tpu.memory_space<vmem>>, vector<16xi32>,
    %swap3A_129 = vector.shape_cast %swap3A_128 : vector<16xi32> to vector<16xi32>
    %swap3A_130 = vector.shape_cast %add3A_126 : vector<16xi32> to vector<16xi32>
    tpu.vector_store %arg14[%swap3A_127], %swap3A_130 {strides = array<i32>} : memref<128xi32, #tpu.memory_space<vmem>>, vector<16xi32>,
    %add3A_131 = arith.constant 255 : i32
    %add3A_132 = vector.broadcast %add3A_131 : i32 to vector<16xi32>
    %add3A_133 = arith.addi %add3A_126, %add3A_132 : vector<16xi32>
    %swap3A_134 = arith.constant 80 : index
    %swap3A_135 = tpu.vector_load %arg15[%swap3A_134] {strides = array<i32>} : memref<128xi32, #tpu.memory_space<vmem>>, vector<16xi32>,
    %swap3A_136 = vector.shape_cast %swap3A_135 : vector<16xi32> to vector<16xi32>
    %swap3A_137 = vector.shape_cast %add3A_133 : vector<16xi32> to vector<16xi32>
    tpu.vector_store %arg15[%swap3A_134], %swap3A_137 {strides = array<i32>} : memref<128xi32, #tpu.memory_space<vmem>>, vector<16xi32>,
    %mul3A_138 = arith.constant 32768 : i32
    %mul3A_139 = arith.muli %add3A, %mul3A_138 : i32
    %add3A_140 = arith.constant 96 : i32
    %add3A_141 = vector.broadcast %add3A_140 : i32 to vector<16xi32>
    %add3A_142 = arith.addi %add3A_141, %iota3A : vector<16xi32>
    %mul3A_143 = arith.constant 256 : i32
    %mul3A_144 = vector.broadcast %mul3A_143 : i32 to vector<16xi32>
    %mul3A_145 = arith.muli %add3A_142, %mul3A_144 : vector<16xi32>
    %add3A_146 = vector.broadcast %mul3A_139 : i32 to vector<16xi32>
    %add3A_147 = arith.addi %add3A_146, %mul3A_145 : vector<16xi32>
    %swap3A_148 = arith.constant 96 : index
    %swap3A_149 = tpu.vector_load %arg14[%swap3A_148] {strides = array<i32>} : memref<128xi32, #tpu.memory_space<vmem>>, vector<16xi32>,
    %swap3A_150 = vector.shape_cast %swap3A_149 : vector<16xi32> to vector<16xi32>
    %swap3A_151 = vector.shape_cast %add3A_147 : vector<16xi32> to vector<16xi32>
    tpu.vector_store %arg14[%swap3A_148], %swap3A_151 {strides = array<i32>} : memref<128xi32, #tpu.memory_space<vmem>>, vector<16xi32>,
    %add3A_152 = arith.constant 255 : i32
    %add3A_153 = vector.broadcast %add3A_152 : i32 to vector<16xi32>
    %add3A_154 = arith.addi %add3A_147, %add3A_153 : vector<16xi32>
    %swap3A_155 = arith.constant 96 : index
    %swap3A_156 = tpu.vector_load %arg15[%swap3A_155] {strides = array<i32>} : memref<128xi32, #tpu.memory_space<vmem>>, vector<16xi32>,
    %swap3A_157 = vector.shape_cast %swap3A_156 : vector<16xi32> to vector<16xi32>
    %swap3A_158 = vector.shape_cast %add3A_154 : vector<16xi32> to vector<16xi32>
    tpu.vector_store %arg15[%swap3A_155], %swap3A_158 {strides = array<i32>} : memref<128xi32, #tpu.memory_space<vmem>>, vector<16xi32>,
    %mul3A_159 = arith.constant 32768 : i32
    %mul3A_160 = arith.muli %add3A, %mul3A_159 : i32
    %add3A_161 = arith.constant 112 : i32
    %add3A_162 = vector.broadcast %add3A_161 : i32 to vector<16xi32>
    %add3A_163 = arith.addi %add3A_162, %iota3A : vector<16xi32>
    %mul3A_164 = arith.constant 256 : i32
    %mul3A_165 = vector.broadcast %mul3A_164 : i32 to vector<16xi32>
    %mul3A_166 = arith.muli %add3A_163, %mul3A_165 : vector<16xi32>
    %add3A_167 = vector.broadcast %mul3A_160 : i32 to vector<16xi32>
    %add3A_168 = arith.addi %add3A_167, %mul3A_166 : vector<16xi32>
    %swap3A_169 = arith.constant 112 : index
    %swap3A_170 = tpu.vector_load %arg14[%swap3A_169] {strides = array<i32>} : memref<128xi32, #tpu.memory_space<vmem>>, vector<16xi32>,
    %swap3A_171 = vector.shape_cast %swap3A_170 : vector<16xi32> to vector<16xi32>
    %swap3A_172 = vector.shape_cast %add3A_168 : vector<16xi32> to vector<16xi32>
    tpu.vector_store %arg14[%swap3A_169], %swap3A_172 {strides = array<i32>} : memref<128xi32, #tpu.memory_space<vmem>>, vector<16xi32>,
    %add3A_173 = arith.constant 255 : i32
    %add3A_174 = vector.broadcast %add3A_173 : i32 to vector<16xi32>
    %add3A_175 = arith.addi %add3A_168, %add3A_174 : vector<16xi32>
    %swap3A_176 = arith.constant 112 : index
    %swap3A_177 = tpu.vector_load %arg15[%swap3A_176] {strides = array<i32>} : memref<128xi32, #tpu.memory_space<vmem>>, vector<16xi32>,
    %swap3A_178 = vector.shape_cast %swap3A_177 : vector<16xi32> to vector<16xi32>
    %swap3A_179 = vector.shape_cast %add3A_175 : vector<16xi32> to vector<16xi32>
    tpu.vector_store %arg15[%swap3A_176], %swap3A_179 {strides = array<i32>} : memref<128xi32, #tpu.memory_space<vmem>>, vector<16xi32>,
    %mul3A_180 = arith.constant 64 : i32
    %mul3A_181 = arith.muli %add3A, %mul3A_180 : i32
    %add3A_182 = arith.constant 0 : i32
    %add3A_183 = arith.addi %mul3A_181, %add3A_182 : i32
    %add3A_184 = vector.broadcast %add3A_183 : i32 to vector<16xi32>
    %add3A_185 = arith.addi %add3A_184, %iota3A : vector<16xi32>
    %lt3A = arith.constant 2047 : i32
    %lt3A_186 = vector.broadcast %lt3A : i32 to vector<16xi32>
    %lt3A_187 = arith.cmpi slt, %add3A_185, %lt3A_186 : vector<16xi32>
    %mul3A_188 = arith.constant 2049 : i32
    %mul3A_189 = vector.broadcast %mul3A_188 : i32 to vector<16xi32>
    %mul3A_190 = arith.muli %add3A_185, %mul3A_189 : vector<16xi32>
    %add3A_191 = arith.constant 1 : i32
    %add3A_192 = vector.broadcast %add3A_191 : i32 to vector<16xi32>
    %add3A_193 = arith.addi %mul3A_190, %add3A_192 : vector<16xi32>
    %jit3A = arith.constant 0 : i32
    %broadcast_in_dim3A_194 = vector.broadcast %jit3A : i32 to vector<16xi32>
    %select_n3A = arith.select %lt3A_187, %add3A_193, %broadcast_in_dim3A_194 : vector<16xi1>, vector<16xi32>
    %swap3A_195 = arith.constant 0 : index
    %swap3A_196 = tpu.vector_load %arg16[%swap3A_195] {strides = array<i32>} : memref<64xi32, #tpu.memory_space<vmem>>, vector<16xi32>,
    %swap3A_197 = vector.shape_cast %swap3A_196 : vector<16xi32> to vector<16xi32>
    %swap3A_198 = vector.shape_cast %select_n3A : vector<16xi32> to vector<16xi32>
    tpu.vector_store %arg16[%swap3A_195], %swap3A_198 {strides = array<i32>} : memref<64xi32, #tpu.memory_space<vmem>>, vector<16xi32>,
    %mul3A_199 = arith.constant 64 : i32
    %mul3A_200 = arith.muli %add3A, %mul3A_199 : i32
    %add3A_201 = arith.constant 16 : i32
    %add3A_202 = arith.addi %mul3A_200, %add3A_201 : i32
    %add3A_203 = vector.broadcast %add3A_202 : i32 to vector<16xi32>
    %add3A_204 = arith.addi %add3A_203, %iota3A : vector<16xi32>
    %lt3A_205 = arith.constant 2047 : i32
    %lt3A_206 = vector.broadcast %lt3A_205 : i32 to vector<16xi32>
    %lt3A_207 = arith.cmpi slt, %add3A_204, %lt3A_206 : vector<16xi32>
    %mul3A_208 = arith.constant 2049 : i32
    %mul3A_209 = vector.broadcast %mul3A_208 : i32 to vector<16xi32>
    %mul3A_210 = arith.muli %add3A_204, %mul3A_209 : vector<16xi32>
    %add3A_211 = arith.constant 1 : i32
    %add3A_212 = vector.broadcast %add3A_211 : i32 to vector<16xi32>
    %add3A_213 = arith.addi %mul3A_210, %add3A_212 : vector<16xi32>
    %jit3A_214 = arith.constant 0 : i32
    %broadcast_in_dim3A_215 = vector.broadcast %jit3A_214 : i32 to vector<16xi32>
    %select_n3A_216 = arith.select %lt3A_207, %add3A_213, %broadcast_in_dim3A_215 : vector<16xi1>, vector<16xi32>
    %swap3A_217 = arith.constant 16 : index
    %swap3A_218 = tpu.vector_load %arg16[%swap3A_217] {strides = array<i32>} : memref<64xi32, #tpu.memory_space<vmem>>, vector<16xi32>,
    %swap3A_219 = vector.shape_cast %swap3A_218 : vector<16xi32> to vector<16xi32>
    %swap3A_220 = vector.shape_cast %select_n3A_216 : vector<16xi32> to vector<16xi32>
    tpu.vector_store %arg16[%swap3A_217], %swap3A_220 {strides = array<i32>} : memref<64xi32, #tpu.memory_space<vmem>>, vector<16xi32>,
    %mul3A_221 = arith.constant 64 : i32
    %mul3A_222 = arith.muli %add3A, %mul3A_221 : i32
    %add3A_223 = arith.constant 32 : i32
    %add3A_224 = arith.addi %mul3A_222, %add3A_223 : i32
    %add3A_225 = vector.broadcast %add3A_224 : i32 to vector<16xi32>
    %add3A_226 = arith.addi %add3A_225, %iota3A : vector<16xi32>
    %lt3A_227 = arith.constant 2047 : i32
    %lt3A_228 = vector.broadcast %lt3A_227 : i32 to vector<16xi32>
    %lt3A_229 = arith.cmpi slt, %add3A_226, %lt3A_228 : vector<16xi32>
    %mul3A_230 = arith.constant 2049 : i32
    %mul3A_231 = vector.broadcast %mul3A_230 : i32 to vector<16xi32>
    %mul3A_232 = arith.muli %add3A_226, %mul3A_231 : vector<16xi32>
    %add3A_233 = arith.constant 1 : i32
    %add3A_234 = vector.broadcast %add3A_233 : i32 to vector<16xi32>
    %add3A_235 = arith.addi %mul3A_232, %add3A_234 : vector<16xi32>
    %jit3A_236 = arith.constant 0 : i32
    %broadcast_in_dim3A_237 = vector.broadcast %jit3A_236 : i32 to vector<16xi32>
    %select_n3A_238 = arith.select %lt3A_229, %add3A_235, %broadcast_in_dim3A_237 : vector<16xi1>, vector<16xi32>
    %swap3A_239 = arith.constant 32 : index
    %swap3A_240 = tpu.vector_load %arg16[%swap3A_239] {strides = array<i32>} : memref<64xi32, #tpu.memory_space<vmem>>, vector<16xi32>,
    %swap3A_241 = vector.shape_cast %swap3A_240 : vector<16xi32> to vector<16xi32>
    %swap3A_242 = vector.shape_cast %select_n3A_238 : vector<16xi32> to vector<16xi32>
    tpu.vector_store %arg16[%swap3A_239], %swap3A_242 {strides = array<i32>} : memref<64xi32, #tpu.memory_space<vmem>>, vector<16xi32>,
    %mul3A_243 = arith.constant 64 : i32
    %mul3A_244 = arith.muli %add3A, %mul3A_243 : i32
    %add3A_245 = arith.constant 48 : i32
    %add3A_246 = arith.addi %mul3A_244, %add3A_245 : i32
    %add3A_247 = vector.broadcast %add3A_246 : i32 to vector<16xi32>
    %add3A_248 = arith.addi %add3A_247, %iota3A : vector<16xi32>
    %lt3A_249 = arith.constant 2047 : i32
    %lt3A_250 = vector.broadcast %lt3A_249 : i32 to vector<16xi32>
    %lt3A_251 = arith.cmpi slt, %add3A_248, %lt3A_250 : vector<16xi32>
    %mul3A_252 = arith.constant 2049 : i32
    %mul3A_253 = vector.broadcast %mul3A_252 : i32 to vector<16xi32>
    %mul3A_254 = arith.muli %add3A_248, %mul3A_253 : vector<16xi32>
    %add3A_255 = arith.constant 1 : i32
    %add3A_256 = vector.broadcast %add3A_255 : i32 to vector<16xi32>
    %add3A_257 = arith.addi %mul3A_254, %add3A_256 : vector<16xi32>
    %jit3A_258 = arith.constant 0 : i32
    %broadcast_in_dim3A_259 = vector.broadcast %jit3A_258 : i32 to vector<16xi32>
    %select_n3A_260 = arith.select %lt3A_251, %add3A_257, %broadcast_in_dim3A_259 : vector<16xi1>, vector<16xi32>
    %swap3A_261 = arith.constant 48 : index
    %swap3A_262 = tpu.vector_load %arg16[%swap3A_261] {strides = array<i32>} : memref<64xi32, #tpu.memory_space<vmem>>, vector<16xi32>,
    %swap3A_263 = vector.shape_cast %swap3A_262 : vector<16xi32> to vector<16xi32>
    %swap3A_264 = vector.shape_cast %select_n3A_260 : vector<16xi32> to vector<16xi32>
    tpu.vector_store %arg16[%swap3A_261], %swap3A_264 {strides = array<i32>} : memref<64xi32, #tpu.memory_space<vmem>>, vector<16xi32>,
    %dma_start3A = arith.constant 0 : i32
    %dma_start3A_265 = tpu.memref_slice %arg5[%dma_start3A] : memref<1048576xi32, #tpu.memory_space<hbm>> -> memref<1048576xi32, #tpu.memory_space<hbm>>
    tpu.enqueue_indirect_dma source(%dma_start3A_265 : memref<1048576xi32, #tpu.memory_space<hbm>>) target(%arg10 : memref<128xi32, #tpu.memory_space<vmem>>) offsets(%arg14 : memref<128xi32, #tpu.memory_space<vmem>>) semaphore(%arg23 : memref<!tpu.dma_semaphore, #tpu.memory_space<semaphore_mem>>)
    %dma_start3A_266 = arith.constant 0 : i32
    %dma_start3A_267 = tpu.memref_slice %arg5[%dma_start3A_266] : memref<1048576xi32, #tpu.memory_space<hbm>> -> memref<1048576xi32, #tpu.memory_space<hbm>>
    tpu.enqueue_indirect_dma source(%dma_start3A_267 : memref<1048576xi32, #tpu.memory_space<hbm>>) target(%arg11 : memref<128xi32, #tpu.memory_space<vmem>>) offsets(%arg15 : memref<128xi32, #tpu.memory_space<vmem>>) semaphore(%arg23 : memref<!tpu.dma_semaphore, #tpu.memory_space<semaphore_mem>>)
    %dma_start3A_268 = arith.constant 0 : i32
    %dma_start3A_269 = tpu.memref_slice %arg2[%dma_start3A_268] : memref<4194304xf32, #tpu.memory_space<hbm>> -> memref<4194304xf32, #tpu.memory_space<hbm>>
    tpu.enqueue_indirect_dma source(%dma_start3A_269 : memref<4194304xf32, #tpu.memory_space<hbm>>) target(%arg17 : memref<64xf32, #tpu.memory_space<vmem>>) offsets(%arg16 : memref<64xi32, #tpu.memory_space<vmem>>) semaphore(%arg23 : memref<!tpu.dma_semaphore, #tpu.memory_space<semaphore_mem>>)
    %dma_start3A_270 = arith.constant 0 : i32
    %dma_start3A_271 = tpu.memref_slice %arg3[%dma_start3A_270] : memref<2048xf32, #tpu.memory_space<hbm>> -> memref<2048xf32, #tpu.memory_space<hbm>>
    tpu.enqueue_indirect_dma source(%dma_start3A_271 : memref<2048xf32, #tpu.memory_space<hbm>>) target(%arg18 : memref<16xf32, #tpu.memory_space<vmem>>) offsets(%broadcast_in_dim3A_1 : vector<16xi32>) semaphore(%arg23 : memref<!tpu.dma_semaphore, #tpu.memory_space<semaphore_mem>>)
    %add3A_272 = arith.constant 2047 : i32
    %add3A_273 = vector.broadcast %add3A_272 : i32 to vector<16xi32>
    %add3A_274 = arith.addi %broadcast_in_dim3A_1, %add3A_273 : vector<16xi32>
    %dma_start3A_275 = arith.constant 0 : i32
    %dma_start3A_276 = tpu.memref_slice %arg4[%dma_start3A_275] : memref<2048xf32, #tpu.memory_space<hbm>> -> memref<2048xf32, #tpu.memory_space<hbm>>
    tpu.enqueue_indirect_dma source(%dma_start3A_276 : memref<2048xf32, #tpu.memory_space<hbm>>) target(%arg19 : memref<16xf32, #tpu.memory_space<vmem>>) offsets(%add3A_274 : vector<16xi32>) semaphore(%arg23 : memref<!tpu.dma_semaphore, #tpu.memory_space<semaphore_mem>>)
    %dma_start3A_277 = arith.constant 0 : i32
    %dma_start3A_278 = arith.constant 0 : i32
    %dma_start3A_279 = arith.constant 0 : i32
    %dma_start3A_280 = tpu.memref_slice %arg9[%dma_start3A_278, %dma_start3A_279] : memref<16x128xf32, #tpu.memory_space<vmem>> -> memref<1x128xf32, #tpu.memory_space<vmem>>
    %dma_start3A_281 = tpu.memref_squeeze %dma_start3A_280 : memref<1x128xf32, #tpu.memory_space<vmem>> -> memref<128xf32, #tpu.memory_space<vmem>>
    %dma_start3A_282 = arith.constant 0 : i32
    %dma_start3A_283 = tpu.memref_slice %arg8[%dma_start3A_277, %dma_start3A_282] : memref<256x128xi32, #tpu.memory_space<vmem>> -> memref<1x128xi32, #tpu.memory_space<vmem>>
    %dma_start3A_284 = tpu.memref_squeeze %dma_start3A_283 : memref<1x128xi32, #tpu.memory_space<vmem>> -> memref<128xi32, #tpu.memory_space<vmem>>
    %dma_start3A_285 = arith.constant 0 : i32
    %dma_start3A_286 = tpu.memref_slice %arg2[%dma_start3A_285] : memref<4194304xf32, #tpu.memory_space<hbm>> -> memref<4194304xf32, #tpu.memory_space<hbm>>
    tpu.enqueue_indirect_dma source(%dma_start3A_286 : memref<4194304xf32, #tpu.memory_space<hbm>>) target(%dma_start3A_281 : memref<128xf32, #tpu.memory_space<vmem>>) offsets(%dma_start3A_284 : memref<128xi32, #tpu.memory_space<vmem>>) semaphore(%arg21 : memref<!tpu.dma_semaphore, #tpu.memory_space<semaphore_mem>>)
    %dma_start3A_287 = arith.constant 1 : i32
    %dma_start3A_288 = arith.constant 1 : i32
    %dma_start3A_289 = arith.constant 0 : i32
    %dma_start3A_290 = tpu.memref_slice %arg9[%dma_start3A_288, %dma_start3A_289] : memref<16x128xf32, #tpu.memory_space<vmem>> -> memref<1x128xf32, #tpu.memory_space<vmem>>
    %dma_start3A_291 = tpu.memref_squeeze %dma_start3A_290 : memref<1x128xf32, #tpu.memory_space<vmem>> -> memref<128xf32, #tpu.memory_space<vmem>>
    %dma_start3A_292 = arith.constant 0 : i32
    %dma_start3A_293 = tpu.memref_slice %arg8[%dma_start3A_287, %dma_start3A_292] : memref<256x128xi32, #tpu.memory_space<vmem>> -> memref<1x128xi32, #tpu.memory_space<vmem>>
    %dma_start3A_294 = tpu.memref_squeeze %dma_start3A_293 : memref<1x128xi32, #tpu.memory_space<vmem>> -> memref<128xi32, #tpu.memory_space<vmem>>
    %dma_start3A_295 = arith.constant 0 : i32
    %dma_start3A_296 = tpu.memref_slice %arg2[%dma_start3A_295] : memref<4194304xf32, #tpu.memory_space<hbm>> -> memref<4194304xf32, #tpu.memory_space<hbm>>
    tpu.enqueue_indirect_dma source(%dma_start3A_296 : memref<4194304xf32, #tpu.memory_space<hbm>>) target(%dma_start3A_291 : memref<128xf32, #tpu.memory_space<vmem>>) offsets(%dma_start3A_294 : memref<128xi32, #tpu.memory_space<vmem>>) semaphore(%arg21 : memref<!tpu.dma_semaphore, #tpu.memory_space<semaphore_mem>>)
    %dma_start3A_297 = arith.constant 2 : i32
    %dma_start3A_298 = arith.constant 2 : i32
    %dma_start3A_299 = arith.constant 0 : i32
    %dma_start3A_300 = tpu.memref_slice %arg9[%dma_start3A_298, %dma_start3A_299] : memref<16x128xf32, #tpu.memory_space<vmem>> -> memref<1x128xf32, #tpu.memory_space<vmem>>
    %dma_start3A_301 = tpu.memref_squeeze %dma_start3A_300 : memref<1x128xf32, #tpu.memory_space<vmem>> -> memref<128xf32, #tpu.memory_space<vmem>>
    %dma_start3A_302 = arith.constant 0 : i32
    %dma_start3A_303 = tpu.memref_slice %arg8[%dma_start3A_297, %dma_start3A_302] : memref<256x128xi32, #tpu.memory_space<vmem>> -> memref<1x128xi32, #tpu.memory_space<vmem>>
    %dma_start3A_304 = tpu.memref_squeeze %dma_start3A_303 : memref<1x128xi32, #tpu.memory_space<vmem>> -> memref<128xi32, #tpu.memory_space<vmem>>
    %dma_start3A_305 = arith.constant 0 : i32
    %dma_start3A_306 = tpu.memref_slice %arg2[%dma_start3A_305] : memref<4194304xf32, #tpu.memory_space<hbm>> -> memref<4194304xf32, #tpu.memory_space<hbm>>
    tpu.enqueue_indirect_dma source(%dma_start3A_306 : memref<4194304xf32, #tpu.memory_space<hbm>>) target(%dma_start3A_301 : memref<128xf32, #tpu.memory_space<vmem>>) offsets(%dma_start3A_304 : memref<128xi32, #tpu.memory_space<vmem>>) semaphore(%arg21 : memref<!tpu.dma_semaphore, #tpu.memory_space<semaphore_mem>>)
    %dma_start3A_307 = arith.constant 3 : i32
    %dma_start3A_308 = arith.constant 3 : i32
    %dma_start3A_309 = arith.constant 0 : i32
    %dma_start3A_310 = tpu.memref_slice %arg9[%dma_start3A_308, %dma_start3A_309] : memref<16x128xf32, #tpu.memory_space<vmem>> -> memref<1x128xf32, #tpu.memory_space<vmem>>
    %dma_start3A_311 = tpu.memref_squeeze %dma_start3A_310 : memref<1x128xf32, #tpu.memory_space<vmem>> -> memref<128xf32, #tpu.memory_space<vmem>>
    %dma_start3A_312 = arith.constant 0 : i32
    %dma_start3A_313 = tpu.memref_slice %arg8[%dma_start3A_307, %dma_start3A_312] : memref<256x128xi32, #tpu.memory_space<vmem>> -> memref<1x128xi32, #tpu.memory_space<vmem>>
    %dma_start3A_314 = tpu.memref_squeeze %dma_start3A_313 : memref<1x128xi32, #tpu.memory_space<vmem>> -> memref<128xi32, #tpu.memory_space<vmem>>
    %dma_start3A_315 = arith.constant 0 : i32
    %dma_start3A_316 = tpu.memref_slice %arg2[%dma_start3A_315] : memref<4194304xf32, #tpu.memory_space<hbm>> -> memref<4194304xf32, #tpu.memory_space<hbm>>
    tpu.enqueue_indirect_dma source(%dma_start3A_316 : memref<4194304xf32, #tpu.memory_space<hbm>>) target(%dma_start3A_311 : memref<128xf32, #tpu.memory_space<vmem>>) offsets(%dma_start3A_314 : memref<128xi32, #tpu.memory_space<vmem>>) semaphore(%arg21 : memref<!tpu.dma_semaphore, #tpu.memory_space<semaphore_mem>>)
    %dma_start3A_317 = arith.constant 4 : i32
    %dma_start3A_318 = arith.constant 4 : i32
    %dma_start3A_319 = arith.constant 0 : i32
    %dma_start3A_320 = tpu.memref_slice %arg9[%dma_start3A_318, %dma_start3A_319] : memref<16x128xf32, #tpu.memory_space<vmem>> -> memref<1x128xf32, #tpu.memory_space<vmem>>
    %dma_start3A_321 = tpu.memref_squeeze %dma_start3A_320 : memref<1x128xf32, #tpu.memory_space<vmem>> -> memref<128xf32, #tpu.memory_space<vmem>>
    %dma_start3A_322 = arith.constant 0 : i32
    %dma_start3A_323 = tpu.memref_slice %arg8[%dma_start3A_317, %dma_start3A_322] : memref<256x128xi32, #tpu.memory_space<vmem>> -> memref<1x128xi32, #tpu.memory_space<vmem>>
    %dma_start3A_324 = tpu.memref_squeeze %dma_start3A_323 : memref<1x128xi32, #tpu.memory_space<vmem>> -> memref<128xi32, #tpu.memory_space<vmem>>
    %dma_start3A_325 = arith.constant 0 : i32
    %dma_start3A_326 = tpu.memref_slice %arg2[%dma_start3A_325] : memref<4194304xf32, #tpu.memory_space<hbm>> -> memref<4194304xf32, #tpu.memory_space<hbm>>
    tpu.enqueue_indirect_dma source(%dma_start3A_326 : memref<4194304xf32, #tpu.memory_space<hbm>>) target(%dma_start3A_321 : memref<128xf32, #tpu.memory_space<vmem>>) offsets(%dma_start3A_324 : memref<128xi32, #tpu.memory_space<vmem>>) semaphore(%arg21 : memref<!tpu.dma_semaphore, #tpu.memory_space<semaphore_mem>>)
    %dma_start3A_327 = arith.constant 5 : i32
    %dma_start3A_328 = arith.constant 5 : i32
    %dma_start3A_329 = arith.constant 0 : i32
    %dma_start3A_330 = tpu.memref_slice %arg9[%dma_start3A_328, %dma_start3A_329] : memref<16x128xf32, #tpu.memory_space<vmem>> -> memref<1x128xf32, #tpu.memory_space<vmem>>
    %dma_start3A_331 = tpu.memref_squeeze %dma_start3A_330 : memref<1x128xf32, #tpu.memory_space<vmem>> -> memref<128xf32, #tpu.memory_space<vmem>>
    %dma_start3A_332 = arith.constant 0 : i32
    %dma_start3A_333 = tpu.memref_slice %arg8[%dma_start3A_327, %dma_start3A_332] : memref<256x128xi32, #tpu.memory_space<vmem>> -> memref<1x128xi32, #tpu.memory_space<vmem>>
    %dma_start3A_334 = tpu.memref_squeeze %dma_start3A_333 : memref<1x128xi32, #tpu.memory_space<vmem>> -> memref<128xi32, #tpu.memory_space<vmem>>
    %dma_start3A_335 = arith.constant 0 : i32
    %dma_start3A_336 = tpu.memref_slice %arg2[%dma_start3A_335] : memref<4194304xf32, #tpu.memory_space<hbm>> -> memref<4194304xf32, #tpu.memory_space<hbm>>
    tpu.enqueue_indirect_dma source(%dma_start3A_336 : memref<4194304xf32, #tpu.memory_space<hbm>>) target(%dma_start3A_331 : memref<128xf32, #tpu.memory_space<vmem>>) offsets(%dma_start3A_334 : memref<128xi32, #tpu.memory_space<vmem>>) semaphore(%arg21 : memref<!tpu.dma_semaphore, #tpu.memory_space<semaphore_mem>>)
    %dma_start3A_337 = arith.constant 6 : i32
    %dma_start3A_338 = arith.constant 6 : i32
    %dma_start3A_339 = arith.constant 0 : i32
    %dma_start3A_340 = tpu.memref_slice %arg9[%dma_start3A_338, %dma_start3A_339] : memref<16x128xf32, #tpu.memory_space<vmem>> -> memref<1x128xf32, #tpu.memory_space<vmem>>
    %dma_start3A_341 = tpu.memref_squeeze %dma_start3A_340 : memref<1x128xf32, #tpu.memory_space<vmem>> -> memref<128xf32, #tpu.memory_space<vmem>>
    %dma_start3A_342 = arith.constant 0 : i32
    %dma_start3A_343 = tpu.memref_slice %arg8[%dma_start3A_337, %dma_start3A_342] : memref<256x128xi32, #tpu.memory_space<vmem>> -> memref<1x128xi32, #tpu.memory_space<vmem>>
    %dma_start3A_344 = tpu.memref_squeeze %dma_start3A_343 : memref<1x128xi32, #tpu.memory_space<vmem>> -> memref<128xi32, #tpu.memory_space<vmem>>
    %dma_start3A_345 = arith.constant 0 : i32
    %dma_start3A_346 = tpu.memref_slice %arg2[%dma_start3A_345] : memref<4194304xf32, #tpu.memory_space<hbm>> -> memref<4194304xf32, #tpu.memory_space<hbm>>
    tpu.enqueue_indirect_dma source(%dma_start3A_346 : memref<4194304xf32, #tpu.memory_space<hbm>>) target(%dma_start3A_341 : memref<128xf32, #tpu.memory_space<vmem>>) offsets(%dma_start3A_344 : memref<128xi32, #tpu.memory_space<vmem>>) semaphore(%arg21 : memref<!tpu.dma_semaphore, #tpu.memory_space<semaphore_mem>>)
    %dma_start3A_347 = arith.constant 7 : i32
    %dma_start3A_348 = arith.constant 7 : i32
    %dma_start3A_349 = arith.constant 0 : i32
    %dma_start3A_350 = tpu.memref_slice %arg9[%dma_start3A_348, %dma_start3A_349] : memref<16x128xf32, #tpu.memory_space<vmem>> -> memref<1x128xf32, #tpu.memory_space<vmem>>
    %dma_start3A_351 = tpu.memref_squeeze %dma_start3A_350 : memref<1x128xf32, #tpu.memory_space<vmem>> -> memref<128xf32, #tpu.memory_space<vmem>>
    %dma_start3A_352 = arith.constant 0 : i32
    %dma_start3A_353 = tpu.memref_slice %arg8[%dma_start3A_347, %dma_start3A_352] : memref<256x128xi32, #tpu.memory_space<vmem>> -> memref<1x128xi32, #tpu.memory_space<vmem>>
    %dma_start3A_354 = tpu.memref_squeeze %dma_start3A_353 : memref<1x128xi32, #tpu.memory_space<vmem>> -> memref<128xi32, #tpu.memory_space<vmem>>
    %dma_start3A_355 = arith.constant 0 : i32
    %dma_start3A_356 = tpu.memref_slice %arg2[%dma_start3A_355] : memref<4194304xf32, #tpu.memory_space<hbm>> -> memref<4194304xf32, #tpu.memory_space<hbm>>
    tpu.enqueue_indirect_dma source(%dma_start3A_356 : memref<4194304xf32, #tpu.memory_space<hbm>>) target(%dma_start3A_351 : memref<128xf32, #tpu.memory_space<vmem>>) offsets(%dma_start3A_354 : memref<128xi32, #tpu.memory_space<vmem>>) semaphore(%arg21 : memref<!tpu.dma_semaphore, #tpu.memory_space<semaphore_mem>>)
    %dma_start3A_357 = arith.constant 8 : i32
    %dma_start3A_358 = arith.constant 8 : i32
    %dma_start3A_359 = arith.constant 0 : i32
    %dma_start3A_360 = tpu.memref_slice %arg9[%dma_start3A_358, %dma_start3A_359] : memref<16x128xf32, #tpu.memory_space<vmem>> -> memref<1x128xf32, #tpu.memory_space<vmem>>
    %dma_start3A_361 = tpu.memref_squeeze %dma_start3A_360 : memref<1x128xf32, #tpu.memory_space<vmem>> -> memref<128xf32, #tpu.memory_space<vmem>>
    %dma_start3A_362 = arith.constant 0 : i32
    %dma_start3A_363 = tpu.memref_slice %arg8[%dma_start3A_357, %dma_start3A_362] : memref<256x128xi32, #tpu.memory_space<vmem>> -> memref<1x128xi32, #tpu.memory_space<vmem>>
    %dma_start3A_364 = tpu.memref_squeeze %dma_start3A_363 : memref<1x128xi32, #tpu.memory_space<vmem>> -> memref<128xi32, #tpu.memory_space<vmem>>
    %dma_start3A_365 = arith.constant 0 : i32
    %dma_start3A_366 = tpu.memref_slice %arg2[%dma_start3A_365] : memref<4194304xf32, #tpu.memory_space<hbm>> -> memref<4194304xf32, #tpu.memory_space<hbm>>
    tpu.enqueue_indirect_dma source(%dma_start3A_366 : memref<4194304xf32, #tpu.memory_space<hbm>>) target(%dma_start3A_361 : memref<128xf32, #tpu.memory_space<vmem>>) offsets(%dma_start3A_364 : memref<128xi32, #tpu.memory_space<vmem>>) semaphore(%arg22 : memref<!tpu.dma_semaphore, #tpu.memory_space<semaphore_mem>>)
    %dma_start3A_367 = arith.constant 9 : i32
    %dma_start3A_368 = arith.constant 9 : i32
    %dma_start3A_369 = arith.constant 0 : i32
    %dma_start3A_370 = tpu.memref_slice %arg9[%dma_start3A_368, %dma_start3A_369] : memref<16x128xf32, #tpu.memory_space<vmem>> -> memref<1x128xf32, #tpu.memory_space<vmem>>
    %dma_start3A_371 = tpu.memref_squeeze %dma_start3A_370 : memref<1x128xf32, #tpu.memory_space<vmem>> -> memref<128xf32, #tpu.memory_space<vmem>>
    %dma_start3A_372 = arith.constant 0 : i32
    %dma_start3A_373 = tpu.memref_slice %arg8[%dma_start3A_367, %dma_start3A_372] : memref<256x128xi32, #tpu.memory_space<vmem>> -> memref<1x128xi32, #tpu.memory_space<vmem>>
    %dma_start3A_374 = tpu.memref_squeeze %dma_start3A_373 : memref<1x128xi32, #tpu.memory_space<vmem>> -> memref<128xi32, #tpu.memory_space<vmem>>
    %dma_start3A_375 = arith.constant 0 : i32
    %dma_start3A_376 = tpu.memref_slice %arg2[%dma_start3A_375] : memref<4194304xf32, #tpu.memory_space<hbm>> -> memref<4194304xf32, #tpu.memory_space<hbm>>
    tpu.enqueue_indirect_dma source(%dma_start3A_376 : memref<4194304xf32, #tpu.memory_space<hbm>>) target(%dma_start3A_371 : memref<128xf32, #tpu.memory_space<vmem>>) offsets(%dma_start3A_374 : memref<128xi32, #tpu.memory_space<vmem>>) semaphore(%arg22 : memref<!tpu.dma_semaphore, #tpu.memory_space<semaphore_mem>>)
    %dma_start3A_377 = arith.constant 10 : i32
    %dma_start3A_378 = arith.constant 10 : i32
    %dma_start3A_379 = arith.constant 0 : i32
    %dma_start3A_380 = tpu.memref_slice %arg9[%dma_start3A_378, %dma_start3A_379] : memref<16x128xf32, #tpu.memory_space<vmem>> -> memref<1x128xf32, #tpu.memory_space<vmem>>
    %dma_start3A_381 = tpu.memref_squeeze %dma_start3A_380 : memref<1x128xf32, #tpu.memory_space<vmem>> -> memref<128xf32, #tpu.memory_space<vmem>>
    %dma_start3A_382 = arith.constant 0 : i32
    %dma_start3A_383 = tpu.memref_slice %arg8[%dma_start3A_377, %dma_start3A_382] : memref<256x128xi32, #tpu.memory_space<vmem>> -> memref<1x128xi32, #tpu.memory_space<vmem>>
    %dma_start3A_384 = tpu.memref_squeeze %dma_start3A_383 : memref<1x128xi32, #tpu.memory_space<vmem>> -> memref<128xi32, #tpu.memory_space<vmem>>
    %dma_start3A_385 = arith.constant 0 : i32
    %dma_start3A_386 = tpu.memref_slice %arg2[%dma_start3A_385] : memref<4194304xf32, #tpu.memory_space<hbm>> -> memref<4194304xf32, #tpu.memory_space<hbm>>
    tpu.enqueue_indirect_dma source(%dma_start3A_386 : memref<4194304xf32, #tpu.memory_space<hbm>>) target(%dma_start3A_381 : memref<128xf32, #tpu.memory_space<vmem>>) offsets(%dma_start3A_384 : memref<128xi32, #tpu.memory_space<vmem>>) semaphore(%arg22 : memref<!tpu.dma_semaphore, #tpu.memory_space<semaphore_mem>>)
    %dma_start3A_387 = arith.constant 11 : i32
    %dma_start3A_388 = arith.constant 11 : i32
    %dma_start3A_389 = arith.constant 0 : i32
    %dma_start3A_390 = tpu.memref_slice %arg9[%dma_start3A_388, %dma_start3A_389] : memref<16x128xf32, #tpu.memory_space<vmem>> -> memref<1x128xf32, #tpu.memory_space<vmem>>
    %dma_start3A_391 = tpu.memref_squeeze %dma_start3A_390 : memref<1x128xf32, #tpu.memory_space<vmem>> -> memref<128xf32, #tpu.memory_space<vmem>>
    %dma_start3A_392 = arith.constant 0 : i32
    %dma_start3A_393 = tpu.memref_slice %arg8[%dma_start3A_387, %dma_start3A_392] : memref<256x128xi32, #tpu.memory_space<vmem>> -> memref<1x128xi32, #tpu.memory_space<vmem>>
    %dma_start3A_394 = tpu.memref_squeeze %dma_start3A_393 : memref<1x128xi32, #tpu.memory_space<vmem>> -> memref<128xi32, #tpu.memory_space<vmem>>
    %dma_start3A_395 = arith.constant 0 : i32
    %dma_start3A_396 = tpu.memref_slice %arg2[%dma_start3A_395] : memref<4194304xf32, #tpu.memory_space<hbm>> -> memref<4194304xf32, #tpu.memory_space<hbm>>
    tpu.enqueue_indirect_dma source(%dma_start3A_396 : memref<4194304xf32, #tpu.memory_space<hbm>>) target(%dma_start3A_391 : memref<128xf32, #tpu.memory_space<vmem>>) offsets(%dma_start3A_394 : memref<128xi32, #tpu.memory_space<vmem>>) semaphore(%arg22 : memref<!tpu.dma_semaphore, #tpu.memory_space<semaphore_mem>>)
    %dma_start3A_397 = arith.constant 12 : i32
    %dma_start3A_398 = arith.constant 12 : i32
    %dma_start3A_399 = arith.constant 0 : i32
    %dma_start3A_400 = tpu.memref_slice %arg9[%dma_start3A_398, %dma_start3A_399] : memref<16x128xf32, #tpu.memory_space<vmem>> -> memref<1x128xf32, #tpu.memory_space<vmem>>
    %dma_start3A_401 = tpu.memref_squeeze %dma_start3A_400 : memref<1x128xf32, #tpu.memory_space<vmem>> -> memref<128xf32, #tpu.memory_space<vmem>>
    %dma_start3A_402 = arith.constant 0 : i32
    %dma_start3A_403 = tpu.memref_slice %arg8[%dma_start3A_397, %dma_start3A_402] : memref<256x128xi32, #tpu.memory_space<vmem>> -> memref<1x128xi32, #tpu.memory_space<vmem>>
    %dma_start3A_404 = tpu.memref_squeeze %dma_start3A_403 : memref<1x128xi32, #tpu.memory_space<vmem>> -> memref<128xi32, #tpu.memory_space<vmem>>
    %dma_start3A_405 = arith.constant 0 : i32
    %dma_start3A_406 = tpu.memref_slice %arg2[%dma_start3A_405] : memref<4194304xf32, #tpu.memory_space<hbm>> -> memref<4194304xf32, #tpu.memory_space<hbm>>
    tpu.enqueue_indirect_dma source(%dma_start3A_406 : memref<4194304xf32, #tpu.memory_space<hbm>>) target(%dma_start3A_401 : memref<128xf32, #tpu.memory_space<vmem>>) offsets(%dma_start3A_404 : memref<128xi32, #tpu.memory_space<vmem>>) semaphore(%arg22 : memref<!tpu.dma_semaphore, #tpu.memory_space<semaphore_mem>>)
    %dma_start3A_407 = arith.constant 13 : i32
    %dma_start3A_408 = arith.constant 13 : i32
    %dma_start3A_409 = arith.constant 0 : i32
    %dma_start3A_410 = tpu.memref_slice %arg9[%dma_start3A_408, %dma_start3A_409] : memref<16x128xf32, #tpu.memory_space<vmem>> -> memref<1x128xf32, #tpu.memory_space<vmem>>
    %dma_start3A_411 = tpu.memref_squeeze %dma_start3A_410 : memref<1x128xf32, #tpu.memory_space<vmem>> -> memref<128xf32, #tpu.memory_space<vmem>>
    %dma_start3A_412 = arith.constant 0 : i32
    %dma_start3A_413 = tpu.memref_slice %arg8[%dma_start3A_407, %dma_start3A_412] : memref<256x128xi32, #tpu.memory_space<vmem>> -> memref<1x128xi32, #tpu.memory_space<vmem>>
    %dma_start3A_414 = tpu.memref_squeeze %dma_start3A_413 : memref<1x128xi32, #tpu.memory_space<vmem>> -> memref<128xi32, #tpu.memory_space<vmem>>
    %dma_start3A_415 = arith.constant 0 : i32
    %dma_start3A_416 = tpu.memref_slice %arg2[%dma_start3A_415] : memref<4194304xf32, #tpu.memory_space<hbm>> -> memref<4194304xf32, #tpu.memory_space<hbm>>
    tpu.enqueue_indirect_dma source(%dma_start3A_416 : memref<4194304xf32, #tpu.memory_space<hbm>>) target(%dma_start3A_411 : memref<128xf32, #tpu.memory_space<vmem>>) offsets(%dma_start3A_414 : memref<128xi32, #tpu.memory_space<vmem>>) semaphore(%arg22 : memref<!tpu.dma_semaphore, #tpu.memory_space<semaphore_mem>>)
    %dma_start3A_417 = arith.constant 14 : i32
    %dma_start3A_418 = arith.constant 14 : i32
    %dma_start3A_419 = arith.constant 0 : i32
    %dma_start3A_420 = tpu.memref_slice %arg9[%dma_start3A_418, %dma_start3A_419] : memref<16x128xf32, #tpu.memory_space<vmem>> -> memref<1x128xf32, #tpu.memory_space<vmem>>
    %dma_start3A_421 = tpu.memref_squeeze %dma_start3A_420 : memref<1x128xf32, #tpu.memory_space<vmem>> -> memref<128xf32, #tpu.memory_space<vmem>>
    %dma_start3A_422 = arith.constant 0 : i32
    %dma_start3A_423 = tpu.memref_slice %arg8[%dma_start3A_417, %dma_start3A_422] : memref<256x128xi32, #tpu.memory_space<vmem>> -> memref<1x128xi32, #tpu.memory_space<vmem>>
    %dma_start3A_424 = tpu.memref_squeeze %dma_start3A_423 : memref<1x128xi32, #tpu.memory_space<vmem>> -> memref<128xi32, #tpu.memory_space<vmem>>
    %dma_start3A_425 = arith.constant 0 : i32
    %dma_start3A_426 = tpu.memref_slice %arg2[%dma_start3A_425] : memref<4194304xf32, #tpu.memory_space<hbm>> -> memref<4194304xf32, #tpu.memory_space<hbm>>
    tpu.enqueue_indirect_dma source(%dma_start3A_426 : memref<4194304xf32, #tpu.memory_space<hbm>>) target(%dma_start3A_421 : memref<128xf32, #tpu.memory_space<vmem>>) offsets(%dma_start3A_424 : memref<128xi32, #tpu.memory_space<vmem>>) semaphore(%arg22 : memref<!tpu.dma_semaphore, #tpu.memory_space<semaphore_mem>>)
    %dma_start3A_427 = arith.constant 15 : i32
    %dma_start3A_428 = arith.constant 15 : i32
    %dma_start3A_429 = arith.constant 0 : i32
    %dma_start3A_430 = tpu.memref_slice %arg9[%dma_start3A_428, %dma_start3A_429] : memref<16x128xf32, #tpu.memory_space<vmem>> -> memref<1x128xf32, #tpu.memory_space<vmem>>
    %dma_start3A_431 = tpu.memref_squeeze %dma_start3A_430 : memref<1x128xf32, #tpu.memory_space<vmem>> -> memref<128xf32, #tpu.memory_space<vmem>>
    %dma_start3A_432 = arith.constant 0 : i32
    %dma_start3A_433 = tpu.memref_slice %arg8[%dma_start3A_427, %dma_start3A_432] : memref<256x128xi32, #tpu.memory_space<vmem>> -> memref<1x128xi32, #tpu.memory_space<vmem>>
    %dma_start3A_434 = tpu.memref_squeeze %dma_start3A_433 : memref<1x128xi32, #tpu.memory_space<vmem>> -> memref<128xi32, #tpu.memory_space<vmem>>
    %dma_start3A_435 = arith.constant 0 : i32
    %dma_start3A_436 = tpu.memref_slice %arg2[%dma_start3A_435] : memref<4194304xf32, #tpu.memory_space<hbm>> -> memref<4194304xf32, #tpu.memory_space<hbm>>
    tpu.enqueue_indirect_dma source(%dma_start3A_436 : memref<4194304xf32, #tpu.memory_space<hbm>>) target(%dma_start3A_431 : memref<128xf32, #tpu.memory_space<vmem>>) offsets(%dma_start3A_434 : memref<128xi32, #tpu.memory_space<vmem>>) semaphore(%arg22 : memref<!tpu.dma_semaphore, #tpu.memory_space<semaphore_mem>>)
    %lt3A_437 = arith.constant 15 : i32
    %lt3A_438 = vector.broadcast %lt3A_437 : i32 to vector<16xi32>
    %lt3A_439 = arith.cmpi slt, %iota3A, %lt3A_438 : vector<16xi32>
    %jit3A_440 = arith.constant 1.000000e+00 : f32
    %jit3A_441 = arith.constant 0.000000e+00 : f32
    %broadcast_in_dim3A_442 = vector.broadcast %jit3A_440 : f32 to vector<16xf32>
    %broadcast_in_dim3A_443 = vector.broadcast %jit3A_441 : f32 to vector<16xf32>
    %select_n3A_444 = arith.select %lt3A_439, %broadcast_in_dim3A_442, %broadcast_in_dim3A_443 : vector<16xi1>, vector<16xf32>
    %broadcast_in_dim3A_445 = arith.constant 0.000000e+00 : f32
    %broadcast_in_dim3A_446 = vector.broadcast %broadcast_in_dim3A_445 : f32 to vector<16xf32>
    %scan3A_447 = arith.constant 0 : i32
    %scan3A_448 = arith.constant 16 : i32
    %scan3A_449 = arith.addi %scan3A_447, %scan3A_448 : i32
    %scan3A_450 = arith.constant 1 : i32
    %scan3A_451 = scf.for %scan3A_653 = %scan3A_447 to %scan3A_449 step %scan3A_450 iter_args(%scan3A_654 = %broadcast_in_dim3A_446) -> (vector<16xf32>)  : i32 {
      %dma_wait3A_655 = arith.constant 0 : i32
      %dma_wait3A_656 = arith.constant 0 : i32
      %dma_wait3A_657 = tpu.memref_slice %arg9[%dma_wait3A_655, %dma_wait3A_656] : memref<16x128xf32, #tpu.memory_space<vmem>> -> memref<1x128xf32, #tpu.memory_space<vmem>>
      %dma_wait3A_658 = tpu.memref_squeeze %dma_wait3A_657 : memref<1x128xf32, #tpu.memory_space<vmem>> -> memref<128xf32, #tpu.memory_space<vmem>>
      %dma_wait3A_659 = arith.constant 0 : i32
      %dma_wait3A_660 = tpu.memref_slice %arg2[%dma_wait3A_659] : memref<4194304xf32, #tpu.memory_space<hbm>> -> memref<128xf32, #tpu.memory_space<hbm>>
      %dma_wait3A_661 = arith.constant 0 : i32
      %dma_wait3A_662 = tpu.memref_slice %arg9[%dma_wait3A_655, %dma_wait3A_661] : memref<16x128xf32, #tpu.memory_space<vmem>> -> memref<1x128xf32, #tpu.memory_space<vmem>>
      %dma_wait3A_663 = tpu.memref_squeeze %dma_wait3A_662 : memref<1x128xf32, #tpu.memory_space<vmem>> -> memref<128xf32, #tpu.memory_space<vmem>>
      %dma_wait3A_664 = arith.constant 0 : i32
      %dma_wait3A_665 = tpu.memref_slice %arg2[%dma_wait3A_664] : memref<4194304xf32, #tpu.memory_space<hbm>> -> memref<128xf32, #tpu.memory_space<hbm>>
      tpu.wait_dma2 semaphore(%arg21 : memref<!tpu.dma_semaphore, #tpu.memory_space<semaphore_mem>>) src(%dma_wait3A_665 : memref<128xf32, #tpu.memory_space<hbm>>) dst(%dma_wait3A_663 : memref<128xf32, #tpu.memory_space<vmem>>)
      %dma_wait3A_666 = arith.constant 1 : i32
      %dma_wait3A_667 = arith.constant 0 : i32
      %dma_wait3A_668 = tpu.memref_slice %arg9[%dma_wait3A_666, %dma_wait3A_667] : memref<16x128xf32, #tpu.memory_space<vmem>> -> memref<1x128xf32, #tpu.memory_space<vmem>>
      %dma_wait3A_669 = tpu.memref_squeeze %dma_wait3A_668 : memref<1x128xf32, #tpu.memory_space<vmem>> -> memref<128xf32, #tpu.memory_space<vmem>>
      %dma_wait3A_670 = arith.constant 0 : i32
      %dma_wait3A_671 = tpu.memref_slice %arg2[%dma_wait3A_670] : memref<4194304xf32, #tpu.memory_space<hbm>> -> memref<128xf32, #tpu.memory_space<hbm>>
      %dma_wait3A_672 = arith.constant 0 : i32
      %dma_wait3A_673 = tpu.memref_slice %arg9[%dma_wait3A_666, %dma_wait3A_672] : memref<16x128xf32, #tpu.memory_space<vmem>> -> memref<1x128xf32, #tpu.memory_space<vmem>>
      %dma_wait3A_674 = tpu.memref_squeeze %dma_wait3A_673 : memref<1x128xf32, #tpu.memory_space<vmem>> -> memref<128xf32, #tpu.memory_space<vmem>>
      %dma_wait3A_675 = arith.constant 0 : i32
      %dma_wait3A_676 = tpu.memref_slice %arg2[%dma_wait3A_675] : memref<4194304xf32, #tpu.memory_space<hbm>> -> memref<128xf32, #tpu.memory_space<hbm>>
      tpu.wait_dma2 semaphore(%arg21 : memref<!tpu.dma_semaphore, #tpu.memory_space<semaphore_mem>>) src(%dma_wait3A_676 : memref<128xf32, #tpu.memory_space<hbm>>) dst(%dma_wait3A_674 : memref<128xf32, #tpu.memory_space<vmem>>)
      %dma_wait3A_677 = arith.constant 2 : i32
      %dma_wait3A_678 = arith.constant 0 : i32
      %dma_wait3A_679 = tpu.memref_slice %arg9[%dma_wait3A_677, %dma_wait3A_678] : memref<16x128xf32, #tpu.memory_space<vmem>> -> memref<1x128xf32, #tpu.memory_space<vmem>>
      %dma_wait3A_680 = tpu.memref_squeeze %dma_wait3A_679 : memref<1x128xf32, #tpu.memory_space<vmem>> -> memref<128xf32, #tpu.memory_space<vmem>>
      %dma_wait3A_681 = arith.constant 0 : i32
      %dma_wait3A_682 = tpu.memref_slice %arg2[%dma_wait3A_681] : memref<4194304xf32, #tpu.memory_space<hbm>> -> memref<128xf32, #tpu.memory_space<hbm>>
      %dma_wait3A_683 = arith.constant 0 : i32
      %dma_wait3A_684 = tpu.memref_slice %arg9[%dma_wait3A_677, %dma_wait3A_683] : memref<16x128xf32, #tpu.memory_space<vmem>> -> memref<1x128xf32, #tpu.memory_space<vmem>>
      %dma_wait3A_685 = tpu.memref_squeeze %dma_wait3A_684 : memref<1x128xf32, #tpu.memory_space<vmem>> -> memref<128xf32, #tpu.memory_space<vmem>>
      %dma_wait3A_686 = arith.constant 0 : i32
      %dma_wait3A_687 = tpu.memref_slice %arg2[%dma_wait3A_686] : memref<4194304xf32, #tpu.memory_space<hbm>> -> memref<128xf32, #tpu.memory_space<hbm>>
      tpu.wait_dma2 semaphore(%arg21 : memref<!tpu.dma_semaphore, #tpu.memory_space<semaphore_mem>>) src(%dma_wait3A_687 : memref<128xf32, #tpu.memory_space<hbm>>) dst(%dma_wait3A_685 : memref<128xf32, #tpu.memory_space<vmem>>)
      %dma_wait3A_688 = arith.constant 3 : i32
      %dma_wait3A_689 = arith.constant 0 : i32
      %dma_wait3A_690 = tpu.memref_slice %arg9[%dma_wait3A_688, %dma_wait3A_689] : memref<16x128xf32, #tpu.memory_space<vmem>> -> memref<1x128xf32, #tpu.memory_space<vmem>>
      %dma_wait3A_691 = tpu.memref_squeeze %dma_wait3A_690 : memref<1x128xf32, #tpu.memory_space<vmem>> -> memref<128xf32, #tpu.memory_space<vmem>>
      %dma_wait3A_692 = arith.constant 0 : i32
      %dma_wait3A_693 = tpu.memref_slice %arg2[%dma_wait3A_692] : memref<4194304xf32, #tpu.memory_space<hbm>> -> memref<128xf32, #tpu.memory_space<hbm>>
      %dma_wait3A_694 = arith.constant 0 : i32
      %dma_wait3A_695 = tpu.memref_slice %arg9[%dma_wait3A_688, %dma_wait3A_694] : memref<16x128xf32, #tpu.memory_space<vmem>> -> memref<1x128xf32, #tpu.memory_space<vmem>>
      %dma_wait3A_696 = tpu.memref_squeeze %dma_wait3A_695 : memref<1x128xf32, #tpu.memory_space<vmem>> -> memref<128xf32, #tpu.memory_space<vmem>>
      %dma_wait3A_697 = arith.constant 0 : i32
      %dma_wait3A_698 = tpu.memref_slice %arg2[%dma_wait3A_697] : memref<4194304xf32, #tpu.memory_space<hbm>> -> memref<128xf32, #tpu.memory_space<hbm>>
      tpu.wait_dma2 semaphore(%arg21 : memref<!tpu.dma_semaphore, #tpu.memory_space<semaphore_mem>>) src(%dma_wait3A_698 : memref<128xf32, #tpu.memory_space<hbm>>) dst(%dma_wait3A_696 : memref<128xf32, #tpu.memory_space<vmem>>)
      %dma_wait3A_699 = arith.constant 4 : i32
      %dma_wait3A_700 = arith.constant 0 : i32
      %dma_wait3A_701 = tpu.memref_slice %arg9[%dma_wait3A_699, %dma_wait3A_700] : memref<16x128xf32, #tpu.memory_space<vmem>> -> memref<1x128xf32, #tpu.memory_space<vmem>>
      %dma_wait3A_702 = tpu.memref_squeeze %dma_wait3A_701 : memref<1x128xf32, #tpu.memory_space<vmem>> -> memref<128xf32, #tpu.memory_space<vmem>>
      %dma_wait3A_703 = arith.constant 0 : i32
      %dma_wait3A_704 = tpu.memref_slice %arg2[%dma_wait3A_703] : memref<4194304xf32, #tpu.memory_space<hbm>> -> memref<128xf32, #tpu.memory_space<hbm>>
      %dma_wait3A_705 = arith.constant 0 : i32
      %dma_wait3A_706 = tpu.memref_slice %arg9[%dma_wait3A_699, %dma_wait3A_705] : memref<16x128xf32, #tpu.memory_space<vmem>> -> memref<1x128xf32, #tpu.memory_space<vmem>>
      %dma_wait3A_707 = tpu.memref_squeeze %dma_wait3A_706 : memref<1x128xf32, #tpu.memory_space<vmem>> -> memref<128xf32, #tpu.memory_space<vmem>>
      %dma_wait3A_708 = arith.constant 0 : i32
      %dma_wait3A_709 = tpu.memref_slice %arg2[%dma_wait3A_708] : memref<4194304xf32, #tpu.memory_space<hbm>> -> memref<128xf32, #tpu.memory_space<hbm>>
      tpu.wait_dma2 semaphore(%arg21 : memref<!tpu.dma_semaphore, #tpu.memory_space<semaphore_mem>>) src(%dma_wait3A_709 : memref<128xf32, #tpu.memory_space<hbm>>) dst(%dma_wait3A_707 : memref<128xf32, #tpu.memory_space<vmem>>)
      %dma_wait3A_710 = arith.constant 5 : i32
      %dma_wait3A_711 = arith.constant 0 : i32
      %dma_wait3A_712 = tpu.memref_slice %arg9[%dma_wait3A_710, %dma_wait3A_711] : memref<16x128xf32, #tpu.memory_space<vmem>> -> memref<1x128xf32, #tpu.memory_space<vmem>>
      %dma_wait3A_713 = tpu.memref_squeeze %dma_wait3A_712 : memref<1x128xf32, #tpu.memory_space<vmem>> -> memref<128xf32, #tpu.memory_space<vmem>>
      %dma_wait3A_714 = arith.constant 0 : i32
      %dma_wait3A_715 = tpu.memref_slice %arg2[%dma_wait3A_714] : memref<4194304xf32, #tpu.memory_space<hbm>> -> memref<128xf32, #tpu.memory_space<hbm>>
      %dma_wait3A_716 = arith.constant 0 : i32
      %dma_wait3A_717 = tpu.memref_slice %arg9[%dma_wait3A_710, %dma_wait3A_716] : memref<16x128xf32, #tpu.memory_space<vmem>> -> memref<1x128xf32, #tpu.memory_space<vmem>>
      %dma_wait3A_718 = tpu.memref_squeeze %dma_wait3A_717 : memref<1x128xf32, #tpu.memory_space<vmem>> -> memref<128xf32, #tpu.memory_space<vmem>>
      %dma_wait3A_719 = arith.constant 0 : i32
      %dma_wait3A_720 = tpu.memref_slice %arg2[%dma_wait3A_719] : memref<4194304xf32, #tpu.memory_space<hbm>> -> memref<128xf32, #tpu.memory_space<hbm>>
      tpu.wait_dma2 semaphore(%arg21 : memref<!tpu.dma_semaphore, #tpu.memory_space<semaphore_mem>>) src(%dma_wait3A_720 : memref<128xf32, #tpu.memory_space<hbm>>) dst(%dma_wait3A_718 : memref<128xf32, #tpu.memory_space<vmem>>)
      %dma_wait3A_721 = arith.constant 6 : i32
      %dma_wait3A_722 = arith.constant 0 : i32
      %dma_wait3A_723 = tpu.memref_slice %arg9[%dma_wait3A_721, %dma_wait3A_722] : memref<16x128xf32, #tpu.memory_space<vmem>> -> memref<1x128xf32, #tpu.memory_space<vmem>>
      %dma_wait3A_724 = tpu.memref_squeeze %dma_wait3A_723 : memref<1x128xf32, #tpu.memory_space<vmem>> -> memref<128xf32, #tpu.memory_space<vmem>>
      %dma_wait3A_725 = arith.constant 0 : i32
      %dma_wait3A_726 = tpu.memref_slice %arg2[%dma_wait3A_725] : memref<4194304xf32, #tpu.memory_space<hbm>> -> memref<128xf32, #tpu.memory_space<hbm>>
      %dma_wait3A_727 = arith.constant 0 : i32
      %dma_wait3A_728 = tpu.memref_slice %arg9[%dma_wait3A_721, %dma_wait3A_727] : memref<16x128xf32, #tpu.memory_space<vmem>> -> memref<1x128xf32, #tpu.memory_space<vmem>>
      %dma_wait3A_729 = tpu.memref_squeeze %dma_wait3A_728 : memref<1x128xf32, #tpu.memory_space<vmem>> -> memref<128xf32, #tpu.memory_space<vmem>>
      %dma_wait3A_730 = arith.constant 0 : i32
      %dma_wait3A_731 = tpu.memref_slice %arg2[%dma_wait3A_730] : memref<4194304xf32, #tpu.memory_space<hbm>> -> memref<128xf32, #tpu.memory_space<hbm>>
      tpu.wait_dma2 semaphore(%arg21 : memref<!tpu.dma_semaphore, #tpu.memory_space<semaphore_mem>>) src(%dma_wait3A_731 : memref<128xf32, #tpu.memory_space<hbm>>) dst(%dma_wait3A_729 : memref<128xf32, #tpu.memory_space<vmem>>)
      %dma_wait3A_732 = arith.constant 7 : i32
      %dma_wait3A_733 = arith.constant 0 : i32
      %dma_wait3A_734 = tpu.memref_slice %arg9[%dma_wait3A_732, %dma_wait3A_733] : memref<16x128xf32, #tpu.memory_space<vmem>> -> memref<1x128xf32, #tpu.memory_space<vmem>>
      %dma_wait3A_735 = tpu.memref_squeeze %dma_wait3A_734 : memref<1x128xf32, #tpu.memory_space<vmem>> -> memref<128xf32, #tpu.memory_space<vmem>>
      %dma_wait3A_736 = arith.constant 0 : i32
      %dma_wait3A_737 = tpu.memref_slice %arg2[%dma_wait3A_736] : memref<4194304xf32, #tpu.memory_space<hbm>> -> memref<128xf32, #tpu.memory_space<hbm>>
      %dma_wait3A_738 = arith.constant 0 : i32
      %dma_wait3A_739 = tpu.memref_slice %arg9[%dma_wait3A_732, %dma_wait3A_738] : memref<16x128xf32, #tpu.memory_space<vmem>> -> memref<1x128xf32, #tpu.memory_space<vmem>>
      %dma_wait3A_740 = tpu.memref_squeeze %dma_wait3A_739 : memref<1x128xf32, #tpu.memory_space<vmem>> -> memref<128xf32, #tpu.memory_space<vmem>>
      %dma_wait3A_741 = arith.constant 0 : i32
      %dma_wait3A_742 = tpu.memref_slice %arg2[%dma_wait3A_741] : memref<4194304xf32, #tpu.memory_space<hbm>> -> memref<128xf32, #tpu.memory_space<hbm>>
      tpu.wait_dma2 semaphore(%arg21 : memref<!tpu.dma_semaphore, #tpu.memory_space<semaphore_mem>>) src(%dma_wait3A_742 : memref<128xf32, #tpu.memory_space<hbm>>) dst(%dma_wait3A_740 : memref<128xf32, #tpu.memory_space<vmem>>)
      %get3A_743 = arith.constant 0 : i32
      %get3A_744 = arith.index_cast %get3A_743 : i32 to index
      %get3A_745 = arith.constant 0 : index
      %get3A_746 = tpu.vector_load %arg9[%get3A_744, %get3A_745] {strides = array<i32>} : memref<16x128xf32, #tpu.memory_space<vmem>>, vector<1x16xf32>,
      %get3A_747 = vector.shape_cast %get3A_746 : vector<1x16xf32> to vector<16xf32>
      %add3A_748 = arith.addf %scan3A_654, %get3A_747 : vector<16xf32>
      %get3A_749 = arith.constant 0 : i32
      %get3A_750 = arith.index_cast %get3A_749 : i32 to index
      %get3A_751 = arith.constant 16 : index
      %get3A_752 = tpu.vector_load %arg9[%get3A_750, %get3A_751] {strides = array<i32>} : memref<16x128xf32, #tpu.memory_space<vmem>>, vector<1x16xf32>,
      %get3A_753 = vector.shape_cast %get3A_752 : vector<1x16xf32> to vector<16xf32>
      %add3A_754 = arith.addf %add3A_748, %get3A_753 : vector<16xf32>
      %get3A_755 = arith.constant 0 : i32
      %get3A_756 = arith.index_cast %get3A_755 : i32 to index
      %get3A_757 = arith.constant 32 : index
      %get3A_758 = tpu.vector_load %arg9[%get3A_756, %get3A_757] {strides = array<i32>} : memref<16x128xf32, #tpu.memory_space<vmem>>, vector<1x16xf32>,
      %get3A_759 = vector.shape_cast %get3A_758 : vector<1x16xf32> to vector<16xf32>
      %add3A_760 = arith.addf %add3A_754, %get3A_759 : vector<16xf32>
      %get3A_761 = arith.constant 0 : i32
      %get3A_762 = arith.index_cast %get3A_761 : i32 to index
      %get3A_763 = arith.constant 48 : index
      %get3A_764 = tpu.vector_load %arg9[%get3A_762, %get3A_763] {strides = array<i32>} : memref<16x128xf32, #tpu.memory_space<vmem>>, vector<1x16xf32>,
      %get3A_765 = vector.shape_cast %get3A_764 : vector<1x16xf32> to vector<16xf32>
      %add3A_766 = arith.addf %add3A_760, %get3A_765 : vector<16xf32>
      %get3A_767 = arith.constant 0 : i32
      %get3A_768 = arith.index_cast %get3A_767 : i32 to index
      %get3A_769 = arith.constant 64 : index
      %get3A_770 = tpu.vector_load %arg9[%get3A_768, %get3A_769] {strides = array<i32>} : memref<16x128xf32, #tpu.memory_space<vmem>>, vector<1x16xf32>,
      %get3A_771 = vector.shape_cast %get3A_770 : vector<1x16xf32> to vector<16xf32>
      %add3A_772 = arith.addf %add3A_766, %get3A_771 : vector<16xf32>
      %get3A_773 = arith.constant 0 : i32
      %get3A_774 = arith.index_cast %get3A_773 : i32 to index
      %get3A_775 = arith.constant 80 : index
      %get3A_776 = tpu.vector_load %arg9[%get3A_774, %get3A_775] {strides = array<i32>} : memref<16x128xf32, #tpu.memory_space<vmem>>, vector<1x16xf32>,
      %get3A_777 = vector.shape_cast %get3A_776 : vector<1x16xf32> to vector<16xf32>
      %add3A_778 = arith.addf %add3A_772, %get3A_777 : vector<16xf32>
      %get3A_779 = arith.constant 0 : i32
      %get3A_780 = arith.index_cast %get3A_779 : i32 to index
      %get3A_781 = arith.constant 96 : index
      %get3A_782 = tpu.vector_load %arg9[%get3A_780, %get3A_781] {strides = array<i32>} : memref<16x128xf32, #tpu.memory_space<vmem>>, vector<1x16xf32>,
      %get3A_783 = vector.shape_cast %get3A_782 : vector<1x16xf32> to vector<16xf32>
      %add3A_784 = arith.addf %add3A_778, %get3A_783 : vector<16xf32>
      %get3A_785 = arith.constant 0 : i32
      %get3A_786 = arith.index_cast %get3A_785 : i32 to index
      %get3A_787 = arith.constant 112 : index
      %get3A_788 = tpu.vector_load %arg9[%get3A_786, %get3A_787] {strides = array<i32>} : memref<16x128xf32, #tpu.memory_space<vmem>>, vector<1x16xf32>,
      %get3A_789 = vector.shape_cast %get3A_788 : vector<1x16xf32> to vector<16xf32>
      %add3A_790 = arith.addf %add3A_784, %get3A_789 : vector<16xf32>
      %get3A_791 = arith.constant 1 : i32
      %get3A_792 = arith.index_cast %get3A_791 : i32 to index
      %get3A_793 = arith.constant 0 : index
      %get3A_794 = tpu.vector_load %arg9[%get3A_792, %get3A_793] {strides = array<i32>} : memref<16x128xf32, #tpu.memory_space<vmem>>, vector<1x16xf32>,
      %get3A_795 = vector.shape_cast %get3A_794 : vector<1x16xf32> to vector<16xf32>
      %add3A_796 = arith.addf %add3A_790, %get3A_795 : vector<16xf32>
      %get3A_797 = arith.constant 1 : i32
      %get3A_798 = arith.index_cast %get3A_797 : i32 to index
      %get3A_799 = arith.constant 16 : index
      %get3A_800 = tpu.vector_load %arg9[%get3A_798, %get3A_799] {strides = array<i32>} : memref<16x128xf32, #tpu.memory_space<vmem>>, vector<1x16xf32>,
      %get3A_801 = vector.shape_cast %get3A_800 : vector<1x16xf32> to vector<16xf32>
      %add3A_802 = arith.addf %add3A_796, %get3A_801 : vector<16xf32>
      %get3A_803 = arith.constant 1 : i32
      %get3A_804 = arith.index_cast %get3A_803 : i32 to index
      %get3A_805 = arith.constant 32 : index
      %get3A_806 = tpu.vector_load %arg9[%get3A_804, %get3A_805] {strides = array<i32>} : memref<16x128xf32, #tpu.memory_space<vmem>>, vector<1x16xf32>,
      %get3A_807 = vector.shape_cast %get3A_806 : vector<1x16xf32> to vector<16xf32>
      %add3A_808 = arith.addf %add3A_802, %get3A_807 : vector<16xf32>
      %get3A_809 = arith.constant 1 : i32
      %get3A_810 = arith.index_cast %get3A_809 : i32 to index
      %get3A_811 = arith.constant 48 : index
      %get3A_812 = tpu.vector_load %arg9[%get3A_810, %get3A_811] {strides = array<i32>} : memref<16x128xf32, #tpu.memory_space<vmem>>, vector<1x16xf32>,
      %get3A_813 = vector.shape_cast %get3A_812 : vector<1x16xf32> to vector<16xf32>
      %add3A_814 = arith.addf %add3A_808, %get3A_813 : vector<16xf32>
      %get3A_815 = arith.constant 1 : i32
      %get3A_816 = arith.index_cast %get3A_815 : i32 to index
      %get3A_817 = arith.constant 64 : index
      %get3A_818 = tpu.vector_load %arg9[%get3A_816, %get3A_817] {strides = array<i32>} : memref<16x128xf32, #tpu.memory_space<vmem>>, vector<1x16xf32>,
      %get3A_819 = vector.shape_cast %get3A_818 : vector<1x16xf32> to vector<16xf32>
      %add3A_820 = arith.addf %add3A_814, %get3A_819 : vector<16xf32>
      %get3A_821 = arith.constant 1 : i32
      %get3A_822 = arith.index_cast %get3A_821 : i32 to index
      %get3A_823 = arith.constant 80 : index
      %get3A_824 = tpu.vector_load %arg9[%get3A_822, %get3A_823] {strides = array<i32>} : memref<16x128xf32, #tpu.memory_space<vmem>>, vector<1x16xf32>,
      %get3A_825 = vector.shape_cast %get3A_824 : vector<1x16xf32> to vector<16xf32>
      %add3A_826 = arith.addf %add3A_820, %get3A_825 : vector<16xf32>
      %get3A_827 = arith.constant 1 : i32
      %get3A_828 = arith.index_cast %get3A_827 : i32 to index
      %get3A_829 = arith.constant 96 : index
      %get3A_830 = tpu.vector_load %arg9[%get3A_828, %get3A_829] {strides = array<i32>} : memref<16x128xf32, #tpu.memory_space<vmem>>, vector<1x16xf32>,
      %get3A_831 = vector.shape_cast %get3A_830 : vector<1x16xf32> to vector<16xf32>
      %add3A_832 = arith.addf %add3A_826, %get3A_831 : vector<16xf32>
      %get3A_833 = arith.constant 1 : i32
      %get3A_834 = arith.index_cast %get3A_833 : i32 to index
      %get3A_835 = arith.constant 112 : index
      %get3A_836 = tpu.vector_load %arg9[%get3A_834, %get3A_835] {strides = array<i32>} : memref<16x128xf32, #tpu.memory_space<vmem>>, vector<1x16xf32>,
      %get3A_837 = vector.shape_cast %get3A_836 : vector<1x16xf32> to vector<16xf32>
      %mul3A_838 = arith.mulf %get3A_837, %select_n3A_444 : vector<16xf32>
      %add3A_839 = arith.addf %add3A_832, %mul3A_838 : vector<16xf32>
      %get3A_840 = arith.constant 2 : i32
      %get3A_841 = arith.index_cast %get3A_840 : i32 to index
      %get3A_842 = arith.constant 0 : index
      %get3A_843 = tpu.vector_load %arg9[%get3A_841, %get3A_842] {strides = array<i32>} : memref<16x128xf32, #tpu.memory_space<vmem>>, vector<1x16xf32>,
      %get3A_844 = vector.shape_cast %get3A_843 : vector<1x16xf32> to vector<16xf32>
      %add3A_845 = arith.addf %add3A_839, %get3A_844 : vector<16xf32>
      %get3A_846 = arith.constant 2 : i32
      %get3A_847 = arith.index_cast %get3A_846 : i32 to index
      %get3A_848 = arith.constant 16 : index
      %get3A_849 = tpu.vector_load %arg9[%get3A_847, %get3A_848] {strides = array<i32>} : memref<16x128xf32, #tpu.memory_space<vmem>>, vector<1x16xf32>,
      %get3A_850 = vector.shape_cast %get3A_849 : vector<1x16xf32> to vector<16xf32>
      %add3A_851 = arith.addf %add3A_845, %get3A_850 : vector<16xf32>
      %get3A_852 = arith.constant 2 : i32
      %get3A_853 = arith.index_cast %get3A_852 : i32 to index
      %get3A_854 = arith.constant 32 : index
      %get3A_855 = tpu.vector_load %arg9[%get3A_853, %get3A_854] {strides = array<i32>} : memref<16x128xf32, #tpu.memory_space<vmem>>, vector<1x16xf32>,
      %get3A_856 = vector.shape_cast %get3A_855 : vector<1x16xf32> to vector<16xf32>
      %add3A_857 = arith.addf %add3A_851, %get3A_856 : vector<16xf32>
      %get3A_858 = arith.constant 2 : i32
      %get3A_859 = arith.index_cast %get3A_858 : i32 to index
      %get3A_860 = arith.constant 48 : index
      %get3A_861 = tpu.vector_load %arg9[%get3A_859, %get3A_860] {strides = array<i32>} : memref<16x128xf32, #tpu.memory_space<vmem>>, vector<1x16xf32>,
      %get3A_862 = vector.shape_cast %get3A_861 : vector<1x16xf32> to vector<16xf32>
      %add3A_863 = arith.addf %add3A_857, %get3A_862 : vector<16xf32>
      %get3A_864 = arith.constant 2 : i32
      %get3A_865 = arith.index_cast %get3A_864 : i32 to index
      %get3A_866 = arith.constant 64 : index
      %get3A_867 = tpu.vector_load %arg9[%get3A_865, %get3A_866] {strides = array<i32>} : memref<16x128xf32, #tpu.memory_space<vmem>>, vector<1x16xf32>,
      %get3A_868 = vector.shape_cast %get3A_867 : vector<1x16xf32> to vector<16xf32>
      %add3A_869 = arith.addf %add3A_863, %get3A_868 : vector<16xf32>
      %get3A_870 = arith.constant 2 : i32
      %get3A_871 = arith.index_cast %get3A_870 : i32 to index
      %get3A_872 = arith.constant 80 : index
      %get3A_873 = tpu.vector_load %arg9[%get3A_871, %get3A_872] {strides = array<i32>} : memref<16x128xf32, #tpu.memory_space<vmem>>, vector<1x16xf32>,
      %get3A_874 = vector.shape_cast %get3A_873 : vector<1x16xf32> to vector<16xf32>
      %add3A_875 = arith.addf %add3A_869, %get3A_874 : vector<16xf32>
      %get3A_876 = arith.constant 2 : i32
      %get3A_877 = arith.index_cast %get3A_876 : i32 to index
      %get3A_878 = arith.constant 96 : index
      %get3A_879 = tpu.vector_load %arg9[%get3A_877, %get3A_878] {strides = array<i32>} : memref<16x128xf32, #tpu.memory_space<vmem>>, vector<1x16xf32>,
      %get3A_880 = vector.shape_cast %get3A_879 : vector<1x16xf32> to vector<16xf32>
      %add3A_881 = arith.addf %add3A_875, %get3A_880 : vector<16xf32>
      %get3A_882 = arith.constant 2 : i32
      %get3A_883 = arith.index_cast %get3A_882 : i32 to index
      %get3A_884 = arith.constant 112 : index
      %get3A_885 = tpu.vector_load %arg9[%get3A_883, %get3A_884] {strides = array<i32>} : memref<16x128xf32, #tpu.memory_space<vmem>>, vector<1x16xf32>,
      %get3A_886 = vector.shape_cast %get3A_885 : vector<1x16xf32> to vector<16xf32>
      %add3A_887 = arith.addf %add3A_881, %get3A_886 : vector<16xf32>
      %get3A_888 = arith.constant 3 : i32
      %get3A_889 = arith.index_cast %get3A_888 : i32 to index
      %get3A_890 = arith.constant 0 : index
      %get3A_891 = tpu.vector_load %arg9[%get3A_889, %get3A_890] {strides = array<i32>} : memref<16x128xf32, #tpu.memory_space<vmem>>, vector<1x16xf32>,
      %get3A_892 = vector.shape_cast %get3A_891 : vector<1x16xf32> to vector<16xf32>
      %add3A_893 = arith.addf %add3A_887, %get3A_892 : vector<16xf32>
      %get3A_894 = arith.constant 3 : i32
      %get3A_895 = arith.index_cast %get3A_894 : i32 to index
      %get3A_896 = arith.constant 16 : index
      %get3A_897 = tpu.vector_load %arg9[%get3A_895, %get3A_896] {strides = array<i32>} : memref<16x128xf32, #tpu.memory_space<vmem>>, vector<1x16xf32>,
      %get3A_898 = vector.shape_cast %get3A_897 : vector<1x16xf32> to vector<16xf32>
      %add3A_899 = arith.addf %add3A_893, %get3A_898 : vector<16xf32>
      %get3A_900 = arith.constant 3 : i32
      %get3A_901 = arith.index_cast %get3A_900 : i32 to index
      %get3A_902 = arith.constant 32 : index
      %get3A_903 = tpu.vector_load %arg9[%get3A_901, %get3A_902] {strides = array<i32>} : memref<16x128xf32, #tpu.memory_space<vmem>>, vector<1x16xf32>,
      %get3A_904 = vector.shape_cast %get3A_903 : vector<1x16xf32> to vector<16xf32>
      %add3A_905 = arith.addf %add3A_899, %get3A_904 : vector<16xf32>
      %get3A_906 = arith.constant 3 : i32
      %get3A_907 = arith.index_cast %get3A_906 : i32 to index
      %get3A_908 = arith.constant 48 : index
      %get3A_909 = tpu.vector_load %arg9[%get3A_907, %get3A_908] {strides = array<i32>} : memref<16x128xf32, #tpu.memory_space<vmem>>, vector<1x16xf32>,
      %get3A_910 = vector.shape_cast %get3A_909 : vector<1x16xf32> to vector<16xf32>
      %add3A_911 = arith.addf %add3A_905, %get3A_910 : vector<16xf32>
      %get3A_912 = arith.constant 3 : i32
      %get3A_913 = arith.index_cast %get3A_912 : i32 to index
      %get3A_914 = arith.constant 64 : index
      %get3A_915 = tpu.vector_load %arg9[%get3A_913, %get3A_914] {strides = array<i32>} : memref<16x128xf32, #tpu.memory_space<vmem>>, vector<1x16xf32>,
      %get3A_916 = vector.shape_cast %get3A_915 : vector<1x16xf32> to vector<16xf32>
      %add3A_917 = arith.addf %add3A_911, %get3A_916 : vector<16xf32>
      %get3A_918 = arith.constant 3 : i32
      %get3A_919 = arith.index_cast %get3A_918 : i32 to index
      %get3A_920 = arith.constant 80 : index
      %get3A_921 = tpu.vector_load %arg9[%get3A_919, %get3A_920] {strides = array<i32>} : memref<16x128xf32, #tpu.memory_space<vmem>>, vector<1x16xf32>,
      %get3A_922 = vector.shape_cast %get3A_921 : vector<1x16xf32> to vector<16xf32>
      %add3A_923 = arith.addf %add3A_917, %get3A_922 : vector<16xf32>
      %get3A_924 = arith.constant 3 : i32
      %get3A_925 = arith.index_cast %get3A_924 : i32 to index
      %get3A_926 = arith.constant 96 : index
      %get3A_927 = tpu.vector_load %arg9[%get3A_925, %get3A_926] {strides = array<i32>} : memref<16x128xf32, #tpu.memory_space<vmem>>, vector<1x16xf32>,
      %get3A_928 = vector.shape_cast %get3A_927 : vector<1x16xf32> to vector<16xf32>
      %add3A_929 = arith.addf %add3A_923, %get3A_928 : vector<16xf32>
      %get3A_930 = arith.constant 3 : i32
      %get3A_931 = arith.index_cast %get3A_930 : i32 to index
      %get3A_932 = arith.constant 112 : index
      %get3A_933 = tpu.vector_load %arg9[%get3A_931, %get3A_932] {strides = array<i32>} : memref<16x128xf32, #tpu.memory_space<vmem>>, vector<1x16xf32>,
      %get3A_934 = vector.shape_cast %get3A_933 : vector<1x16xf32> to vector<16xf32>
      %mul3A_935 = arith.mulf %get3A_934, %select_n3A_444 : vector<16xf32>
      %add3A_936 = arith.addf %add3A_929, %mul3A_935 : vector<16xf32>
      %get3A_937 = arith.constant 4 : i32
      %get3A_938 = arith.index_cast %get3A_937 : i32 to index
      %get3A_939 = arith.constant 0 : index
      %get3A_940 = tpu.vector_load %arg9[%get3A_938, %get3A_939] {strides = array<i32>} : memref<16x128xf32, #tpu.memory_space<vmem>>, vector<1x16xf32>,
      %get3A_941 = vector.shape_cast %get3A_940 : vector<1x16xf32> to vector<16xf32>
      %add3A_942 = arith.addf %add3A_936, %get3A_941 : vector<16xf32>
      %get3A_943 = arith.constant 4 : i32
      %get3A_944 = arith.index_cast %get3A_943 : i32 to index
      %get3A_945 = arith.constant 16 : index
      %get3A_946 = tpu.vector_load %arg9[%get3A_944, %get3A_945] {strides = array<i32>} : memref<16x128xf32, #tpu.memory_space<vmem>>, vector<1x16xf32>,
      %get3A_947 = vector.shape_cast %get3A_946 : vector<1x16xf32> to vector<16xf32>
      %add3A_948 = arith.addf %add3A_942, %get3A_947 : vector<16xf32>
      %get3A_949 = arith.constant 4 : i32
      %get3A_950 = arith.index_cast %get3A_949 : i32 to index
      %get3A_951 = arith.constant 32 : index
      %get3A_952 = tpu.vector_load %arg9[%get3A_950, %get3A_951] {strides = array<i32>} : memref<16x128xf32, #tpu.memory_space<vmem>>, vector<1x16xf32>,
      %get3A_953 = vector.shape_cast %get3A_952 : vector<1x16xf32> to vector<16xf32>
      %add3A_954 = arith.addf %add3A_948, %get3A_953 : vector<16xf32>
      %get3A_955 = arith.constant 4 : i32
      %get3A_956 = arith.index_cast %get3A_955 : i32 to index
      %get3A_957 = arith.constant 48 : index
      %get3A_958 = tpu.vector_load %arg9[%get3A_956, %get3A_957] {strides = array<i32>} : memref<16x128xf32, #tpu.memory_space<vmem>>, vector<1x16xf32>,
      %get3A_959 = vector.shape_cast %get3A_958 : vector<1x16xf32> to vector<16xf32>
      %add3A_960 = arith.addf %add3A_954, %get3A_959 : vector<16xf32>
      %get3A_961 = arith.constant 4 : i32
      %get3A_962 = arith.index_cast %get3A_961 : i32 to index
      %get3A_963 = arith.constant 64 : index
      %get3A_964 = tpu.vector_load %arg9[%get3A_962, %get3A_963] {strides = array<i32>} : memref<16x128xf32, #tpu.memory_space<vmem>>, vector<1x16xf32>,
      %get3A_965 = vector.shape_cast %get3A_964 : vector<1x16xf32> to vector<16xf32>
      %add3A_966 = arith.addf %add3A_960, %get3A_965 : vector<16xf32>
      %get3A_967 = arith.constant 4 : i32
      %get3A_968 = arith.index_cast %get3A_967 : i32 to index
      %get3A_969 = arith.constant 80 : index
      %get3A_970 = tpu.vector_load %arg9[%get3A_968, %get3A_969] {strides = array<i32>} : memref<16x128xf32, #tpu.memory_space<vmem>>, vector<1x16xf32>,
      %get3A_971 = vector.shape_cast %get3A_970 : vector<1x16xf32> to vector<16xf32>
      %add3A_972 = arith.addf %add3A_966, %get3A_971 : vector<16xf32>
      %get3A_973 = arith.constant 4 : i32
      %get3A_974 = arith.index_cast %get3A_973 : i32 to index
      %get3A_975 = arith.constant 96 : index
      %get3A_976 = tpu.vector_load %arg9[%get3A_974, %get3A_975] {strides = array<i32>} : memref<16x128xf32, #tpu.memory_space<vmem>>, vector<1x16xf32>,
      %get3A_977 = vector.shape_cast %get3A_976 : vector<1x16xf32> to vector<16xf32>
      %add3A_978 = arith.addf %add3A_972, %get3A_977 : vector<16xf32>
      %get3A_979 = arith.constant 4 : i32
      %get3A_980 = arith.index_cast %get3A_979 : i32 to index
      %get3A_981 = arith.constant 112 : index
      %get3A_982 = tpu.vector_load %arg9[%get3A_980, %get3A_981] {strides = array<i32>} : memref<16x128xf32, #tpu.memory_space<vmem>>, vector<1x16xf32>,
      %get3A_983 = vector.shape_cast %get3A_982 : vector<1x16xf32> to vector<16xf32>
      %add3A_984 = arith.addf %add3A_978, %get3A_983 : vector<16xf32>
      %get3A_985 = arith.constant 5 : i32
      %get3A_986 = arith.index_cast %get3A_985 : i32 to index
      %get3A_987 = arith.constant 0 : index
      %get3A_988 = tpu.vector_load %arg9[%get3A_986, %get3A_987] {strides = array<i32>} : memref<16x128xf32, #tpu.memory_space<vmem>>, vector<1x16xf32>,
      %get3A_989 = vector.shape_cast %get3A_988 : vector<1x16xf32> to vector<16xf32>
      %add3A_990 = arith.addf %add3A_984, %get3A_989 : vector<16xf32>
      %get3A_991 = arith.constant 5 : i32
      %get3A_992 = arith.index_cast %get3A_991 : i32 to index
      %get3A_993 = arith.constant 16 : index
      %get3A_994 = tpu.vector_load %arg9[%get3A_992, %get3A_993] {strides = array<i32>} : memref<16x128xf32, #tpu.memory_space<vmem>>, vector<1x16xf32>,
      %get3A_995 = vector.shape_cast %get3A_994 : vector<1x16xf32> to vector<16xf32>
      %add3A_996 = arith.addf %add3A_990, %get3A_995 : vector<16xf32>
      %get3A_997 = arith.constant 5 : i32
      %get3A_998 = arith.index_cast %get3A_997 : i32 to index
      %get3A_999 = arith.constant 32 : index
      %get3A_1000 = tpu.vector_load %arg9[%get3A_998, %get3A_999] {strides = array<i32>} : memref<16x128xf32, #tpu.memory_space<vmem>>, vector<1x16xf32>,
      %get3A_1001 = vector.shape_cast %get3A_1000 : vector<1x16xf32> to vector<16xf32>
      %add3A_1002 = arith.addf %add3A_996, %get3A_1001 : vector<16xf32>
      %get3A_1003 = arith.constant 5 : i32
      %get3A_1004 = arith.index_cast %get3A_1003 : i32 to index
      %get3A_1005 = arith.constant 48 : index
      %get3A_1006 = tpu.vector_load %arg9[%get3A_1004, %get3A_1005] {strides = array<i32>} : memref<16x128xf32, #tpu.memory_space<vmem>>, vector<1x16xf32>,
      %get3A_1007 = vector.shape_cast %get3A_1006 : vector<1x16xf32> to vector<16xf32>
      %add3A_1008 = arith.addf %add3A_1002, %get3A_1007 : vector<16xf32>
      %get3A_1009 = arith.constant 5 : i32
      %get3A_1010 = arith.index_cast %get3A_1009 : i32 to index
      %get3A_1011 = arith.constant 64 : index
      %get3A_1012 = tpu.vector_load %arg9[%get3A_1010, %get3A_1011] {strides = array<i32>} : memref<16x128xf32, #tpu.memory_space<vmem>>, vector<1x16xf32>,
      %get3A_1013 = vector.shape_cast %get3A_1012 : vector<1x16xf32> to vector<16xf32>
      %add3A_1014 = arith.addf %add3A_1008, %get3A_1013 : vector<16xf32>
      %get3A_1015 = arith.constant 5 : i32
      %get3A_1016 = arith.index_cast %get3A_1015 : i32 to index
      %get3A_1017 = arith.constant 80 : index
      %get3A_1018 = tpu.vector_load %arg9[%get3A_1016, %get3A_1017] {strides = array<i32>} : memref<16x128xf32, #tpu.memory_space<vmem>>, vector<1x16xf32>,
      %get3A_1019 = vector.shape_cast %get3A_1018 : vector<1x16xf32> to vector<16xf32>
      %add3A_1020 = arith.addf %add3A_1014, %get3A_1019 : vector<16xf32>
      %get3A_1021 = arith.constant 5 : i32
      %get3A_1022 = arith.index_cast %get3A_1021 : i32 to index
      %get3A_1023 = arith.constant 96 : index
      %get3A_1024 = tpu.vector_load %arg9[%get3A_1022, %get3A_1023] {strides = array<i32>} : memref<16x128xf32, #tpu.memory_space<vmem>>, vector<1x16xf32>,
      %get3A_1025 = vector.shape_cast %get3A_1024 : vector<1x16xf32> to vector<16xf32>
      %add3A_1026 = arith.addf %add3A_1020, %get3A_1025 : vector<16xf32>
      %get3A_1027 = arith.constant 5 : i32
      %get3A_1028 = arith.index_cast %get3A_1027 : i32 to index
      %get3A_1029 = arith.constant 112 : index
      %get3A_1030 = tpu.vector_load %arg9[%get3A_1028, %get3A_1029] {strides = array<i32>} : memref<16x128xf32, #tpu.memory_space<vmem>>, vector<1x16xf32>,
      %get3A_1031 = vector.shape_cast %get3A_1030 : vector<1x16xf32> to vector<16xf32>
      %mul3A_1032 = arith.mulf %get3A_1031, %select_n3A_444 : vector<16xf32>
      %add3A_1033 = arith.addf %add3A_1026, %mul3A_1032 : vector<16xf32>
      %get3A_1034 = arith.constant 6 : i32
      %get3A_1035 = arith.index_cast %get3A_1034 : i32 to index
      %get3A_1036 = arith.constant 0 : index
      %get3A_1037 = tpu.vector_load %arg9[%get3A_1035, %get3A_1036] {strides = array<i32>} : memref<16x128xf32, #tpu.memory_space<vmem>>, vector<1x16xf32>,
      %get3A_1038 = vector.shape_cast %get3A_1037 : vector<1x16xf32> to vector<16xf32>
      %add3A_1039 = arith.addf %add3A_1033, %get3A_1038 : vector<16xf32>
      %get3A_1040 = arith.constant 6 : i32
      %get3A_1041 = arith.index_cast %get3A_1040 : i32 to index
      %get3A_1042 = arith.constant 16 : index
      %get3A_1043 = tpu.vector_load %arg9[%get3A_1041, %get3A_1042] {strides = array<i32>} : memref<16x128xf32, #tpu.memory_space<vmem>>, vector<1x16xf32>,
      %get3A_1044 = vector.shape_cast %get3A_1043 : vector<1x16xf32> to vector<16xf32>
      %add3A_1045 = arith.addf %add3A_1039, %get3A_1044 : vector<16xf32>
      %get3A_1046 = arith.constant 6 : i32
      %get3A_1047 = arith.index_cast %get3A_1046 : i32 to index
      %get3A_1048 = arith.constant 32 : index
      %get3A_1049 = tpu.vector_load %arg9[%get3A_1047, %get3A_1048] {strides = array<i32>} : memref<16x128xf32, #tpu.memory_space<vmem>>, vector<1x16xf32>,
      %get3A_1050 = vector.shape_cast %get3A_1049 : vector<1x16xf32> to vector<16xf32>
      %add3A_1051 = arith.addf %add3A_1045, %get3A_1050 : vector<16xf32>
      %get3A_1052 = arith.constant 6 : i32
      %get3A_1053 = arith.index_cast %get3A_1052 : i32 to index
      %get3A_1054 = arith.constant 48 : index
      %get3A_1055 = tpu.vector_load %arg9[%get3A_1053, %get3A_1054] {strides = array<i32>} : memref<16x128xf32, #tpu.memory_space<vmem>>, vector<1x16xf32>,
      %get3A_1056 = vector.shape_cast %get3A_1055 : vector<1x16xf32> to vector<16xf32>
      %add3A_1057 = arith.addf %add3A_1051, %get3A_1056 : vector<16xf32>
      %get3A_1058 = arith.constant 6 : i32
      %get3A_1059 = arith.index_cast %get3A_1058 : i32 to index
      %get3A_1060 = arith.constant 64 : index
      %get3A_1061 = tpu.vector_load %arg9[%get3A_1059, %get3A_1060] {strides = array<i32>} : memref<16x128xf32, #tpu.memory_space<vmem>>, vector<1x16xf32>,
      %get3A_1062 = vector.shape_cast %get3A_1061 : vector<1x16xf32> to vector<16xf32>
      %add3A_1063 = arith.addf %add3A_1057, %get3A_1062 : vector<16xf32>
      %get3A_1064 = arith.constant 6 : i32
      %get3A_1065 = arith.index_cast %get3A_1064 : i32 to index
      %get3A_1066 = arith.constant 80 : index
      %get3A_1067 = tpu.vector_load %arg9[%get3A_1065, %get3A_1066] {strides = array<i32>} : memref<16x128xf32, #tpu.memory_space<vmem>>, vector<1x16xf32>,
      %get3A_1068 = vector.shape_cast %get3A_1067 : vector<1x16xf32> to vector<16xf32>
      %add3A_1069 = arith.addf %add3A_1063, %get3A_1068 : vector<16xf32>
      %get3A_1070 = arith.constant 6 : i32
      %get3A_1071 = arith.index_cast %get3A_1070 : i32 to index
      %get3A_1072 = arith.constant 96 : index
      %get3A_1073 = tpu.vector_load %arg9[%get3A_1071, %get3A_1072] {strides = array<i32>} : memref<16x128xf32, #tpu.memory_space<vmem>>, vector<1x16xf32>,
      %get3A_1074 = vector.shape_cast %get3A_1073 : vector<1x16xf32> to vector<16xf32>
      %add3A_1075 = arith.addf %add3A_1069, %get3A_1074 : vector<16xf32>
      %get3A_1076 = arith.constant 6 : i32
      %get3A_1077 = arith.index_cast %get3A_1076 : i32 to index
      %get3A_1078 = arith.constant 112 : index
      %get3A_1079 = tpu.vector_load %arg9[%get3A_1077, %get3A_1078] {strides = array<i32>} : memref<16x128xf32, #tpu.memory_space<vmem>>, vector<1x16xf32>,
      %get3A_1080 = vector.shape_cast %get3A_1079 : vector<1x16xf32> to vector<16xf32>
      %add3A_1081 = arith.addf %add3A_1075, %get3A_1080 : vector<16xf32>
      %get3A_1082 = arith.constant 7 : i32
      %get3A_1083 = arith.index_cast %get3A_1082 : i32 to index
      %get3A_1084 = arith.constant 0 : index
      %get3A_1085 = tpu.vector_load %arg9[%get3A_1083, %get3A_1084] {strides = array<i32>} : memref<16x128xf32, #tpu.memory_space<vmem>>, vector<1x16xf32>,
      %get3A_1086 = vector.shape_cast %get3A_1085 : vector<1x16xf32> to vector<16xf32>
      %add3A_1087 = arith.addf %add3A_1081, %get3A_1086 : vector<16xf32>
      %get3A_1088 = arith.constant 7 : i32
      %get3A_1089 = arith.index_cast %get3A_1088 : i32 to index
      %get3A_1090 = arith.constant 16 : index
      %get3A_1091 = tpu.vector_load %arg9[%get3A_1089, %get3A_1090] {strides = array<i32>} : memref<16x128xf32, #tpu.memory_space<vmem>>, vector<1x16xf32>,
      %get3A_1092 = vector.shape_cast %get3A_1091 : vector<1x16xf32> to vector<16xf32>
      %add3A_1093 = arith.addf %add3A_1087, %get3A_1092 : vector<16xf32>
      %get3A_1094 = arith.constant 7 : i32
      %get3A_1095 = arith.index_cast %get3A_1094 : i32 to index
      %get3A_1096 = arith.constant 32 : index
      %get3A_1097 = tpu.vector_load %arg9[%get3A_1095, %get3A_1096] {strides = array<i32>} : memref<16x128xf32, #tpu.memory_space<vmem>>, vector<1x16xf32>,
      %get3A_1098 = vector.shape_cast %get3A_1097 : vector<1x16xf32> to vector<16xf32>
      %add3A_1099 = arith.addf %add3A_1093, %get3A_1098 : vector<16xf32>
      %get3A_1100 = arith.constant 7 : i32
      %get3A_1101 = arith.index_cast %get3A_1100 : i32 to index
      %get3A_1102 = arith.constant 48 : index
      %get3A_1103 = tpu.vector_load %arg9[%get3A_1101, %get3A_1102] {strides = array<i32>} : memref<16x128xf32, #tpu.memory_space<vmem>>, vector<1x16xf32>,
      %get3A_1104 = vector.shape_cast %get3A_1103 : vector<1x16xf32> to vector<16xf32>
      %add3A_1105 = arith.addf %add3A_1099, %get3A_1104 : vector<16xf32>
      %get3A_1106 = arith.constant 7 : i32
      %get3A_1107 = arith.index_cast %get3A_1106 : i32 to index
      %get3A_1108 = arith.constant 64 : index
      %get3A_1109 = tpu.vector_load %arg9[%get3A_1107, %get3A_1108] {strides = array<i32>} : memref<16x128xf32, #tpu.memory_space<vmem>>, vector<1x16xf32>,
      %get3A_1110 = vector.shape_cast %get3A_1109 : vector<1x16xf32> to vector<16xf32>
      %add3A_1111 = arith.addf %add3A_1105, %get3A_1110 : vector<16xf32>
      %get3A_1112 = arith.constant 7 : i32
      %get3A_1113 = arith.index_cast %get3A_1112 : i32 to index
      %get3A_1114 = arith.constant 80 : index
      %get3A_1115 = tpu.vector_load %arg9[%get3A_1113, %get3A_1114] {strides = array<i32>} : memref<16x128xf32, #tpu.memory_space<vmem>>, vector<1x16xf32>,
      %get3A_1116 = vector.shape_cast %get3A_1115 : vector<1x16xf32> to vector<16xf32>
      %add3A_1117 = arith.addf %add3A_1111, %get3A_1116 : vector<16xf32>
      %get3A_1118 = arith.constant 7 : i32
      %get3A_1119 = arith.index_cast %get3A_1118 : i32 to index
      %get3A_1120 = arith.constant 96 : index
      %get3A_1121 = tpu.vector_load %arg9[%get3A_1119, %get3A_1120] {strides = array<i32>} : memref<16x128xf32, #tpu.memory_space<vmem>>, vector<1x16xf32>,
      %get3A_1122 = vector.shape_cast %get3A_1121 : vector<1x16xf32> to vector<16xf32>
      %add3A_1123 = arith.addf %add3A_1117, %get3A_1122 : vector<16xf32>
      %get3A_1124 = arith.constant 7 : i32
      %get3A_1125 = arith.index_cast %get3A_1124 : i32 to index
      %get3A_1126 = arith.constant 112 : index
      %get3A_1127 = tpu.vector_load %arg9[%get3A_1125, %get3A_1126] {strides = array<i32>} : memref<16x128xf32, #tpu.memory_space<vmem>>, vector<1x16xf32>,
      %get3A_1128 = vector.shape_cast %get3A_1127 : vector<1x16xf32> to vector<16xf32>
      %mul3A_1129 = arith.mulf %get3A_1128, %select_n3A_444 : vector<16xf32>
      %add3A_1130 = arith.addf %add3A_1123, %mul3A_1129 : vector<16xf32>
      %lt3A_1131 = arith.constant 15 : i32
      %lt3A_1132 = arith.cmpi slt, %scan3A_653, %lt3A_1131 : i32
      %convert_element_type3A = arith.extui %lt3A_1132 : i1 to i32
      %cond3A = arith.constant 0 : i32
      %cond3A_1133 = arith.cmpi ne, %convert_element_type3A, %cond3A : i32
      scf.if %cond3A_1133 {
        %add3A_1615 = arith.constant 1 : i32
        %add3A_1616 = arith.addi %scan3A_653, %add3A_1615 : i32
        %mul3A_1617 = arith.constant 16 : i32
        %mul3A_1618 = arith.muli %add3A_1616, %mul3A_1617 : i32
        %add3A_1619 = arith.constant 0 : i32
        %add3A_1620 = arith.addi %mul3A_1618, %add3A_1619 : i32
        %dma_start3A_1621 = arith.constant 0 : i32
        %dma_start3A_1622 = arith.constant 0 : i32
        %dma_start3A_1623 = tpu.memref_slice %arg9[%dma_start3A_1621, %dma_start3A_1622] : memref<16x128xf32, #tpu.memory_space<vmem>> -> memref<1x128xf32, #tpu.memory_space<vmem>>
        %dma_start3A_1624 = tpu.memref_squeeze %dma_start3A_1623 : memref<1x128xf32, #tpu.memory_space<vmem>> -> memref<128xf32, #tpu.memory_space<vmem>>
        %dma_start3A_1625 = arith.constant 0 : i32
        %dma_start3A_1626 = tpu.memref_slice %arg8[%add3A_1620, %dma_start3A_1625] : memref<256x128xi32, #tpu.memory_space<vmem>> -> memref<1x128xi32, #tpu.memory_space<vmem>>
        %dma_start3A_1627 = tpu.memref_squeeze %dma_start3A_1626 : memref<1x128xi32, #tpu.memory_space<vmem>> -> memref<128xi32, #tpu.memory_space<vmem>>
        %dma_start3A_1628 = arith.constant 0 : i32
        %dma_start3A_1629 = tpu.memref_slice %arg2[%dma_start3A_1628] : memref<4194304xf32, #tpu.memory_space<hbm>> -> memref<4194304xf32, #tpu.memory_space<hbm>>
        tpu.enqueue_indirect_dma source(%dma_start3A_1629 : memref<4194304xf32, #tpu.memory_space<hbm>>) target(%dma_start3A_1624 : memref<128xf32, #tpu.memory_space<vmem>>) offsets(%dma_start3A_1627 : memref<128xi32, #tpu.memory_space<vmem>>) semaphore(%arg21 : memref<!tpu.dma_semaphore, #tpu.memory_space<semaphore_mem>>)
        %add3A_1630 = arith.constant 1 : i32
        %add3A_1631 = arith.addi %scan3A_653, %add3A_1630 : i32
        %mul3A_1632 = arith.constant 16 : i32
        %mul3A_1633 = arith.muli %add3A_1631, %mul3A_1632 : i32
        %add3A_1634 = arith.constant 1 : i32
        %add3A_1635 = arith.addi %mul3A_1633, %add3A_1634 : i32
        %dma_start3A_1636 = arith.constant 1 : i32
        %dma_start3A_1637 = arith.constant 0 : i32
        %dma_start3A_1638 = tpu.memref_slice %arg9[%dma_start3A_1636, %dma_start3A_1637] : memref<16x128xf32, #tpu.memory_space<vmem>> -> memref<1x128xf32, #tpu.memory_space<vmem>>
        %dma_start3A_1639 = tpu.memref_squeeze %dma_start3A_1638 : memref<1x128xf32, #tpu.memory_space<vmem>> -> memref<128xf32, #tpu.memory_space<vmem>>
        %dma_start3A_1640 = arith.constant 0 : i32
        %dma_start3A_1641 = tpu.memref_slice %arg8[%add3A_1635, %dma_start3A_1640] : memref<256x128xi32, #tpu.memory_space<vmem>> -> memref<1x128xi32, #tpu.memory_space<vmem>>
        %dma_start3A_1642 = tpu.memref_squeeze %dma_start3A_1641 : memref<1x128xi32, #tpu.memory_space<vmem>> -> memref<128xi32, #tpu.memory_space<vmem>>
        %dma_start3A_1643 = arith.constant 0 : i32
        %dma_start3A_1644 = tpu.memref_slice %arg2[%dma_start3A_1643] : memref<4194304xf32, #tpu.memory_space<hbm>> -> memref<4194304xf32, #tpu.memory_space<hbm>>
        tpu.enqueue_indirect_dma source(%dma_start3A_1644 : memref<4194304xf32, #tpu.memory_space<hbm>>) target(%dma_start3A_1639 : memref<128xf32, #tpu.memory_space<vmem>>) offsets(%dma_start3A_1642 : memref<128xi32, #tpu.memory_space<vmem>>) semaphore(%arg21 : memref<!tpu.dma_semaphore, #tpu.memory_space<semaphore_mem>>)
        %add3A_1645 = arith.constant 1 : i32
        %add3A_1646 = arith.addi %scan3A_653, %add3A_1645 : i32
        %mul3A_1647 = arith.constant 16 : i32
        %mul3A_1648 = arith.muli %add3A_1646, %mul3A_1647 : i32
        %add3A_1649 = arith.constant 2 : i32
        %add3A_1650 = arith.addi %mul3A_1648, %add3A_1649 : i32
        %dma_start3A_1651 = arith.constant 2 : i32
        %dma_start3A_1652 = arith.constant 0 : i32
        %dma_start3A_1653 = tpu.memref_slice %arg9[%dma_start3A_1651, %dma_start3A_1652] : memref<16x128xf32, #tpu.memory_space<vmem>> -> memref<1x128xf32, #tpu.memory_space<vmem>>
        %dma_start3A_1654 = tpu.memref_squeeze %dma_start3A_1653 : memref<1x128xf32, #tpu.memory_space<vmem>> -> memref<128xf32, #tpu.memory_space<vmem>>
        %dma_start3A_1655 = arith.constant 0 : i32
        %dma_start3A_1656 = tpu.memref_slice %arg8[%add3A_1650, %dma_start3A_1655] : memref<256x128xi32, #tpu.memory_space<vmem>> -> memref<1x128xi32, #tpu.memory_space<vmem>>
        %dma_start3A_1657 = tpu.memref_squeeze %dma_start3A_1656 : memref<1x128xi32, #tpu.memory_space<vmem>> -> memref<128xi32, #tpu.memory_space<vmem>>
        %dma_start3A_1658 = arith.constant 0 : i32
        %dma_start3A_1659 = tpu.memref_slice %arg2[%dma_start3A_1658] : memref<4194304xf32, #tpu.memory_space<hbm>> -> memref<4194304xf32, #tpu.memory_space<hbm>>
        tpu.enqueue_indirect_dma source(%dma_start3A_1659 : memref<4194304xf32, #tpu.memory_space<hbm>>) target(%dma_start3A_1654 : memref<128xf32, #tpu.memory_space<vmem>>) offsets(%dma_start3A_1657 : memref<128xi32, #tpu.memory_space<vmem>>) semaphore(%arg21 : memref<!tpu.dma_semaphore, #tpu.memory_space<semaphore_mem>>)
        %add3A_1660 = arith.constant 1 : i32
        %add3A_1661 = arith.addi %scan3A_653, %add3A_1660 : i32
        %mul3A_1662 = arith.constant 16 : i32
        %mul3A_1663 = arith.muli %add3A_1661, %mul3A_1662 : i32
        %add3A_1664 = arith.constant 3 : i32
        %add3A_1665 = arith.addi %mul3A_1663, %add3A_1664 : i32
        %dma_start3A_1666 = arith.constant 3 : i32
        %dma_start3A_1667 = arith.constant 0 : i32
        %dma_start3A_1668 = tpu.memref_slice %arg9[%dma_start3A_1666, %dma_start3A_1667] : memref<16x128xf32, #tpu.memory_space<vmem>> -> memref<1x128xf32, #tpu.memory_space<vmem>>
        %dma_start3A_1669 = tpu.memref_squeeze %dma_start3A_1668 : memref<1x128xf32, #tpu.memory_space<vmem>> -> memref<128xf32, #tpu.memory_space<vmem>>
        %dma_start3A_1670 = arith.constant 0 : i32
        %dma_start3A_1671 = tpu.memref_slice %arg8[%add3A_1665, %dma_start3A_1670] : memref<256x128xi32, #tpu.memory_space<vmem>> -> memref<1x128xi32, #tpu.memory_space<vmem>>
        %dma_start3A_1672 = tpu.memref_squeeze %dma_start3A_1671 : memref<1x128xi32, #tpu.memory_space<vmem>> -> memref<128xi32, #tpu.memory_space<vmem>>
        %dma_start3A_1673 = arith.constant 0 : i32
        %dma_start3A_1674 = tpu.memref_slice %arg2[%dma_start3A_1673] : memref<4194304xf32, #tpu.memory_space<hbm>> -> memref<4194304xf32, #tpu.memory_space<hbm>>
        tpu.enqueue_indirect_dma source(%dma_start3A_1674 : memref<4194304xf32, #tpu.memory_space<hbm>>) target(%dma_start3A_1669 : memref<128xf32, #tpu.memory_space<vmem>>) offsets(%dma_start3A_1672 : memref<128xi32, #tpu.memory_space<vmem>>) semaphore(%arg21 : memref<!tpu.dma_semaphore, #tpu.memory_space<semaphore_mem>>)
        %add3A_1675 = arith.constant 1 : i32
        %add3A_1676 = arith.addi %scan3A_653, %add3A_1675 : i32
        %mul3A_1677 = arith.constant 16 : i32
        %mul3A_1678 = arith.muli %add3A_1676, %mul3A_1677 : i32
        %add3A_1679 = arith.constant 4 : i32
        %add3A_1680 = arith.addi %mul3A_1678, %add3A_1679 : i32
        %dma_start3A_1681 = arith.constant 4 : i32
        %dma_start3A_1682 = arith.constant 0 : i32
        %dma_start3A_1683 = tpu.memref_slice %arg9[%dma_start3A_1681, %dma_start3A_1682] : memref<16x128xf32, #tpu.memory_space<vmem>> -> memref<1x128xf32, #tpu.memory_space<vmem>>
        %dma_start3A_1684 = tpu.memref_squeeze %dma_start3A_1683 : memref<1x128xf32, #tpu.memory_space<vmem>> -> memref<128xf32, #tpu.memory_space<vmem>>
        %dma_start3A_1685 = arith.constant 0 : i32
        %dma_start3A_1686 = tpu.memref_slice %arg8[%add3A_1680, %dma_start3A_1685] : memref<256x128xi32, #tpu.memory_space<vmem>> -> memref<1x128xi32, #tpu.memory_space<vmem>>
        %dma_start3A_1687 = tpu.memref_squeeze %dma_start3A_1686 : memref<1x128xi32, #tpu.memory_space<vmem>> -> memref<128xi32, #tpu.memory_space<vmem>>
        %dma_start3A_1688 = arith.constant 0 : i32
        %dma_start3A_1689 = tpu.memref_slice %arg2[%dma_start3A_1688] : memref<4194304xf32, #tpu.memory_space<hbm>> -> memref<4194304xf32, #tpu.memory_space<hbm>>
        tpu.enqueue_indirect_dma source(%dma_start3A_1689 : memref<4194304xf32, #tpu.memory_space<hbm>>) target(%dma_start3A_1684 : memref<128xf32, #tpu.memory_space<vmem>>) offsets(%dma_start3A_1687 : memref<128xi32, #tpu.memory_space<vmem>>) semaphore(%arg21 : memref<!tpu.dma_semaphore, #tpu.memory_space<semaphore_mem>>)
        %add3A_1690 = arith.constant 1 : i32
        %add3A_1691 = arith.addi %scan3A_653, %add3A_1690 : i32
        %mul3A_1692 = arith.constant 16 : i32
        %mul3A_1693 = arith.muli %add3A_1691, %mul3A_1692 : i32
        %add3A_1694 = arith.constant 5 : i32
        %add3A_1695 = arith.addi %mul3A_1693, %add3A_1694 : i32
        %dma_start3A_1696 = arith.constant 5 : i32
        %dma_start3A_1697 = arith.constant 0 : i32
        %dma_start3A_1698 = tpu.memref_slice %arg9[%dma_start3A_1696, %dma_start3A_1697] : memref<16x128xf32, #tpu.memory_space<vmem>> -> memref<1x128xf32, #tpu.memory_space<vmem>>
        %dma_start3A_1699 = tpu.memref_squeeze %dma_start3A_1698 : memref<1x128xf32, #tpu.memory_space<vmem>> -> memref<128xf32, #tpu.memory_space<vmem>>
        %dma_start3A_1700 = arith.constant 0 : i32
        %dma_start3A_1701 = tpu.memref_slice %arg8[%add3A_1695, %dma_start3A_1700] : memref<256x128xi32, #tpu.memory_space<vmem>> -> memref<1x128xi32, #tpu.memory_space<vmem>>
        %dma_start3A_1702 = tpu.memref_squeeze %dma_start3A_1701 : memref<1x128xi32, #tpu.memory_space<vmem>> -> memref<128xi32, #tpu.memory_space<vmem>>
        %dma_start3A_1703 = arith.constant 0 : i32
        %dma_start3A_1704 = tpu.memref_slice %arg2[%dma_start3A_1703] : memref<4194304xf32, #tpu.memory_space<hbm>> -> memref<4194304xf32, #tpu.memory_space<hbm>>
        tpu.enqueue_indirect_dma source(%dma_start3A_1704 : memref<4194304xf32, #tpu.memory_space<hbm>>) target(%dma_start3A_1699 : memref<128xf32, #tpu.memory_space<vmem>>) offsets(%dma_start3A_1702 : memref<128xi32, #tpu.memory_space<vmem>>) semaphore(%arg21 : memref<!tpu.dma_semaphore, #tpu.memory_space<semaphore_mem>>)
        %add3A_1705 = arith.constant 1 : i32
        %add3A_1706 = arith.addi %scan3A_653, %add3A_1705 : i32
        %mul3A_1707 = arith.constant 16 : i32
        %mul3A_1708 = arith.muli %add3A_1706, %mul3A_1707 : i32
        %add3A_1709 = arith.constant 6 : i32
        %add3A_1710 = arith.addi %mul3A_1708, %add3A_1709 : i32
        %dma_start3A_1711 = arith.constant 6 : i32
        %dma_start3A_1712 = arith.constant 0 : i32
        %dma_start3A_1713 = tpu.memref_slice %arg9[%dma_start3A_1711, %dma_start3A_1712] : memref<16x128xf32, #tpu.memory_space<vmem>> -> memref<1x128xf32, #tpu.memory_space<vmem>>
        %dma_start3A_1714 = tpu.memref_squeeze %dma_start3A_1713 : memref<1x128xf32, #tpu.memory_space<vmem>> -> memref<128xf32, #tpu.memory_space<vmem>>
        %dma_start3A_1715 = arith.constant 0 : i32
        %dma_start3A_1716 = tpu.memref_slice %arg8[%add3A_1710, %dma_start3A_1715] : memref<256x128xi32, #tpu.memory_space<vmem>> -> memref<1x128xi32, #tpu.memory_space<vmem>>
        %dma_start3A_1717 = tpu.memref_squeeze %dma_start3A_1716 : memref<1x128xi32, #tpu.memory_space<vmem>> -> memref<128xi32, #tpu.memory_space<vmem>>
        %dma_start3A_1718 = arith.constant 0 : i32
        %dma_start3A_1719 = tpu.memref_slice %arg2[%dma_start3A_1718] : memref<4194304xf32, #tpu.memory_space<hbm>> -> memref<4194304xf32, #tpu.memory_space<hbm>>
        tpu.enqueue_indirect_dma source(%dma_start3A_1719 : memref<4194304xf32, #tpu.memory_space<hbm>>) target(%dma_start3A_1714 : memref<128xf32, #tpu.memory_space<vmem>>) offsets(%dma_start3A_1717 : memref<128xi32, #tpu.memory_space<vmem>>) semaphore(%arg21 : memref<!tpu.dma_semaphore, #tpu.memory_space<semaphore_mem>>)
        %add3A_1720 = arith.constant 1 : i32
        %add3A_1721 = arith.addi %scan3A_653, %add3A_1720 : i32
        %mul3A_1722 = arith.constant 16 : i32
        %mul3A_1723 = arith.muli %add3A_1721, %mul3A_1722 : i32
        %add3A_1724 = arith.constant 7 : i32
        %add3A_1725 = arith.addi %mul3A_1723, %add3A_1724 : i32
        %dma_start3A_1726 = arith.constant 7 : i32
        %dma_start3A_1727 = arith.constant 0 : i32
        %dma_start3A_1728 = tpu.memref_slice %arg9[%dma_start3A_1726, %dma_start3A_1727] : memref<16x128xf32, #tpu.memory_space<vmem>> -> memref<1x128xf32, #tpu.memory_space<vmem>>
        %dma_start3A_1729 = tpu.memref_squeeze %dma_start3A_1728 : memref<1x128xf32, #tpu.memory_space<vmem>> -> memref<128xf32, #tpu.memory_space<vmem>>
        %dma_start3A_1730 = arith.constant 0 : i32
        %dma_start3A_1731 = tpu.memref_slice %arg8[%add3A_1725, %dma_start3A_1730] : memref<256x128xi32, #tpu.memory_space<vmem>> -> memref<1x128xi32, #tpu.memory_space<vmem>>
        %dma_start3A_1732 = tpu.memref_squeeze %dma_start3A_1731 : memref<1x128xi32, #tpu.memory_space<vmem>> -> memref<128xi32, #tpu.memory_space<vmem>>
        %dma_start3A_1733 = arith.constant 0 : i32
        %dma_start3A_1734 = tpu.memref_slice %arg2[%dma_start3A_1733] : memref<4194304xf32, #tpu.memory_space<hbm>> -> memref<4194304xf32, #tpu.memory_space<hbm>>
        tpu.enqueue_indirect_dma source(%dma_start3A_1734 : memref<4194304xf32, #tpu.memory_space<hbm>>) target(%dma_start3A_1729 : memref<128xf32, #tpu.memory_space<vmem>>) offsets(%dma_start3A_1732 : memref<128xi32, #tpu.memory_space<vmem>>) semaphore(%arg21 : memref<!tpu.dma_semaphore, #tpu.memory_space<semaphore_mem>>)
      } else {
      }
      %dma_wait3A_1134 = arith.constant 8 : i32
      %dma_wait3A_1135 = arith.constant 0 : i32
      %dma_wait3A_1136 = tpu.memref_slice %arg9[%dma_wait3A_1134, %dma_wait3A_1135] : memref<16x128xf32, #tpu.memory_space<vmem>> -> memref<1x128xf32, #tpu.memory_space<vmem>>
      %dma_wait3A_1137 = tpu.memref_squeeze %dma_wait3A_1136 : memref<1x128xf32, #tpu.memory_space<vmem>> -> memref<128xf32, #tpu.memory_space<vmem>>
      %dma_wait3A_1138 = arith.constant 0 : i32
      %dma_wait3A_1139 = tpu.memref_slice %arg2[%dma_wait3A_1138] : memref<4194304xf32, #tpu.memory_space<hbm>> -> memref<128xf32, #tpu.memory_space<hbm>>
      %dma_wait3A_1140 = arith.constant 0 : i32
      %dma_wait3A_1141 = tpu.memref_slice %arg9[%dma_wait3A_1134, %dma_wait3A_1140] : memref<16x128xf32, #tpu.memory_space<vmem>> -> memref<1x128xf32, #tpu.memory_space<vmem>>
      %dma_wait3A_1142 = tpu.memref_squeeze %dma_wait3A_1141 : memref<1x128xf32, #tpu.memory_space<vmem>> -> memref<128xf32, #tpu.memory_space<vmem>>
      %dma_wait3A_1143 = arith.constant 0 : i32
      %dma_wait3A_1144 = tpu.memref_slice %arg2[%dma_wait3A_1143] : memref<4194304xf32, #tpu.memory_space<hbm>> -> memref<128xf32, #tpu.memory_space<hbm>>
      tpu.wait_dma2 semaphore(%arg22 : memref<!tpu.dma_semaphore, #tpu.memory_space<semaphore_mem>>) src(%dma_wait3A_1144 : memref<128xf32, #tpu.memory_space<hbm>>) dst(%dma_wait3A_1142 : memref<128xf32, #tpu.memory_space<vmem>>)
      %dma_wait3A_1145 = arith.constant 9 : i32
      %dma_wait3A_1146 = arith.constant 0 : i32
      %dma_wait3A_1147 = tpu.memref_slice %arg9[%dma_wait3A_1145, %dma_wait3A_1146] : memref<16x128xf32, #tpu.memory_space<vmem>> -> memref<1x128xf32, #tpu.memory_space<vmem>>
      %dma_wait3A_1148 = tpu.memref_squeeze %dma_wait3A_1147 : memref<1x128xf32, #tpu.memory_space<vmem>> -> memref<128xf32, #tpu.memory_space<vmem>>
      %dma_wait3A_1149 = arith.constant 0 : i32
      %dma_wait3A_1150 = tpu.memref_slice %arg2[%dma_wait3A_1149] : memref<4194304xf32, #tpu.memory_space<hbm>> -> memref<128xf32, #tpu.memory_space<hbm>>
      %dma_wait3A_1151 = arith.constant 0 : i32
      %dma_wait3A_1152 = tpu.memref_slice %arg9[%dma_wait3A_1145, %dma_wait3A_1151] : memref<16x128xf32, #tpu.memory_space<vmem>> -> memref<1x128xf32, #tpu.memory_space<vmem>>
      %dma_wait3A_1153 = tpu.memref_squeeze %dma_wait3A_1152 : memref<1x128xf32, #tpu.memory_space<vmem>> -> memref<128xf32, #tpu.memory_space<vmem>>
      %dma_wait3A_1154 = arith.constant 0 : i32
      %dma_wait3A_1155 = tpu.memref_slice %arg2[%dma_wait3A_1154] : memref<4194304xf32, #tpu.memory_space<hbm>> -> memref<128xf32, #tpu.memory_space<hbm>>
      tpu.wait_dma2 semaphore(%arg22 : memref<!tpu.dma_semaphore, #tpu.memory_space<semaphore_mem>>) src(%dma_wait3A_1155 : memref<128xf32, #tpu.memory_space<hbm>>) dst(%dma_wait3A_1153 : memref<128xf32, #tpu.memory_space<vmem>>)
      %dma_wait3A_1156 = arith.constant 10 : i32
      %dma_wait3A_1157 = arith.constant 0 : i32
      %dma_wait3A_1158 = tpu.memref_slice %arg9[%dma_wait3A_1156, %dma_wait3A_1157] : memref<16x128xf32, #tpu.memory_space<vmem>> -> memref<1x128xf32, #tpu.memory_space<vmem>>
      %dma_wait3A_1159 = tpu.memref_squeeze %dma_wait3A_1158 : memref<1x128xf32, #tpu.memory_space<vmem>> -> memref<128xf32, #tpu.memory_space<vmem>>
      %dma_wait3A_1160 = arith.constant 0 : i32
      %dma_wait3A_1161 = tpu.memref_slice %arg2[%dma_wait3A_1160] : memref<4194304xf32, #tpu.memory_space<hbm>> -> memref<128xf32, #tpu.memory_space<hbm>>
      %dma_wait3A_1162 = arith.constant 0 : i32
      %dma_wait3A_1163 = tpu.memref_slice %arg9[%dma_wait3A_1156, %dma_wait3A_1162] : memref<16x128xf32, #tpu.memory_space<vmem>> -> memref<1x128xf32, #tpu.memory_space<vmem>>
      %dma_wait3A_1164 = tpu.memref_squeeze %dma_wait3A_1163 : memref<1x128xf32, #tpu.memory_space<vmem>> -> memref<128xf32, #tpu.memory_space<vmem>>
      %dma_wait3A_1165 = arith.constant 0 : i32
      %dma_wait3A_1166 = tpu.memref_slice %arg2[%dma_wait3A_1165] : memref<4194304xf32, #tpu.memory_space<hbm>> -> memref<128xf32, #tpu.memory_space<hbm>>
      tpu.wait_dma2 semaphore(%arg22 : memref<!tpu.dma_semaphore, #tpu.memory_space<semaphore_mem>>) src(%dma_wait3A_1166 : memref<128xf32, #tpu.memory_space<hbm>>) dst(%dma_wait3A_1164 : memref<128xf32, #tpu.memory_space<vmem>>)
      %dma_wait3A_1167 = arith.constant 11 : i32
      %dma_wait3A_1168 = arith.constant 0 : i32
      %dma_wait3A_1169 = tpu.memref_slice %arg9[%dma_wait3A_1167, %dma_wait3A_1168] : memref<16x128xf32, #tpu.memory_space<vmem>> -> memref<1x128xf32, #tpu.memory_space<vmem>>
      %dma_wait3A_1170 = tpu.memref_squeeze %dma_wait3A_1169 : memref<1x128xf32, #tpu.memory_space<vmem>> -> memref<128xf32, #tpu.memory_space<vmem>>
      %dma_wait3A_1171 = arith.constant 0 : i32
      %dma_wait3A_1172 = tpu.memref_slice %arg2[%dma_wait3A_1171] : memref<4194304xf32, #tpu.memory_space<hbm>> -> memref<128xf32, #tpu.memory_space<hbm>>
      %dma_wait3A_1173 = arith.constant 0 : i32
      %dma_wait3A_1174 = tpu.memref_slice %arg9[%dma_wait3A_1167, %dma_wait3A_1173] : memref<16x128xf32, #tpu.memory_space<vmem>> -> memref<1x128xf32, #tpu.memory_space<vmem>>
      %dma_wait3A_1175 = tpu.memref_squeeze %dma_wait3A_1174 : memref<1x128xf32, #tpu.memory_space<vmem>> -> memref<128xf32, #tpu.memory_space<vmem>>
      %dma_wait3A_1176 = arith.constant 0 : i32
      %dma_wait3A_1177 = tpu.memref_slice %arg2[%dma_wait3A_1176] : memref<4194304xf32, #tpu.memory_space<hbm>> -> memref<128xf32, #tpu.memory_space<hbm>>
      tpu.wait_dma2 semaphore(%arg22 : memref<!tpu.dma_semaphore, #tpu.memory_space<semaphore_mem>>) src(%dma_wait3A_1177 : memref<128xf32, #tpu.memory_space<hbm>>) dst(%dma_wait3A_1175 : memref<128xf32, #tpu.memory_space<vmem>>)
      %dma_wait3A_1178 = arith.constant 12 : i32
      %dma_wait3A_1179 = arith.constant 0 : i32
      %dma_wait3A_1180 = tpu.memref_slice %arg9[%dma_wait3A_1178, %dma_wait3A_1179] : memref<16x128xf32, #tpu.memory_space<vmem>> -> memref<1x128xf32, #tpu.memory_space<vmem>>
      %dma_wait3A_1181 = tpu.memref_squeeze %dma_wait3A_1180 : memref<1x128xf32, #tpu.memory_space<vmem>> -> memref<128xf32, #tpu.memory_space<vmem>>
      %dma_wait3A_1182 = arith.constant 0 : i32
      %dma_wait3A_1183 = tpu.memref_slice %arg2[%dma_wait3A_1182] : memref<4194304xf32, #tpu.memory_space<hbm>> -> memref<128xf32, #tpu.memory_space<hbm>>
      %dma_wait3A_1184 = arith.constant 0 : i32
      %dma_wait3A_1185 = tpu.memref_slice %arg9[%dma_wait3A_1178, %dma_wait3A_1184] : memref<16x128xf32, #tpu.memory_space<vmem>> -> memref<1x128xf32, #tpu.memory_space<vmem>>
      %dma_wait3A_1186 = tpu.memref_squeeze %dma_wait3A_1185 : memref<1x128xf32, #tpu.memory_space<vmem>> -> memref<128xf32, #tpu.memory_space<vmem>>
      %dma_wait3A_1187 = arith.constant 0 : i32
      %dma_wait3A_1188 = tpu.memref_slice %arg2[%dma_wait3A_1187] : memref<4194304xf32, #tpu.memory_space<hbm>> -> memref<128xf32, #tpu.memory_space<hbm>>
      tpu.wait_dma2 semaphore(%arg22 : memref<!tpu.dma_semaphore, #tpu.memory_space<semaphore_mem>>) src(%dma_wait3A_1188 : memref<128xf32, #tpu.memory_space<hbm>>) dst(%dma_wait3A_1186 : memref<128xf32, #tpu.memory_space<vmem>>)
      %dma_wait3A_1189 = arith.constant 13 : i32
      %dma_wait3A_1190 = arith.constant 0 : i32
      %dma_wait3A_1191 = tpu.memref_slice %arg9[%dma_wait3A_1189, %dma_wait3A_1190] : memref<16x128xf32, #tpu.memory_space<vmem>> -> memref<1x128xf32, #tpu.memory_space<vmem>>
      %dma_wait3A_1192 = tpu.memref_squeeze %dma_wait3A_1191 : memref<1x128xf32, #tpu.memory_space<vmem>> -> memref<128xf32, #tpu.memory_space<vmem>>
      %dma_wait3A_1193 = arith.constant 0 : i32
      %dma_wait3A_1194 = tpu.memref_slice %arg2[%dma_wait3A_1193] : memref<4194304xf32, #tpu.memory_space<hbm>> -> memref<128xf32, #tpu.memory_space<hbm>>
      %dma_wait3A_1195 = arith.constant 0 : i32
      %dma_wait3A_1196 = tpu.memref_slice %arg9[%dma_wait3A_1189, %dma_wait3A_1195] : memref<16x128xf32, #tpu.memory_space<vmem>> -> memref<1x128xf32, #tpu.memory_space<vmem>>
      %dma_wait3A_1197 = tpu.memref_squeeze %dma_wait3A_1196 : memref<1x128xf32, #tpu.memory_space<vmem>> -> memref<128xf32, #tpu.memory_space<vmem>>
      %dma_wait3A_1198 = arith.constant 0 : i32
      %dma_wait3A_1199 = tpu.memref_slice %arg2[%dma_wait3A_1198] : memref<4194304xf32, #tpu.memory_space<hbm>> -> memref<128xf32, #tpu.memory_space<hbm>>
      tpu.wait_dma2 semaphore(%arg22 : memref<!tpu.dma_semaphore, #tpu.memory_space<semaphore_mem>>) src(%dma_wait3A_1199 : memref<128xf32, #tpu.memory_space<hbm>>) dst(%dma_wait3A_1197 : memref<128xf32, #tpu.memory_space<vmem>>)
      %dma_wait3A_1200 = arith.constant 14 : i32
      %dma_wait3A_1201 = arith.constant 0 : i32
      %dma_wait3A_1202 = tpu.memref_slice %arg9[%dma_wait3A_1200, %dma_wait3A_1201] : memref<16x128xf32, #tpu.memory_space<vmem>> -> memref<1x128xf32, #tpu.memory_space<vmem>>
      %dma_wait3A_1203 = tpu.memref_squeeze %dma_wait3A_1202 : memref<1x128xf32, #tpu.memory_space<vmem>> -> memref<128xf32, #tpu.memory_space<vmem>>
      %dma_wait3A_1204 = arith.constant 0 : i32
      %dma_wait3A_1205 = tpu.memref_slice %arg2[%dma_wait3A_1204] : memref<4194304xf32, #tpu.memory_space<hbm>> -> memref<128xf32, #tpu.memory_space<hbm>>
      %dma_wait3A_1206 = arith.constant 0 : i32
      %dma_wait3A_1207 = tpu.memref_slice %arg9[%dma_wait3A_1200, %dma_wait3A_1206] : memref<16x128xf32, #tpu.memory_space<vmem>> -> memref<1x128xf32, #tpu.memory_space<vmem>>
      %dma_wait3A_1208 = tpu.memref_squeeze %dma_wait3A_1207 : memref<1x128xf32, #tpu.memory_space<vmem>> -> memref<128xf32, #tpu.memory_space<vmem>>
      %dma_wait3A_1209 = arith.constant 0 : i32
      %dma_wait3A_1210 = tpu.memref_slice %arg2[%dma_wait3A_1209] : memref<4194304xf32, #tpu.memory_space<hbm>> -> memref<128xf32, #tpu.memory_space<hbm>>
      tpu.wait_dma2 semaphore(%arg22 : memref<!tpu.dma_semaphore, #tpu.memory_space<semaphore_mem>>) src(%dma_wait3A_1210 : memref<128xf32, #tpu.memory_space<hbm>>) dst(%dma_wait3A_1208 : memref<128xf32, #tpu.memory_space<vmem>>)
      %dma_wait3A_1211 = arith.constant 15 : i32
      %dma_wait3A_1212 = arith.constant 0 : i32
      %dma_wait3A_1213 = tpu.memref_slice %arg9[%dma_wait3A_1211, %dma_wait3A_1212] : memref<16x128xf32, #tpu.memory_space<vmem>> -> memref<1x128xf32, #tpu.memory_space<vmem>>
      %dma_wait3A_1214 = tpu.memref_squeeze %dma_wait3A_1213 : memref<1x128xf32, #tpu.memory_space<vmem>> -> memref<128xf32, #tpu.memory_space<vmem>>
      %dma_wait3A_1215 = arith.constant 0 : i32
      %dma_wait3A_1216 = tpu.memref_slice %arg2[%dma_wait3A_1215] : memref<4194304xf32, #tpu.memory_space<hbm>> -> memref<128xf32, #tpu.memory_space<hbm>>
      %dma_wait3A_1217 = arith.constant 0 : i32
      %dma_wait3A_1218 = tpu.memref_slice %arg9[%dma_wait3A_1211, %dma_wait3A_1217] : memref<16x128xf32, #tpu.memory_space<vmem>> -> memref<1x128xf32, #tpu.memory_space<vmem>>
      %dma_wait3A_1219 = tpu.memref_squeeze %dma_wait3A_1218 : memref<1x128xf32, #tpu.memory_space<vmem>> -> memref<128xf32, #tpu.memory_space<vmem>>
      %dma_wait3A_1220 = arith.constant 0 : i32
      %dma_wait3A_1221 = tpu.memref_slice %arg2[%dma_wait3A_1220] : memref<4194304xf32, #tpu.memory_space<hbm>> -> memref<128xf32, #tpu.memory_space<hbm>>
      tpu.wait_dma2 semaphore(%arg22 : memref<!tpu.dma_semaphore, #tpu.memory_space<semaphore_mem>>) src(%dma_wait3A_1221 : memref<128xf32, #tpu.memory_space<hbm>>) dst(%dma_wait3A_1219 : memref<128xf32, #tpu.memory_space<vmem>>)
      %get3A_1222 = arith.constant 8 : i32
      %get3A_1223 = arith.index_cast %get3A_1222 : i32 to index
      %get3A_1224 = arith.constant 0 : index
      %get3A_1225 = tpu.vector_load %arg9[%get3A_1223, %get3A_1224] {strides = array<i32>} : memref<16x128xf32, #tpu.memory_space<vmem>>, vector<1x16xf32>,
      %get3A_1226 = vector.shape_cast %get3A_1225 : vector<1x16xf32> to vector<16xf32>
      %add3A_1227 = arith.addf %add3A_1130, %get3A_1226 : vector<16xf32>
      %get3A_1228 = arith.constant 8 : i32
      %get3A_1229 = arith.index_cast %get3A_1228 : i32 to index
      %get3A_1230 = arith.constant 16 : index
      %get3A_1231 = tpu.vector_load %arg9[%get3A_1229, %get3A_1230] {strides = array<i32>} : memref<16x128xf32, #tpu.memory_space<vmem>>, vector<1x16xf32>,
      %get3A_1232 = vector.shape_cast %get3A_1231 : vector<1x16xf32> to vector<16xf32>
      %add3A_1233 = arith.addf %add3A_1227, %get3A_1232 : vector<16xf32>
      %get3A_1234 = arith.constant 8 : i32
      %get3A_1235 = arith.index_cast %get3A_1234 : i32 to index
      %get3A_1236 = arith.constant 32 : index
      %get3A_1237 = tpu.vector_load %arg9[%get3A_1235, %get3A_1236] {strides = array<i32>} : memref<16x128xf32, #tpu.memory_space<vmem>>, vector<1x16xf32>,
      %get3A_1238 = vector.shape_cast %get3A_1237 : vector<1x16xf32> to vector<16xf32>
      %add3A_1239 = arith.addf %add3A_1233, %get3A_1238 : vector<16xf32>
      %get3A_1240 = arith.constant 8 : i32
      %get3A_1241 = arith.index_cast %get3A_1240 : i32 to index
      %get3A_1242 = arith.constant 48 : index
      %get3A_1243 = tpu.vector_load %arg9[%get3A_1241, %get3A_1242] {strides = array<i32>} : memref<16x128xf32, #tpu.memory_space<vmem>>, vector<1x16xf32>,
      %get3A_1244 = vector.shape_cast %get3A_1243 : vector<1x16xf32> to vector<16xf32>
      %add3A_1245 = arith.addf %add3A_1239, %get3A_1244 : vector<16xf32>
      %get3A_1246 = arith.constant 8 : i32
      %get3A_1247 = arith.index_cast %get3A_1246 : i32 to index
      %get3A_1248 = arith.constant 64 : index
      %get3A_1249 = tpu.vector_load %arg9[%get3A_1247, %get3A_1248] {strides = array<i32>} : memref<16x128xf32, #tpu.memory_space<vmem>>, vector<1x16xf32>,
      %get3A_1250 = vector.shape_cast %get3A_1249 : vector<1x16xf32> to vector<16xf32>
      %add3A_1251 = arith.addf %add3A_1245, %get3A_1250 : vector<16xf32>
      %get3A_1252 = arith.constant 8 : i32
      %get3A_1253 = arith.index_cast %get3A_1252 : i32 to index
      %get3A_1254 = arith.constant 80 : index
      %get3A_1255 = tpu.vector_load %arg9[%get3A_1253, %get3A_1254] {strides = array<i32>} : memref<16x128xf32, #tpu.memory_space<vmem>>, vector<1x16xf32>,
      %get3A_1256 = vector.shape_cast %get3A_1255 : vector<1x16xf32> to vector<16xf32>
      %add3A_1257 = arith.addf %add3A_1251, %get3A_1256 : vector<16xf32>
      %get3A_1258 = arith.constant 8 : i32
      %get3A_1259 = arith.index_cast %get3A_1258 : i32 to index
      %get3A_1260 = arith.constant 96 : index
      %get3A_1261 = tpu.vector_load %arg9[%get3A_1259, %get3A_1260] {strides = array<i32>} : memref<16x128xf32, #tpu.memory_space<vmem>>, vector<1x16xf32>,
      %get3A_1262 = vector.shape_cast %get3A_1261 : vector<1x16xf32> to vector<16xf32>
      %add3A_1263 = arith.addf %add3A_1257, %get3A_1262 : vector<16xf32>
      %get3A_1264 = arith.constant 8 : i32
      %get3A_1265 = arith.index_cast %get3A_1264 : i32 to index
      %get3A_1266 = arith.constant 112 : index
      %get3A_1267 = tpu.vector_load %arg9[%get3A_1265, %get3A_1266] {strides = array<i32>} : memref<16x128xf32, #tpu.memory_space<vmem>>, vector<1x16xf32>,
      %get3A_1268 = vector.shape_cast %get3A_1267 : vector<1x16xf32> to vector<16xf32>
      %add3A_1269 = arith.addf %add3A_1263, %get3A_1268 : vector<16xf32>
      %get3A_1270 = arith.constant 9 : i32
      %get3A_1271 = arith.index_cast %get3A_1270 : i32 to index
      %get3A_1272 = arith.constant 0 : index
      %get3A_1273 = tpu.vector_load %arg9[%get3A_1271, %get3A_1272] {strides = array<i32>} : memref<16x128xf32, #tpu.memory_space<vmem>>, vector<1x16xf32>,
      %get3A_1274 = vector.shape_cast %get3A_1273 : vector<1x16xf32> to vector<16xf32>
      %add3A_1275 = arith.addf %add3A_1269, %get3A_1274 : vector<16xf32>
      %get3A_1276 = arith.constant 9 : i32
      %get3A_1277 = arith.index_cast %get3A_1276 : i32 to index
      %get3A_1278 = arith.constant 16 : index
      %get3A_1279 = tpu.vector_load %arg9[%get3A_1277, %get3A_1278] {strides = array<i32>} : memref<16x128xf32, #tpu.memory_space<vmem>>, vector<1x16xf32>,
      %get3A_1280 = vector.shape_cast %get3A_1279 : vector<1x16xf32> to vector<16xf32>
      %add3A_1281 = arith.addf %add3A_1275, %get3A_1280 : vector<16xf32>
      %get3A_1282 = arith.constant 9 : i32
      %get3A_1283 = arith.index_cast %get3A_1282 : i32 to index
      %get3A_1284 = arith.constant 32 : index
      %get3A_1285 = tpu.vector_load %arg9[%get3A_1283, %get3A_1284] {strides = array<i32>} : memref<16x128xf32, #tpu.memory_space<vmem>>, vector<1x16xf32>,
      %get3A_1286 = vector.shape_cast %get3A_1285 : vector<1x16xf32> to vector<16xf32>
      %add3A_1287 = arith.addf %add3A_1281, %get3A_1286 : vector<16xf32>
      %get3A_1288 = arith.constant 9 : i32
      %get3A_1289 = arith.index_cast %get3A_1288 : i32 to index
      %get3A_1290 = arith.constant 48 : index
      %get3A_1291 = tpu.vector_load %arg9[%get3A_1289, %get3A_1290] {strides = array<i32>} : memref<16x128xf32, #tpu.memory_space<vmem>>, vector<1x16xf32>,
      %get3A_1292 = vector.shape_cast %get3A_1291 : vector<1x16xf32> to vector<16xf32>
      %add3A_1293 = arith.addf %add3A_1287, %get3A_1292 : vector<16xf32>
      %get3A_1294 = arith.constant 9 : i32
      %get3A_1295 = arith.index_cast %get3A_1294 : i32 to index
      %get3A_1296 = arith.constant 64 : index
      %get3A_1297 = tpu.vector_load %arg9[%get3A_1295, %get3A_1296] {strides = array<i32>} : memref<16x128xf32, #tpu.memory_space<vmem>>, vector<1x16xf32>,
      %get3A_1298 = vector.shape_cast %get3A_1297 : vector<1x16xf32> to vector<16xf32>
      %add3A_1299 = arith.addf %add3A_1293, %get3A_1298 : vector<16xf32>
      %get3A_1300 = arith.constant 9 : i32
      %get3A_1301 = arith.index_cast %get3A_1300 : i32 to index
      %get3A_1302 = arith.constant 80 : index
      %get3A_1303 = tpu.vector_load %arg9[%get3A_1301, %get3A_1302] {strides = array<i32>} : memref<16x128xf32, #tpu.memory_space<vmem>>, vector<1x16xf32>,
      %get3A_1304 = vector.shape_cast %get3A_1303 : vector<1x16xf32> to vector<16xf32>
      %add3A_1305 = arith.addf %add3A_1299, %get3A_1304 : vector<16xf32>
      %get3A_1306 = arith.constant 9 : i32
      %get3A_1307 = arith.index_cast %get3A_1306 : i32 to index
      %get3A_1308 = arith.constant 96 : index
      %get3A_1309 = tpu.vector_load %arg9[%get3A_1307, %get3A_1308] {strides = array<i32>} : memref<16x128xf32, #tpu.memory_space<vmem>>, vector<1x16xf32>,
      %get3A_1310 = vector.shape_cast %get3A_1309 : vector<1x16xf32> to vector<16xf32>
      %add3A_1311 = arith.addf %add3A_1305, %get3A_1310 : vector<16xf32>
      %get3A_1312 = arith.constant 9 : i32
      %get3A_1313 = arith.index_cast %get3A_1312 : i32 to index
      %get3A_1314 = arith.constant 112 : index
      %get3A_1315 = tpu.vector_load %arg9[%get3A_1313, %get3A_1314] {strides = array<i32>} : memref<16x128xf32, #tpu.memory_space<vmem>>, vector<1x16xf32>,
      %get3A_1316 = vector.shape_cast %get3A_1315 : vector<1x16xf32> to vector<16xf32>
      %mul3A_1317 = arith.mulf %get3A_1316, %select_n3A_444 : vector<16xf32>
      %add3A_1318 = arith.addf %add3A_1311, %mul3A_1317 : vector<16xf32>
      %get3A_1319 = arith.constant 10 : i32
      %get3A_1320 = arith.index_cast %get3A_1319 : i32 to index
      %get3A_1321 = arith.constant 0 : index
      %get3A_1322 = tpu.vector_load %arg9[%get3A_1320, %get3A_1321] {strides = array<i32>} : memref<16x128xf32, #tpu.memory_space<vmem>>, vector<1x16xf32>,
      %get3A_1323 = vector.shape_cast %get3A_1322 : vector<1x16xf32> to vector<16xf32>
      %add3A_1324 = arith.addf %add3A_1318, %get3A_1323 : vector<16xf32>
      %get3A_1325 = arith.constant 10 : i32
      %get3A_1326 = arith.index_cast %get3A_1325 : i32 to index
      %get3A_1327 = arith.constant 16 : index
      %get3A_1328 = tpu.vector_load %arg9[%get3A_1326, %get3A_1327] {strides = array<i32>} : memref<16x128xf32, #tpu.memory_space<vmem>>, vector<1x16xf32>,
      %get3A_1329 = vector.shape_cast %get3A_1328 : vector<1x16xf32> to vector<16xf32>
      %add3A_1330 = arith.addf %add3A_1324, %get3A_1329 : vector<16xf32>
      %get3A_1331 = arith.constant 10 : i32
      %get3A_1332 = arith.index_cast %get3A_1331 : i32 to index
      %get3A_1333 = arith.constant 32 : index
      %get3A_1334 = tpu.vector_load %arg9[%get3A_1332, %get3A_1333] {strides = array<i32>} : memref<16x128xf32, #tpu.memory_space<vmem>>, vector<1x16xf32>,
      %get3A_1335 = vector.shape_cast %get3A_1334 : vector<1x16xf32> to vector<16xf32>
      %add3A_1336 = arith.addf %add3A_1330, %get3A_1335 : vector<16xf32>
      %get3A_1337 = arith.constant 10 : i32
      %get3A_1338 = arith.index_cast %get3A_1337 : i32 to index
      %get3A_1339 = arith.constant 48 : index
      %get3A_1340 = tpu.vector_load %arg9[%get3A_1338, %get3A_1339] {strides = array<i32>} : memref<16x128xf32, #tpu.memory_space<vmem>>, vector<1x16xf32>,
      %get3A_1341 = vector.shape_cast %get3A_1340 : vector<1x16xf32> to vector<16xf32>
      %add3A_1342 = arith.addf %add3A_1336, %get3A_1341 : vector<16xf32>
      %get3A_1343 = arith.constant 10 : i32
      %get3A_1344 = arith.index_cast %get3A_1343 : i32 to index
      %get3A_1345 = arith.constant 64 : index
      %get3A_1346 = tpu.vector_load %arg9[%get3A_1344, %get3A_1345] {strides = array<i32>} : memref<16x128xf32, #tpu.memory_space<vmem>>, vector<1x16xf32>,
      %get3A_1347 = vector.shape_cast %get3A_1346 : vector<1x16xf32> to vector<16xf32>
      %add3A_1348 = arith.addf %add3A_1342, %get3A_1347 : vector<16xf32>
      %get3A_1349 = arith.constant 10 : i32
      %get3A_1350 = arith.index_cast %get3A_1349 : i32 to index
      %get3A_1351 = arith.constant 80 : index
      %get3A_1352 = tpu.vector_load %arg9[%get3A_1350, %get3A_1351] {strides = array<i32>} : memref<16x128xf32, #tpu.memory_space<vmem>>, vector<1x16xf32>,
      %get3A_1353 = vector.shape_cast %get3A_1352 : vector<1x16xf32> to vector<16xf32>
      %add3A_1354 = arith.addf %add3A_1348, %get3A_1353 : vector<16xf32>
      %get3A_1355 = arith.constant 10 : i32
      %get3A_1356 = arith.index_cast %get3A_1355 : i32 to index
      %get3A_1357 = arith.constant 96 : index
      %get3A_1358 = tpu.vector_load %arg9[%get3A_1356, %get3A_1357] {strides = array<i32>} : memref<16x128xf32, #tpu.memory_space<vmem>>, vector<1x16xf32>,
      %get3A_1359 = vector.shape_cast %get3A_1358 : vector<1x16xf32> to vector<16xf32>
      %add3A_1360 = arith.addf %add3A_1354, %get3A_1359 : vector<16xf32>
      %get3A_1361 = arith.constant 10 : i32
      %get3A_1362 = arith.index_cast %get3A_1361 : i32 to index
      %get3A_1363 = arith.constant 112 : index
      %get3A_1364 = tpu.vector_load %arg9[%get3A_1362, %get3A_1363] {strides = array<i32>} : memref<16x128xf32, #tpu.memory_space<vmem>>, vector<1x16xf32>,
      %get3A_1365 = vector.shape_cast %get3A_1364 : vector<1x16xf32> to vector<16xf32>
      %add3A_1366 = arith.addf %add3A_1360, %get3A_1365 : vector<16xf32>
      %get3A_1367 = arith.constant 11 : i32
      %get3A_1368 = arith.index_cast %get3A_1367 : i32 to index
      %get3A_1369 = arith.constant 0 : index
      %get3A_1370 = tpu.vector_load %arg9[%get3A_1368, %get3A_1369] {strides = array<i32>} : memref<16x128xf32, #tpu.memory_space<vmem>>, vector<1x16xf32>,
      %get3A_1371 = vector.shape_cast %get3A_1370 : vector<1x16xf32> to vector<16xf32>
      %add3A_1372 = arith.addf %add3A_1366, %get3A_1371 : vector<16xf32>
      %get3A_1373 = arith.constant 11 : i32
      %get3A_1374 = arith.index_cast %get3A_1373 : i32 to index
      %get3A_1375 = arith.constant 16 : index
      %get3A_1376 = tpu.vector_load %arg9[%get3A_1374, %get3A_1375] {strides = array<i32>} : memref<16x128xf32, #tpu.memory_space<vmem>>, vector<1x16xf32>,
      %get3A_1377 = vector.shape_cast %get3A_1376 : vector<1x16xf32> to vector<16xf32>
      %add3A_1378 = arith.addf %add3A_1372, %get3A_1377 : vector<16xf32>
      %get3A_1379 = arith.constant 11 : i32
      %get3A_1380 = arith.index_cast %get3A_1379 : i32 to index
      %get3A_1381 = arith.constant 32 : index
      %get3A_1382 = tpu.vector_load %arg9[%get3A_1380, %get3A_1381] {strides = array<i32>} : memref<16x128xf32, #tpu.memory_space<vmem>>, vector<1x16xf32>,
      %get3A_1383 = vector.shape_cast %get3A_1382 : vector<1x16xf32> to vector<16xf32>
      %add3A_1384 = arith.addf %add3A_1378, %get3A_1383 : vector<16xf32>
      %get3A_1385 = arith.constant 11 : i32
      %get3A_1386 = arith.index_cast %get3A_1385 : i32 to index
      %get3A_1387 = arith.constant 48 : index
      %get3A_1388 = tpu.vector_load %arg9[%get3A_1386, %get3A_1387] {strides = array<i32>} : memref<16x128xf32, #tpu.memory_space<vmem>>, vector<1x16xf32>,
      %get3A_1389 = vector.shape_cast %get3A_1388 : vector<1x16xf32> to vector<16xf32>
      %add3A_1390 = arith.addf %add3A_1384, %get3A_1389 : vector<16xf32>
      %get3A_1391 = arith.constant 11 : i32
      %get3A_1392 = arith.index_cast %get3A_1391 : i32 to index
      %get3A_1393 = arith.constant 64 : index
      %get3A_1394 = tpu.vector_load %arg9[%get3A_1392, %get3A_1393] {strides = array<i32>} : memref<16x128xf32, #tpu.memory_space<vmem>>, vector<1x16xf32>,
      %get3A_1395 = vector.shape_cast %get3A_1394 : vector<1x16xf32> to vector<16xf32>
      %add3A_1396 = arith.addf %add3A_1390, %get3A_1395 : vector<16xf32>
      %get3A_1397 = arith.constant 11 : i32
      %get3A_1398 = arith.index_cast %get3A_1397 : i32 to index
      %get3A_1399 = arith.constant 80 : index
      %get3A_1400 = tpu.vector_load %arg9[%get3A_1398, %get3A_1399] {strides = array<i32>} : memref<16x128xf32, #tpu.memory_space<vmem>>, vector<1x16xf32>,
      %get3A_1401 = vector.shape_cast %get3A_1400 : vector<1x16xf32> to vector<16xf32>
      %add3A_1402 = arith.addf %add3A_1396, %get3A_1401 : vector<16xf32>
      %get3A_1403 = arith.constant 11 : i32
      %get3A_1404 = arith.index_cast %get3A_1403 : i32 to index
      %get3A_1405 = arith.constant 96 : index
      %get3A_1406 = tpu.vector_load %arg9[%get3A_1404, %get3A_1405] {strides = array<i32>} : memref<16x128xf32, #tpu.memory_space<vmem>>, vector<1x16xf32>,
      %get3A_1407 = vector.shape_cast %get3A_1406 : vector<1x16xf32> to vector<16xf32>
      %add3A_1408 = arith.addf %add3A_1402, %get3A_1407 : vector<16xf32>
      %get3A_1409 = arith.constant 11 : i32
      %get3A_1410 = arith.index_cast %get3A_1409 : i32 to index
      %get3A_1411 = arith.constant 112 : index
      %get3A_1412 = tpu.vector_load %arg9[%get3A_1410, %get3A_1411] {strides = array<i32>} : memref<16x128xf32, #tpu.memory_space<vmem>>, vector<1x16xf32>,
      %get3A_1413 = vector.shape_cast %get3A_1412 : vector<1x16xf32> to vector<16xf32>
      %mul3A_1414 = arith.mulf %get3A_1413, %select_n3A_444 : vector<16xf32>
      %add3A_1415 = arith.addf %add3A_1408, %mul3A_1414 : vector<16xf32>
      %get3A_1416 = arith.constant 12 : i32
      %get3A_1417 = arith.index_cast %get3A_1416 : i32 to index
      %get3A_1418 = arith.constant 0 : index
      %get3A_1419 = tpu.vector_load %arg9[%get3A_1417, %get3A_1418] {strides = array<i32>} : memref<16x128xf32, #tpu.memory_space<vmem>>, vector<1x16xf32>,
      %get3A_1420 = vector.shape_cast %get3A_1419 : vector<1x16xf32> to vector<16xf32>
      %add3A_1421 = arith.addf %add3A_1415, %get3A_1420 : vector<16xf32>
      %get3A_1422 = arith.constant 12 : i32
      %get3A_1423 = arith.index_cast %get3A_1422 : i32 to index
      %get3A_1424 = arith.constant 16 : index
      %get3A_1425 = tpu.vector_load %arg9[%get3A_1423, %get3A_1424] {strides = array<i32>} : memref<16x128xf32, #tpu.memory_space<vmem>>, vector<1x16xf32>,
      %get3A_1426 = vector.shape_cast %get3A_1425 : vector<1x16xf32> to vector<16xf32>
      %add3A_1427 = arith.addf %add3A_1421, %get3A_1426 : vector<16xf32>
      %get3A_1428 = arith.constant 12 : i32
      %get3A_1429 = arith.index_cast %get3A_1428 : i32 to index
      %get3A_1430 = arith.constant 32 : index
      %get3A_1431 = tpu.vector_load %arg9[%get3A_1429, %get3A_1430] {strides = array<i32>} : memref<16x128xf32, #tpu.memory_space<vmem>>, vector<1x16xf32>,
      %get3A_1432 = vector.shape_cast %get3A_1431 : vector<1x16xf32> to vector<16xf32>
      %add3A_1433 = arith.addf %add3A_1427, %get3A_1432 : vector<16xf32>
      %get3A_1434 = arith.constant 12 : i32
      %get3A_1435 = arith.index_cast %get3A_1434 : i32 to index
      %get3A_1436 = arith.constant 48 : index
      %get3A_1437 = tpu.vector_load %arg9[%get3A_1435, %get3A_1436] {strides = array<i32>} : memref<16x128xf32, #tpu.memory_space<vmem>>, vector<1x16xf32>,
      %get3A_1438 = vector.shape_cast %get3A_1437 : vector<1x16xf32> to vector<16xf32>
      %add3A_1439 = arith.addf %add3A_1433, %get3A_1438 : vector<16xf32>
      %get3A_1440 = arith.constant 12 : i32
      %get3A_1441 = arith.index_cast %get3A_1440 : i32 to index
      %get3A_1442 = arith.constant 64 : index
      %get3A_1443 = tpu.vector_load %arg9[%get3A_1441, %get3A_1442] {strides = array<i32>} : memref<16x128xf32, #tpu.memory_space<vmem>>, vector<1x16xf32>,
      %get3A_1444 = vector.shape_cast %get3A_1443 : vector<1x16xf32> to vector<16xf32>
      %add3A_1445 = arith.addf %add3A_1439, %get3A_1444 : vector<16xf32>
      %get3A_1446 = arith.constant 12 : i32
      %get3A_1447 = arith.index_cast %get3A_1446 : i32 to index
      %get3A_1448 = arith.constant 80 : index
      %get3A_1449 = tpu.vector_load %arg9[%get3A_1447, %get3A_1448] {strides = array<i32>} : memref<16x128xf32, #tpu.memory_space<vmem>>, vector<1x16xf32>,
      %get3A_1450 = vector.shape_cast %get3A_1449 : vector<1x16xf32> to vector<16xf32>
      %add3A_1451 = arith.addf %add3A_1445, %get3A_1450 : vector<16xf32>
      %get3A_1452 = arith.constant 12 : i32
      %get3A_1453 = arith.index_cast %get3A_1452 : i32 to index
      %get3A_1454 = arith.constant 96 : index
      %get3A_1455 = tpu.vector_load %arg9[%get3A_1453, %get3A_1454] {strides = array<i32>} : memref<16x128xf32, #tpu.memory_space<vmem>>, vector<1x16xf32>,
      %get3A_1456 = vector.shape_cast %get3A_1455 : vector<1x16xf32> to vector<16xf32>
      %add3A_1457 = arith.addf %add3A_1451, %get3A_1456 : vector<16xf32>
      %get3A_1458 = arith.constant 12 : i32
      %get3A_1459 = arith.index_cast %get3A_1458 : i32 to index
      %get3A_1460 = arith.constant 112 : index
      %get3A_1461 = tpu.vector_load %arg9[%get3A_1459, %get3A_1460] {strides = array<i32>} : memref<16x128xf32, #tpu.memory_space<vmem>>, vector<1x16xf32>,
      %get3A_1462 = vector.shape_cast %get3A_1461 : vector<1x16xf32> to vector<16xf32>
      %add3A_1463 = arith.addf %add3A_1457, %get3A_1462 : vector<16xf32>
      %get3A_1464 = arith.constant 13 : i32
      %get3A_1465 = arith.index_cast %get3A_1464 : i32 to index
      %get3A_1466 = arith.constant 0 : index
      %get3A_1467 = tpu.vector_load %arg9[%get3A_1465, %get3A_1466] {strides = array<i32>} : memref<16x128xf32, #tpu.memory_space<vmem>>, vector<1x16xf32>,
      %get3A_1468 = vector.shape_cast %get3A_1467 : vector<1x16xf32> to vector<16xf32>
      %add3A_1469 = arith.addf %add3A_1463, %get3A_1468 : vector<16xf32>
      %get3A_1470 = arith.constant 13 : i32
      %get3A_1471 = arith.index_cast %get3A_1470 : i32 to index
      %get3A_1472 = arith.constant 16 : index
      %get3A_1473 = tpu.vector_load %arg9[%get3A_1471, %get3A_1472] {strides = array<i32>} : memref<16x128xf32, #tpu.memory_space<vmem>>, vector<1x16xf32>,
      %get3A_1474 = vector.shape_cast %get3A_1473 : vector<1x16xf32> to vector<16xf32>
      %add3A_1475 = arith.addf %add3A_1469, %get3A_1474 : vector<16xf32>
      %get3A_1476 = arith.constant 13 : i32
      %get3A_1477 = arith.index_cast %get3A_1476 : i32 to index
      %get3A_1478 = arith.constant 32 : index
      %get3A_1479 = tpu.vector_load %arg9[%get3A_1477, %get3A_1478] {strides = array<i32>} : memref<16x128xf32, #tpu.memory_space<vmem>>, vector<1x16xf32>,
      %get3A_1480 = vector.shape_cast %get3A_1479 : vector<1x16xf32> to vector<16xf32>
      %add3A_1481 = arith.addf %add3A_1475, %get3A_1480 : vector<16xf32>
      %get3A_1482 = arith.constant 13 : i32
      %get3A_1483 = arith.index_cast %get3A_1482 : i32 to index
      %get3A_1484 = arith.constant 48 : index
      %get3A_1485 = tpu.vector_load %arg9[%get3A_1483, %get3A_1484] {strides = array<i32>} : memref<16x128xf32, #tpu.memory_space<vmem>>, vector<1x16xf32>,
      %get3A_1486 = vector.shape_cast %get3A_1485 : vector<1x16xf32> to vector<16xf32>
      %add3A_1487 = arith.addf %add3A_1481, %get3A_1486 : vector<16xf32>
      %get3A_1488 = arith.constant 13 : i32
      %get3A_1489 = arith.index_cast %get3A_1488 : i32 to index
      %get3A_1490 = arith.constant 64 : index
      %get3A_1491 = tpu.vector_load %arg9[%get3A_1489, %get3A_1490] {strides = array<i32>} : memref<16x128xf32, #tpu.memory_space<vmem>>, vector<1x16xf32>,
      %get3A_1492 = vector.shape_cast %get3A_1491 : vector<1x16xf32> to vector<16xf32>
      %add3A_1493 = arith.addf %add3A_1487, %get3A_1492 : vector<16xf32>
      %get3A_1494 = arith.constant 13 : i32
      %get3A_1495 = arith.index_cast %get3A_1494 : i32 to index
      %get3A_1496 = arith.constant 80 : index
      %get3A_1497 = tpu.vector_load %arg9[%get3A_1495, %get3A_1496] {strides = array<i32>} : memref<16x128xf32, #tpu.memory_space<vmem>>, vector<1x16xf32>,
      %get3A_1498 = vector.shape_cast %get3A_1497 : vector<1x16xf32> to vector<16xf32>
      %add3A_1499 = arith.addf %add3A_1493, %get3A_1498 : vector<16xf32>
      %get3A_1500 = arith.constant 13 : i32
      %get3A_1501 = arith.index_cast %get3A_1500 : i32 to index
      %get3A_1502 = arith.constant 96 : index
      %get3A_1503 = tpu.vector_load %arg9[%get3A_1501, %get3A_1502] {strides = array<i32>} : memref<16x128xf32, #tpu.memory_space<vmem>>, vector<1x16xf32>,
      %get3A_1504 = vector.shape_cast %get3A_1503 : vector<1x16xf32> to vector<16xf32>
      %add3A_1505 = arith.addf %add3A_1499, %get3A_1504 : vector<16xf32>
      %get3A_1506 = arith.constant 13 : i32
      %get3A_1507 = arith.index_cast %get3A_1506 : i32 to index
      %get3A_1508 = arith.constant 112 : index
      %get3A_1509 = tpu.vector_load %arg9[%get3A_1507, %get3A_1508] {strides = array<i32>} : memref<16x128xf32, #tpu.memory_space<vmem>>, vector<1x16xf32>,
      %get3A_1510 = vector.shape_cast %get3A_1509 : vector<1x16xf32> to vector<16xf32>
      %mul3A_1511 = arith.mulf %get3A_1510, %select_n3A_444 : vector<16xf32>
      %add3A_1512 = arith.addf %add3A_1505, %mul3A_1511 : vector<16xf32>
      %get3A_1513 = arith.constant 14 : i32
      %get3A_1514 = arith.index_cast %get3A_1513 : i32 to index
      %get3A_1515 = arith.constant 0 : index
      %get3A_1516 = tpu.vector_load %arg9[%get3A_1514, %get3A_1515] {strides = array<i32>} : memref<16x128xf32, #tpu.memory_space<vmem>>, vector<1x16xf32>,
      %get3A_1517 = vector.shape_cast %get3A_1516 : vector<1x16xf32> to vector<16xf32>
      %add3A_1518 = arith.addf %add3A_1512, %get3A_1517 : vector<16xf32>
      %get3A_1519 = arith.constant 14 : i32
      %get3A_1520 = arith.index_cast %get3A_1519 : i32 to index
      %get3A_1521 = arith.constant 16 : index
      %get3A_1522 = tpu.vector_load %arg9[%get3A_1520, %get3A_1521] {strides = array<i32>} : memref<16x128xf32, #tpu.memory_space<vmem>>, vector<1x16xf32>,
      %get3A_1523 = vector.shape_cast %get3A_1522 : vector<1x16xf32> to vector<16xf32>
      %add3A_1524 = arith.addf %add3A_1518, %get3A_1523 : vector<16xf32>
      %get3A_1525 = arith.constant 14 : i32
      %get3A_1526 = arith.index_cast %get3A_1525 : i32 to index
      %get3A_1527 = arith.constant 32 : index
      %get3A_1528 = tpu.vector_load %arg9[%get3A_1526, %get3A_1527] {strides = array<i32>} : memref<16x128xf32, #tpu.memory_space<vmem>>, vector<1x16xf32>,
      %get3A_1529 = vector.shape_cast %get3A_1528 : vector<1x16xf32> to vector<16xf32>
      %add3A_1530 = arith.addf %add3A_1524, %get3A_1529 : vector<16xf32>
      %get3A_1531 = arith.constant 14 : i32
      %get3A_1532 = arith.index_cast %get3A_1531 : i32 to index
      %get3A_1533 = arith.constant 48 : index
      %get3A_1534 = tpu.vector_load %arg9[%get3A_1532, %get3A_1533] {strides = array<i32>} : memref<16x128xf32, #tpu.memory_space<vmem>>, vector<1x16xf32>,
      %get3A_1535 = vector.shape_cast %get3A_1534 : vector<1x16xf32> to vector<16xf32>
      %add3A_1536 = arith.addf %add3A_1530, %get3A_1535 : vector<16xf32>
      %get3A_1537 = arith.constant 14 : i32
      %get3A_1538 = arith.index_cast %get3A_1537 : i32 to index
      %get3A_1539 = arith.constant 64 : index
      %get3A_1540 = tpu.vector_load %arg9[%get3A_1538, %get3A_1539] {strides = array<i32>} : memref<16x128xf32, #tpu.memory_space<vmem>>, vector<1x16xf32>,
      %get3A_1541 = vector.shape_cast %get3A_1540 : vector<1x16xf32> to vector<16xf32>
      %add3A_1542 = arith.addf %add3A_1536, %get3A_1541 : vector<16xf32>
      %get3A_1543 = arith.constant 14 : i32
      %get3A_1544 = arith.index_cast %get3A_1543 : i32 to index
      %get3A_1545 = arith.constant 80 : index
      %get3A_1546 = tpu.vector_load %arg9[%get3A_1544, %get3A_1545] {strides = array<i32>} : memref<16x128xf32, #tpu.memory_space<vmem>>, vector<1x16xf32>,
      %get3A_1547 = vector.shape_cast %get3A_1546 : vector<1x16xf32> to vector<16xf32>
      %add3A_1548 = arith.addf %add3A_1542, %get3A_1547 : vector<16xf32>
      %get3A_1549 = arith.constant 14 : i32
      %get3A_1550 = arith.index_cast %get3A_1549 : i32 to index
      %get3A_1551 = arith.constant 96 : index
      %get3A_1552 = tpu.vector_load %arg9[%get3A_1550, %get3A_1551] {strides = array<i32>} : memref<16x128xf32, #tpu.memory_space<vmem>>, vector<1x16xf32>,
      %get3A_1553 = vector.shape_cast %get3A_1552 : vector<1x16xf32> to vector<16xf32>
      %add3A_1554 = arith.addf %add3A_1548, %get3A_1553 : vector<16xf32>
      %get3A_1555 = arith.constant 14 : i32
      %get3A_1556 = arith.index_cast %get3A_1555 : i32 to index
      %get3A_1557 = arith.constant 112 : index
      %get3A_1558 = tpu.vector_load %arg9[%get3A_1556, %get3A_1557] {strides = array<i32>} : memref<16x128xf32, #tpu.memory_space<vmem>>, vector<1x16xf32>,
      %get3A_1559 = vector.shape_cast %get3A_1558 : vector<1x16xf32> to vector<16xf32>
      %add3A_1560 = arith.addf %add3A_1554, %get3A_1559 : vector<16xf32>
      %get3A_1561 = arith.constant 15 : i32
      %get3A_1562 = arith.index_cast %get3A_1561 : i32 to index
      %get3A_1563 = arith.constant 0 : index
      %get3A_1564 = tpu.vector_load %arg9[%get3A_1562, %get3A_1563] {strides = array<i32>} : memref<16x128xf32, #tpu.memory_space<vmem>>, vector<1x16xf32>,
      %get3A_1565 = vector.shape_cast %get3A_1564 : vector<1x16xf32> to vector<16xf32>
      %add3A_1566 = arith.addf %add3A_1560, %get3A_1565 : vector<16xf32>
      %get3A_1567 = arith.constant 15 : i32
      %get3A_1568 = arith.index_cast %get3A_1567 : i32 to index
      %get3A_1569 = arith.constant 16 : index
      %get3A_1570 = tpu.vector_load %arg9[%get3A_1568, %get3A_1569] {strides = array<i32>} : memref<16x128xf32, #tpu.memory_space<vmem>>, vector<1x16xf32>,
      %get3A_1571 = vector.shape_cast %get3A_1570 : vector<1x16xf32> to vector<16xf32>
      %add3A_1572 = arith.addf %add3A_1566, %get3A_1571 : vector<16xf32>
      %get3A_1573 = arith.constant 15 : i32
      %get3A_1574 = arith.index_cast %get3A_1573 : i32 to index
      %get3A_1575 = arith.constant 32 : index
      %get3A_1576 = tpu.vector_load %arg9[%get3A_1574, %get3A_1575] {strides = array<i32>} : memref<16x128xf32, #tpu.memory_space<vmem>>, vector<1x16xf32>,
      %get3A_1577 = vector.shape_cast %get3A_1576 : vector<1x16xf32> to vector<16xf32>
      %add3A_1578 = arith.addf %add3A_1572, %get3A_1577 : vector<16xf32>
      %get3A_1579 = arith.constant 15 : i32
      %get3A_1580 = arith.index_cast %get3A_1579 : i32 to index
      %get3A_1581 = arith.constant 48 : index
      %get3A_1582 = tpu.vector_load %arg9[%get3A_1580, %get3A_1581] {strides = array<i32>} : memref<16x128xf32, #tpu.memory_space<vmem>>, vector<1x16xf32>,
      %get3A_1583 = vector.shape_cast %get3A_1582 : vector<1x16xf32> to vector<16xf32>
      %add3A_1584 = arith.addf %add3A_1578, %get3A_1583 : vector<16xf32>
      %get3A_1585 = arith.constant 15 : i32
      %get3A_1586 = arith.index_cast %get3A_1585 : i32 to index
      %get3A_1587 = arith.constant 64 : index
      %get3A_1588 = tpu.vector_load %arg9[%get3A_1586, %get3A_1587] {strides = array<i32>} : memref<16x128xf32, #tpu.memory_space<vmem>>, vector<1x16xf32>,
      %get3A_1589 = vector.shape_cast %get3A_1588 : vector<1x16xf32> to vector<16xf32>
      %add3A_1590 = arith.addf %add3A_1584, %get3A_1589 : vector<16xf32>
      %get3A_1591 = arith.constant 15 : i32
      %get3A_1592 = arith.index_cast %get3A_1591 : i32 to index
      %get3A_1593 = arith.constant 80 : index
      %get3A_1594 = tpu.vector_load %arg9[%get3A_1592, %get3A_1593] {strides = array<i32>} : memref<16x128xf32, #tpu.memory_space<vmem>>, vector<1x16xf32>,
      %get3A_1595 = vector.shape_cast %get3A_1594 : vector<1x16xf32> to vector<16xf32>
      %add3A_1596 = arith.addf %add3A_1590, %get3A_1595 : vector<16xf32>
      %get3A_1597 = arith.constant 15 : i32
      %get3A_1598 = arith.index_cast %get3A_1597 : i32 to index
      %get3A_1599 = arith.constant 96 : index
      %get3A_1600 = tpu.vector_load %arg9[%get3A_1598, %get3A_1599] {strides = array<i32>} : memref<16x128xf32, #tpu.memory_space<vmem>>, vector<1x16xf32>,
      %get3A_1601 = vector.shape_cast %get3A_1600 : vector<1x16xf32> to vector<16xf32>
      %add3A_1602 = arith.addf %add3A_1596, %get3A_1601 : vector<16xf32>
      %get3A_1603 = arith.constant 15 : i32
      %get3A_1604 = arith.index_cast %get3A_1603 : i32 to index
      %get3A_1605 = arith.constant 112 : index
      %get3A_1606 = tpu.vector_load %arg9[%get3A_1604, %get3A_1605] {strides = array<i32>} : memref<16x128xf32, #tpu.memory_space<vmem>>, vector<1x16xf32>,
      %get3A_1607 = vector.shape_cast %get3A_1606 : vector<1x16xf32> to vector<16xf32>
      %mul3A_1608 = arith.mulf %get3A_1607, %select_n3A_444 : vector<16xf32>
      %add3A_1609 = arith.addf %add3A_1602, %mul3A_1608 : vector<16xf32>
      %lt3A_1610 = arith.constant 15 : i32
      %lt3A_1611 = arith.cmpi slt, %scan3A_653, %lt3A_1610 : i32
      %convert_element_type3A_1612 = arith.extui %lt3A_1611 : i1 to i32
      %cond3A_1613 = arith.constant 0 : i32
      %cond3A_1614 = arith.cmpi ne, %convert_element_type3A_1612, %cond3A_1613 : i32
      scf.if %cond3A_1614 {
        %add3A_1615 = arith.constant 1 : i32
        %add3A_1616 = arith.addi %scan3A_653, %add3A_1615 : i32
        %mul3A_1617 = arith.constant 16 : i32
        %mul3A_1618 = arith.muli %add3A_1616, %mul3A_1617 : i32
        %add3A_1619 = arith.constant 8 : i32
        %add3A_1620 = arith.addi %mul3A_1618, %add3A_1619 : i32
        %add3A_1621 = arith.constant 0 : i32
        %add3A_1622 = arith.addi %add3A_1620, %add3A_1621 : i32
        %dma_start3A_1623 = arith.constant 8 : i32
        %dma_start3A_1624 = arith.constant 0 : i32
        %dma_start3A_1625 = tpu.memref_slice %arg9[%dma_start3A_1623, %dma_start3A_1624] : memref<16x128xf32, #tpu.memory_space<vmem>> -> memref<1x128xf32, #tpu.memory_space<vmem>>
        %dma_start3A_1626 = tpu.memref_squeeze %dma_start3A_1625 : memref<1x128xf32, #tpu.memory_space<vmem>> -> memref<128xf32, #tpu.memory_space<vmem>>
        %dma_start3A_1627 = arith.constant 0 : i32
        %dma_start3A_1628 = tpu.memref_slice %arg8[%add3A_1622, %dma_start3A_1627] : memref<256x128xi32, #tpu.memory_space<vmem>> -> memref<1x128xi32, #tpu.memory_space<vmem>>
        %dma_start3A_1629 = tpu.memref_squeeze %dma_start3A_1628 : memref<1x128xi32, #tpu.memory_space<vmem>> -> memref<128xi32, #tpu.memory_space<vmem>>
        %dma_start3A_1630 = arith.constant 0 : i32
        %dma_start3A_1631 = tpu.memref_slice %arg2[%dma_start3A_1630] : memref<4194304xf32, #tpu.memory_space<hbm>> -> memref<4194304xf32, #tpu.memory_space<hbm>>
        tpu.enqueue_indirect_dma source(%dma_start3A_1631 : memref<4194304xf32, #tpu.memory_space<hbm>>) target(%dma_start3A_1626 : memref<128xf32, #tpu.memory_space<vmem>>) offsets(%dma_start3A_1629 : memref<128xi32, #tpu.memory_space<vmem>>) semaphore(%arg22 : memref<!tpu.dma_semaphore, #tpu.memory_space<semaphore_mem>>)
        %add3A_1632 = arith.constant 1 : i32
        %add3A_1633 = arith.addi %scan3A_653, %add3A_1632 : i32
        %mul3A_1634 = arith.constant 16 : i32
        %mul3A_1635 = arith.muli %add3A_1633, %mul3A_1634 : i32
        %add3A_1636 = arith.constant 8 : i32
        %add3A_1637 = arith.addi %mul3A_1635, %add3A_1636 : i32
        %add3A_1638 = arith.constant 1 : i32
        %add3A_1639 = arith.addi %add3A_1637, %add3A_1638 : i32
        %dma_start3A_1640 = arith.constant 9 : i32
        %dma_start3A_1641 = arith.constant 0 : i32
        %dma_start3A_1642 = tpu.memref_slice %arg9[%dma_start3A_1640, %dma_start3A_1641] : memref<16x128xf32, #tpu.memory_space<vmem>> -> memref<1x128xf32, #tpu.memory_space<vmem>>
        %dma_start3A_1643 = tpu.memref_squeeze %dma_start3A_1642 : memref<1x128xf32, #tpu.memory_space<vmem>> -> memref<128xf32, #tpu.memory_space<vmem>>
        %dma_start3A_1644 = arith.constant 0 : i32
        %dma_start3A_1645 = tpu.memref_slice %arg8[%add3A_1639, %dma_start3A_1644] : memref<256x128xi32, #tpu.memory_space<vmem>> -> memref<1x128xi32, #tpu.memory_space<vmem>>
        %dma_start3A_1646 = tpu.memref_squeeze %dma_start3A_1645 : memref<1x128xi32, #tpu.memory_space<vmem>> -> memref<128xi32, #tpu.memory_space<vmem>>
        %dma_start3A_1647 = arith.constant 0 : i32
        %dma_start3A_1648 = tpu.memref_slice %arg2[%dma_start3A_1647] : memref<4194304xf32, #tpu.memory_space<hbm>> -> memref<4194304xf32, #tpu.memory_space<hbm>>
        tpu.enqueue_indirect_dma source(%dma_start3A_1648 : memref<4194304xf32, #tpu.memory_space<hbm>>) target(%dma_start3A_1643 : memref<128xf32, #tpu.memory_space<vmem>>) offsets(%dma_start3A_1646 : memref<128xi32, #tpu.memory_space<vmem>>) semaphore(%arg22 : memref<!tpu.dma_semaphore, #tpu.memory_space<semaphore_mem>>)
        %add3A_1649 = arith.constant 1 : i32
        %add3A_1650 = arith.addi %scan3A_653, %add3A_1649 : i32
        %mul3A_1651 = arith.constant 16 : i32
        %mul3A_1652 = arith.muli %add3A_1650, %mul3A_1651 : i32
        %add3A_1653 = arith.constant 8 : i32
        %add3A_1654 = arith.addi %mul3A_1652, %add3A_1653 : i32
        %add3A_1655 = arith.constant 2 : i32
        %add3A_1656 = arith.addi %add3A_1654, %add3A_1655 : i32
        %dma_start3A_1657 = arith.constant 10 : i32
        %dma_start3A_1658 = arith.constant 0 : i32
        %dma_start3A_1659 = tpu.memref_slice %arg9[%dma_start3A_1657, %dma_start3A_1658] : memref<16x128xf32, #tpu.memory_space<vmem>> -> memref<1x128xf32, #tpu.memory_space<vmem>>
        %dma_start3A_1660 = tpu.memref_squeeze %dma_start3A_1659 : memref<1x128xf32, #tpu.memory_space<vmem>> -> memref<128xf32, #tpu.memory_space<vmem>>
        %dma_start3A_1661 = arith.constant 0 : i32
        %dma_start3A_1662 = tpu.memref_slice %arg8[%add3A_1656, %dma_start3A_1661] : memref<256x128xi32, #tpu.memory_space<vmem>> -> memref<1x128xi32, #tpu.memory_space<vmem>>
        %dma_start3A_1663 = tpu.memref_squeeze %dma_start3A_1662 : memref<1x128xi32, #tpu.memory_space<vmem>> -> memref<128xi32, #tpu.memory_space<vmem>>
        %dma_start3A_1664 = arith.constant 0 : i32
        %dma_start3A_1665 = tpu.memref_slice %arg2[%dma_start3A_1664] : memref<4194304xf32, #tpu.memory_space<hbm>> -> memref<4194304xf32, #tpu.memory_space<hbm>>
        tpu.enqueue_indirect_dma source(%dma_start3A_1665 : memref<4194304xf32, #tpu.memory_space<hbm>>) target(%dma_start3A_1660 : memref<128xf32, #tpu.memory_space<vmem>>) offsets(%dma_start3A_1663 : memref<128xi32, #tpu.memory_space<vmem>>) semaphore(%arg22 : memref<!tpu.dma_semaphore, #tpu.memory_space<semaphore_mem>>)
        %add3A_1666 = arith.constant 1 : i32
        %add3A_1667 = arith.addi %scan3A_653, %add3A_1666 : i32
        %mul3A_1668 = arith.constant 16 : i32
        %mul3A_1669 = arith.muli %add3A_1667, %mul3A_1668 : i32
        %add3A_1670 = arith.constant 8 : i32
        %add3A_1671 = arith.addi %mul3A_1669, %add3A_1670 : i32
        %add3A_1672 = arith.constant 3 : i32
        %add3A_1673 = arith.addi %add3A_1671, %add3A_1672 : i32
        %dma_start3A_1674 = arith.constant 11 : i32
        %dma_start3A_1675 = arith.constant 0 : i32
        %dma_start3A_1676 = tpu.memref_slice %arg9[%dma_start3A_1674, %dma_start3A_1675] : memref<16x128xf32, #tpu.memory_space<vmem>> -> memref<1x128xf32, #tpu.memory_space<vmem>>
        %dma_start3A_1677 = tpu.memref_squeeze %dma_start3A_1676 : memref<1x128xf32, #tpu.memory_space<vmem>> -> memref<128xf32, #tpu.memory_space<vmem>>
        %dma_start3A_1678 = arith.constant 0 : i32
        %dma_start3A_1679 = tpu.memref_slice %arg8[%add3A_1673, %dma_start3A_1678] : memref<256x128xi32, #tpu.memory_space<vmem>> -> memref<1x128xi32, #tpu.memory_space<vmem>>
        %dma_start3A_1680 = tpu.memref_squeeze %dma_start3A_1679 : memref<1x128xi32, #tpu.memory_space<vmem>> -> memref<128xi32, #tpu.memory_space<vmem>>
        %dma_start3A_1681 = arith.constant 0 : i32
        %dma_start3A_1682 = tpu.memref_slice %arg2[%dma_start3A_1681] : memref<4194304xf32, #tpu.memory_space<hbm>> -> memref<4194304xf32, #tpu.memory_space<hbm>>
        tpu.enqueue_indirect_dma source(%dma_start3A_1682 : memref<4194304xf32, #tpu.memory_space<hbm>>) target(%dma_start3A_1677 : memref<128xf32, #tpu.memory_space<vmem>>) offsets(%dma_start3A_1680 : memref<128xi32, #tpu.memory_space<vmem>>) semaphore(%arg22 : memref<!tpu.dma_semaphore, #tpu.memory_space<semaphore_mem>>)
        %add3A_1683 = arith.constant 1 : i32
        %add3A_1684 = arith.addi %scan3A_653, %add3A_1683 : i32
        %mul3A_1685 = arith.constant 16 : i32
        %mul3A_1686 = arith.muli %add3A_1684, %mul3A_1685 : i32
        %add3A_1687 = arith.constant 8 : i32
        %add3A_1688 = arith.addi %mul3A_1686, %add3A_1687 : i32
        %add3A_1689 = arith.constant 4 : i32
        %add3A_1690 = arith.addi %add3A_1688, %add3A_1689 : i32
        %dma_start3A_1691 = arith.constant 12 : i32
        %dma_start3A_1692 = arith.constant 0 : i32
        %dma_start3A_1693 = tpu.memref_slice %arg9[%dma_start3A_1691, %dma_start3A_1692] : memref<16x128xf32, #tpu.memory_space<vmem>> -> memref<1x128xf32, #tpu.memory_space<vmem>>
        %dma_start3A_1694 = tpu.memref_squeeze %dma_start3A_1693 : memref<1x128xf32, #tpu.memory_space<vmem>> -> memref<128xf32, #tpu.memory_space<vmem>>
        %dma_start3A_1695 = arith.constant 0 : i32
        %dma_start3A_1696 = tpu.memref_slice %arg8[%add3A_1690, %dma_start3A_1695] : memref<256x128xi32, #tpu.memory_space<vmem>> -> memref<1x128xi32, #tpu.memory_space<vmem>>
        %dma_start3A_1697 = tpu.memref_squeeze %dma_start3A_1696 : memref<1x128xi32, #tpu.memory_space<vmem>> -> memref<128xi32, #tpu.memory_space<vmem>>
        %dma_start3A_1698 = arith.constant 0 : i32
        %dma_start3A_1699 = tpu.memref_slice %arg2[%dma_start3A_1698] : memref<4194304xf32, #tpu.memory_space<hbm>> -> memref<4194304xf32, #tpu.memory_space<hbm>>
        tpu.enqueue_indirect_dma source(%dma_start3A_1699 : memref<4194304xf32, #tpu.memory_space<hbm>>) target(%dma_start3A_1694 : memref<128xf32, #tpu.memory_space<vmem>>) offsets(%dma_start3A_1697 : memref<128xi32, #tpu.memory_space<vmem>>) semaphore(%arg22 : memref<!tpu.dma_semaphore, #tpu.memory_space<semaphore_mem>>)
        %add3A_1700 = arith.constant 1 : i32
        %add3A_1701 = arith.addi %scan3A_653, %add3A_1700 : i32
        %mul3A_1702 = arith.constant 16 : i32
        %mul3A_1703 = arith.muli %add3A_1701, %mul3A_1702 : i32
        %add3A_1704 = arith.constant 8 : i32
        %add3A_1705 = arith.addi %mul3A_1703, %add3A_1704 : i32
        %add3A_1706 = arith.constant 5 : i32
        %add3A_1707 = arith.addi %add3A_1705, %add3A_1706 : i32
        %dma_start3A_1708 = arith.constant 13 : i32
        %dma_start3A_1709 = arith.constant 0 : i32
        %dma_start3A_1710 = tpu.memref_slice %arg9[%dma_start3A_1708, %dma_start3A_1709] : memref<16x128xf32, #tpu.memory_space<vmem>> -> memref<1x128xf32, #tpu.memory_space<vmem>>
        %dma_start3A_1711 = tpu.memref_squeeze %dma_start3A_1710 : memref<1x128xf32, #tpu.memory_space<vmem>> -> memref<128xf32, #tpu.memory_space<vmem>>
        %dma_start3A_1712 = arith.constant 0 : i32
        %dma_start3A_1713 = tpu.memref_slice %arg8[%add3A_1707, %dma_start3A_1712] : memref<256x128xi32, #tpu.memory_space<vmem>> -> memref<1x128xi32, #tpu.memory_space<vmem>>
        %dma_start3A_1714 = tpu.memref_squeeze %dma_start3A_1713 : memref<1x128xi32, #tpu.memory_space<vmem>> -> memref<128xi32, #tpu.memory_space<vmem>>
        %dma_start3A_1715 = arith.constant 0 : i32
        %dma_start3A_1716 = tpu.memref_slice %arg2[%dma_start3A_1715] : memref<4194304xf32, #tpu.memory_space<hbm>> -> memref<4194304xf32, #tpu.memory_space<hbm>>
        tpu.enqueue_indirect_dma source(%dma_start3A_1716 : memref<4194304xf32, #tpu.memory_space<hbm>>) target(%dma_start3A_1711 : memref<128xf32, #tpu.memory_space<vmem>>) offsets(%dma_start3A_1714 : memref<128xi32, #tpu.memory_space<vmem>>) semaphore(%arg22 : memref<!tpu.dma_semaphore, #tpu.memory_space<semaphore_mem>>)
        %add3A_1717 = arith.constant 1 : i32
        %add3A_1718 = arith.addi %scan3A_653, %add3A_1717 : i32
        %mul3A_1719 = arith.constant 16 : i32
        %mul3A_1720 = arith.muli %add3A_1718, %mul3A_1719 : i32
        %add3A_1721 = arith.constant 8 : i32
        %add3A_1722 = arith.addi %mul3A_1720, %add3A_1721 : i32
        %add3A_1723 = arith.constant 6 : i32
        %add3A_1724 = arith.addi %add3A_1722, %add3A_1723 : i32
        %dma_start3A_1725 = arith.constant 14 : i32
        %dma_start3A_1726 = arith.constant 0 : i32
        %dma_start3A_1727 = tpu.memref_slice %arg9[%dma_start3A_1725, %dma_start3A_1726] : memref<16x128xf32, #tpu.memory_space<vmem>> -> memref<1x128xf32, #tpu.memory_space<vmem>>
        %dma_start3A_1728 = tpu.memref_squeeze %dma_start3A_1727 : memref<1x128xf32, #tpu.memory_space<vmem>> -> memref<128xf32, #tpu.memory_space<vmem>>
        %dma_start3A_1729 = arith.constant 0 : i32
        %dma_start3A_1730 = tpu.memref_slice %arg8[%add3A_1724, %dma_start3A_1729] : memref<256x128xi32, #tpu.memory_space<vmem>> -> memref<1x128xi32, #tpu.memory_space<vmem>>
        %dma_start3A_1731 = tpu.memref_squeeze %dma_start3A_1730 : memref<1x128xi32, #tpu.memory_space<vmem>> -> memref<128xi32, #tpu.memory_space<vmem>>
        %dma_start3A_1732 = arith.constant 0 : i32
        %dma_start3A_1733 = tpu.memref_slice %arg2[%dma_start3A_1732] : memref<4194304xf32, #tpu.memory_space<hbm>> -> memref<4194304xf32, #tpu.memory_space<hbm>>
        tpu.enqueue_indirect_dma source(%dma_start3A_1733 : memref<4194304xf32, #tpu.memory_space<hbm>>) target(%dma_start3A_1728 : memref<128xf32, #tpu.memory_space<vmem>>) offsets(%dma_start3A_1731 : memref<128xi32, #tpu.memory_space<vmem>>) semaphore(%arg22 : memref<!tpu.dma_semaphore, #tpu.memory_space<semaphore_mem>>)
        %add3A_1734 = arith.constant 1 : i32
        %add3A_1735 = arith.addi %scan3A_653, %add3A_1734 : i32
        %mul3A_1736 = arith.constant 16 : i32
        %mul3A_1737 = arith.muli %add3A_1735, %mul3A_1736 : i32
        %add3A_1738 = arith.constant 8 : i32
        %add3A_1739 = arith.addi %mul3A_1737, %add3A_1738 : i32
        %add3A_1740 = arith.constant 7 : i32
        %add3A_1741 = arith.addi %add3A_1739, %add3A_1740 : i32
        %dma_start3A_1742 = arith.constant 15 : i32
        %dma_start3A_1743 = arith.constant 0 : i32
        %dma_start3A_1744 = tpu.memref_slice %arg9[%dma_start3A_1742, %dma_start3A_1743] : memref<16x128xf32, #tpu.memory_space<vmem>> -> memref<1x128xf32, #tpu.memory_space<vmem>>
        %dma_start3A_1745 = tpu.memref_squeeze %dma_start3A_1744 : memref<1x128xf32, #tpu.memory_space<vmem>> -> memref<128xf32, #tpu.memory_space<vmem>>
        %dma_start3A_1746 = arith.constant 0 : i32
        %dma_start3A_1747 = tpu.memref_slice %arg8[%add3A_1741, %dma_start3A_1746] : memref<256x128xi32, #tpu.memory_space<vmem>> -> memref<1x128xi32, #tpu.memory_space<vmem>>
        %dma_start3A_1748 = tpu.memref_squeeze %dma_start3A_1747 : memref<1x128xi32, #tpu.memory_space<vmem>> -> memref<128xi32, #tpu.memory_space<vmem>>
        %dma_start3A_1749 = arith.constant 0 : i32
        %dma_start3A_1750 = tpu.memref_slice %arg2[%dma_start3A_1749] : memref<4194304xf32, #tpu.memory_space<hbm>> -> memref<4194304xf32, #tpu.memory_space<hbm>>
        tpu.enqueue_indirect_dma source(%dma_start3A_1750 : memref<4194304xf32, #tpu.memory_space<hbm>>) target(%dma_start3A_1745 : memref<128xf32, #tpu.memory_space<vmem>>) offsets(%dma_start3A_1748 : memref<128xi32, #tpu.memory_space<vmem>>) semaphore(%arg22 : memref<!tpu.dma_semaphore, #tpu.memory_space<semaphore_mem>>)
      } else {
      }
      scf.yield %add3A_1609 : vector<16xf32>
    }
    %scan3A_452 = arith.constant 16 : i32
    %dma_wait3A = arith.constant 0 : i32
    %dma_wait3A_453 = tpu.memref_slice %arg3[%dma_wait3A] : memref<2048xf32, #tpu.memory_space<hbm>> -> memref<128xf32, #tpu.memory_space<hbm>>
    %dma_wait3A_454 = arith.constant 0 : i32
    %dma_wait3A_455 = tpu.memref_slice %arg3[%dma_wait3A_454] : memref<2048xf32, #tpu.memory_space<hbm>> -> memref<128xf32, #tpu.memory_space<hbm>>
    tpu.wait_dma2 semaphore(%arg23 : memref<!tpu.dma_semaphore, #tpu.memory_space<semaphore_mem>>) src(%dma_wait3A_455 : memref<128xf32, #tpu.memory_space<hbm>>) dst(%arg10 : memref<128xi32, #tpu.memory_space<vmem>>)
    %dma_wait3A_456 = arith.constant 0 : i32
    %dma_wait3A_457 = tpu.memref_slice %arg3[%dma_wait3A_456] : memref<2048xf32, #tpu.memory_space<hbm>> -> memref<128xf32, #tpu.memory_space<hbm>>
    %dma_wait3A_458 = arith.constant 0 : i32
    %dma_wait3A_459 = tpu.memref_slice %arg3[%dma_wait3A_458] : memref<2048xf32, #tpu.memory_space<hbm>> -> memref<128xf32, #tpu.memory_space<hbm>>
    tpu.wait_dma2 semaphore(%arg23 : memref<!tpu.dma_semaphore, #tpu.memory_space<semaphore_mem>>) src(%dma_wait3A_459 : memref<128xf32, #tpu.memory_space<hbm>>) dst(%arg11 : memref<128xi32, #tpu.memory_space<vmem>>)
    %dma_wait3A_460 = arith.constant 0 : i32
    %dma_wait3A_461 = tpu.memref_slice %arg2[%dma_wait3A_460] : memref<4194304xf32, #tpu.memory_space<hbm>> -> memref<64xf32, #tpu.memory_space<hbm>>
    %dma_wait3A_462 = arith.constant 0 : i32
    %dma_wait3A_463 = tpu.memref_slice %arg2[%dma_wait3A_462] : memref<4194304xf32, #tpu.memory_space<hbm>> -> memref<64xf32, #tpu.memory_space<hbm>>
    tpu.wait_dma2 semaphore(%arg23 : memref<!tpu.dma_semaphore, #tpu.memory_space<semaphore_mem>>) src(%dma_wait3A_463 : memref<64xf32, #tpu.memory_space<hbm>>) dst(%arg17 : memref<64xf32, #tpu.memory_space<vmem>>)
    %dma_wait3A_464 = arith.constant 0 : i32
    %dma_wait3A_465 = tpu.memref_slice %arg3[%dma_wait3A_464] : memref<2048xf32, #tpu.memory_space<hbm>> -> memref<16xf32, #tpu.memory_space<hbm>>
    %dma_wait3A_466 = arith.constant 0 : i32
    %dma_wait3A_467 = tpu.memref_slice %arg3[%dma_wait3A_466] : memref<2048xf32, #tpu.memory_space<hbm>> -> memref<16xf32, #tpu.memory_space<hbm>>
    tpu.wait_dma2 semaphore(%arg23 : memref<!tpu.dma_semaphore, #tpu.memory_space<semaphore_mem>>) src(%dma_wait3A_467 : memref<16xf32, #tpu.memory_space<hbm>>) dst(%arg18 : memref<16xf32, #tpu.memory_space<vmem>>)
    %dma_wait3A_468 = arith.constant 0 : i32
    %dma_wait3A_469 = tpu.memref_slice %arg4[%dma_wait3A_468] : memref<2048xf32, #tpu.memory_space<hbm>> -> memref<16xf32, #tpu.memory_space<hbm>>
    %dma_wait3A_470 = arith.constant 0 : i32
    %dma_wait3A_471 = tpu.memref_slice %arg4[%dma_wait3A_470] : memref<2048xf32, #tpu.memory_space<hbm>> -> memref<16xf32, #tpu.memory_space<hbm>>
    tpu.wait_dma2 semaphore(%arg23 : memref<!tpu.dma_semaphore, #tpu.memory_space<semaphore_mem>>) src(%dma_wait3A_471 : memref<16xf32, #tpu.memory_space<hbm>>) dst(%arg19 : memref<16xf32, #tpu.memory_space<vmem>>)
    %dma_start3A_472 = arith.constant 0 : i32
    %dma_start3A_473 = tpu.memref_slice %arg3[%dma_start3A_472] : memref<2048xf32, #tpu.memory_space<hbm>> -> memref<2048xf32, #tpu.memory_space<hbm>>
    tpu.enqueue_indirect_dma source(%dma_start3A_473 : memref<2048xf32, #tpu.memory_space<hbm>>) target(%arg12 : memref<128xf32, #tpu.memory_space<vmem>>) offsets(%arg10 : memref<128xi32, #tpu.memory_space<vmem>>) semaphore(%arg21 : memref<!tpu.dma_semaphore, #tpu.memory_space<semaphore_mem>>)
    %dma_start3A_474 = arith.constant 0 : i32
    %dma_start3A_475 = tpu.memref_slice %arg4[%dma_start3A_474] : memref<2048xf32, #tpu.memory_space<hbm>> -> memref<2048xf32, #tpu.memory_space<hbm>>
    tpu.enqueue_indirect_dma source(%dma_start3A_475 : memref<2048xf32, #tpu.memory_space<hbm>>) target(%arg13 : memref<128xf32, #tpu.memory_space<vmem>>) offsets(%arg11 : memref<128xi32, #tpu.memory_space<vmem>>) semaphore(%arg22 : memref<!tpu.dma_semaphore, #tpu.memory_space<semaphore_mem>>)
    %dma_wait3A_476 = arith.constant 0 : i32
    %dma_wait3A_477 = tpu.memref_slice %arg3[%dma_wait3A_476] : memref<2048xf32, #tpu.memory_space<hbm>> -> memref<2048xf32, #tpu.memory_space<hbm>>
    tpu.wait_indirect_dma semaphore(%arg21 : memref<!tpu.dma_semaphore, #tpu.memory_space<semaphore_mem>>) src(%dma_wait3A_477 : memref<2048xf32, #tpu.memory_space<hbm>>) dst(%arg12 : memref<128xf32, #tpu.memory_space<vmem>>)
    %dma_wait3A_478 = arith.constant 0 : i32
    %dma_wait3A_479 = tpu.memref_slice %arg4[%dma_wait3A_478] : memref<2048xf32, #tpu.memory_space<hbm>> -> memref<2048xf32, #tpu.memory_space<hbm>>
    tpu.wait_indirect_dma semaphore(%arg22 : memref<!tpu.dma_semaphore, #tpu.memory_space<semaphore_mem>>) src(%dma_wait3A_479 : memref<2048xf32, #tpu.memory_space<hbm>>) dst(%arg13 : memref<128xf32, #tpu.memory_space<vmem>>)
    %get3A = arith.constant 0 : index
    %get3A_480 = tpu.vector_load %arg12[%get3A] {strides = array<i32>} : memref<128xf32, #tpu.memory_space<vmem>>, vector<16xf32>,
    %get3A_481 = vector.shape_cast %get3A_480 : vector<16xf32> to vector<16xf32>
    %add3A_482 = arith.addf %scan3A_451, %get3A_481 : vector<16xf32>
    %get3A_483 = arith.constant 0 : index
    %get3A_484 = tpu.vector_load %arg13[%get3A_483] {strides = array<i32>} : memref<128xf32, #tpu.memory_space<vmem>>, vector<16xf32>,
    %get3A_485 = vector.shape_cast %get3A_484 : vector<16xf32> to vector<16xf32>
    %add3A_486 = arith.addf %add3A_482, %get3A_485 : vector<16xf32>
    %get3A_487 = arith.constant 16 : index
    %get3A_488 = tpu.vector_load %arg12[%get3A_487] {strides = array<i32>} : memref<128xf32, #tpu.memory_space<vmem>>, vector<16xf32>,
    %get3A_489 = vector.shape_cast %get3A_488 : vector<16xf32> to vector<16xf32>
    %add3A_490 = arith.addf %add3A_486, %get3A_489 : vector<16xf32>
    %get3A_491 = arith.constant 16 : index
    %get3A_492 = tpu.vector_load %arg13[%get3A_491] {strides = array<i32>} : memref<128xf32, #tpu.memory_space<vmem>>, vector<16xf32>,
    %get3A_493 = vector.shape_cast %get3A_492 : vector<16xf32> to vector<16xf32>
    %add3A_494 = arith.addf %add3A_490, %get3A_493 : vector<16xf32>
    %get3A_495 = arith.constant 32 : index
    %get3A_496 = tpu.vector_load %arg12[%get3A_495] {strides = array<i32>} : memref<128xf32, #tpu.memory_space<vmem>>, vector<16xf32>,
    %get3A_497 = vector.shape_cast %get3A_496 : vector<16xf32> to vector<16xf32>
    %add3A_498 = arith.addf %add3A_494, %get3A_497 : vector<16xf32>
    %get3A_499 = arith.constant 32 : index
    %get3A_500 = tpu.vector_load %arg13[%get3A_499] {strides = array<i32>} : memref<128xf32, #tpu.memory_space<vmem>>, vector<16xf32>,
    %get3A_501 = vector.shape_cast %get3A_500 : vector<16xf32> to vector<16xf32>
    %add3A_502 = arith.addf %add3A_498, %get3A_501 : vector<16xf32>
    %get3A_503 = arith.constant 48 : index
    %get3A_504 = tpu.vector_load %arg12[%get3A_503] {strides = array<i32>} : memref<128xf32, #tpu.memory_space<vmem>>, vector<16xf32>,
    %get3A_505 = vector.shape_cast %get3A_504 : vector<16xf32> to vector<16xf32>
    %add3A_506 = arith.addf %add3A_502, %get3A_505 : vector<16xf32>
    %get3A_507 = arith.constant 48 : index
    %get3A_508 = tpu.vector_load %arg13[%get3A_507] {strides = array<i32>} : memref<128xf32, #tpu.memory_space<vmem>>, vector<16xf32>,
    %get3A_509 = vector.shape_cast %get3A_508 : vector<16xf32> to vector<16xf32>
    %add3A_510 = arith.addf %add3A_506, %get3A_509 : vector<16xf32>
    %get3A_511 = arith.constant 64 : index
    %get3A_512 = tpu.vector_load %arg12[%get3A_511] {strides = array<i32>} : memref<128xf32, #tpu.memory_space<vmem>>, vector<16xf32>,
    %get3A_513 = vector.shape_cast %get3A_512 : vector<16xf32> to vector<16xf32>
    %add3A_514 = arith.addf %add3A_510, %get3A_513 : vector<16xf32>
    %get3A_515 = arith.constant 64 : index
    %get3A_516 = tpu.vector_load %arg13[%get3A_515] {strides = array<i32>} : memref<128xf32, #tpu.memory_space<vmem>>, vector<16xf32>,
    %get3A_517 = vector.shape_cast %get3A_516 : vector<16xf32> to vector<16xf32>
    %add3A_518 = arith.addf %add3A_514, %get3A_517 : vector<16xf32>
    %get3A_519 = arith.constant 80 : index
    %get3A_520 = tpu.vector_load %arg12[%get3A_519] {strides = array<i32>} : memref<128xf32, #tpu.memory_space<vmem>>, vector<16xf32>,
    %get3A_521 = vector.shape_cast %get3A_520 : vector<16xf32> to vector<16xf32>
    %add3A_522 = arith.addf %add3A_518, %get3A_521 : vector<16xf32>
    %get3A_523 = arith.constant 80 : index
    %get3A_524 = tpu.vector_load %arg13[%get3A_523] {strides = array<i32>} : memref<128xf32, #tpu.memory_space<vmem>>, vector<16xf32>,
    %get3A_525 = vector.shape_cast %get3A_524 : vector<16xf32> to vector<16xf32>
    %add3A_526 = arith.addf %add3A_522, %get3A_525 : vector<16xf32>
    %get3A_527 = arith.constant 96 : index
    %get3A_528 = tpu.vector_load %arg12[%get3A_527] {strides = array<i32>} : memref<128xf32, #tpu.memory_space<vmem>>, vector<16xf32>,
    %get3A_529 = vector.shape_cast %get3A_528 : vector<16xf32> to vector<16xf32>
    %add3A_530 = arith.addf %add3A_526, %get3A_529 : vector<16xf32>
    %get3A_531 = arith.constant 96 : index
    %get3A_532 = tpu.vector_load %arg13[%get3A_531] {strides = array<i32>} : memref<128xf32, #tpu.memory_space<vmem>>, vector<16xf32>,
    %get3A_533 = vector.shape_cast %get3A_532 : vector<16xf32> to vector<16xf32>
    %add3A_534 = arith.addf %add3A_530, %get3A_533 : vector<16xf32>
    %get3A_535 = arith.constant 112 : index
    %get3A_536 = tpu.vector_load %arg12[%get3A_535] {strides = array<i32>} : memref<128xf32, #tpu.memory_space<vmem>>, vector<16xf32>,
    %get3A_537 = vector.shape_cast %get3A_536 : vector<16xf32> to vector<16xf32>
    %add3A_538 = arith.addf %add3A_534, %get3A_537 : vector<16xf32>
    %get3A_539 = arith.constant 112 : index
    %get3A_540 = tpu.vector_load %arg13[%get3A_539] {strides = array<i32>} : memref<128xf32, #tpu.memory_space<vmem>>, vector<16xf32>,
    %get3A_541 = vector.shape_cast %get3A_540 : vector<16xf32> to vector<16xf32>
    %add3A_542 = arith.addf %add3A_538, %get3A_541 : vector<16xf32>
    %broadcast_in_dim3A_543 = arith.constant 0.000000e+00 : f32
    %broadcast_in_dim3A_544 = vector.broadcast %broadcast_in_dim3A_543 : f32 to vector<16xf32>
    %mul3A_545 = arith.constant 64 : i32
    %mul3A_546 = arith.muli %add3A, %mul3A_545 : i32
    %add3A_547 = arith.constant 0 : i32
    %add3A_548 = arith.addi %mul3A_546, %add3A_547 : i32
    %add3A_549 = vector.broadcast %add3A_548 : i32 to vector<16xi32>
    %add3A_550 = arith.addi %add3A_549, %iota3A : vector<16xi32>
    %lt3A_551 = arith.constant 2047 : i32
    %lt3A_552 = vector.broadcast %lt3A_551 : i32 to vector<16xi32>
    %lt3A_553 = arith.cmpi slt, %add3A_550, %lt3A_552 : vector<16xi32>
    %jit3A_554 = arith.constant 1.000000e+00 : f32
    %jit3A_555 = arith.constant 0.000000e+00 : f32
    %broadcast_in_dim3A_556 = vector.broadcast %jit3A_554 : f32 to vector<16xf32>
    %broadcast_in_dim3A_557 = vector.broadcast %jit3A_555 : f32 to vector<16xf32>
    %select_n3A_558 = arith.select %lt3A_553, %broadcast_in_dim3A_556, %broadcast_in_dim3A_557 : vector<16xi1>, vector<16xf32>
    %get3A_559 = arith.constant 0 : index
    %get3A_560 = tpu.vector_load %arg17[%get3A_559] {strides = array<i32>} : memref<64xf32, #tpu.memory_space<vmem>>, vector<16xf32>,
    %get3A_561 = vector.shape_cast %get3A_560 : vector<16xf32> to vector<16xf32>
    %mul3A_562 = arith.mulf %get3A_561, %select_n3A_558 : vector<16xf32>
    %add3A_563 = arith.addf %broadcast_in_dim3A_544, %mul3A_562 : vector<16xf32>
    %mul3A_564 = arith.constant 64 : i32
    %mul3A_565 = arith.muli %add3A, %mul3A_564 : i32
    %add3A_566 = arith.constant 16 : i32
    %add3A_567 = arith.addi %mul3A_565, %add3A_566 : i32
    %add3A_568 = vector.broadcast %add3A_567 : i32 to vector<16xi32>
    %add3A_569 = arith.addi %add3A_568, %iota3A : vector<16xi32>
    %lt3A_570 = arith.constant 2047 : i32
    %lt3A_571 = vector.broadcast %lt3A_570 : i32 to vector<16xi32>
    %lt3A_572 = arith.cmpi slt, %add3A_569, %lt3A_571 : vector<16xi32>
    %jit3A_573 = arith.constant 1.000000e+00 : f32
    %jit3A_574 = arith.constant 0.000000e+00 : f32
    %broadcast_in_dim3A_575 = vector.broadcast %jit3A_573 : f32 to vector<16xf32>
    %broadcast_in_dim3A_576 = vector.broadcast %jit3A_574 : f32 to vector<16xf32>
    %select_n3A_577 = arith.select %lt3A_572, %broadcast_in_dim3A_575, %broadcast_in_dim3A_576 : vector<16xi1>, vector<16xf32>
    %get3A_578 = arith.constant 16 : index
    %get3A_579 = tpu.vector_load %arg17[%get3A_578] {strides = array<i32>} : memref<64xf32, #tpu.memory_space<vmem>>, vector<16xf32>,
    %get3A_580 = vector.shape_cast %get3A_579 : vector<16xf32> to vector<16xf32>
    %mul3A_581 = arith.mulf %get3A_580, %select_n3A_577 : vector<16xf32>
    %add3A_582 = arith.addf %add3A_563, %mul3A_581 : vector<16xf32>
    %mul3A_583 = arith.constant 64 : i32
    %mul3A_584 = arith.muli %add3A, %mul3A_583 : i32
    %add3A_585 = arith.constant 32 : i32
    %add3A_586 = arith.addi %mul3A_584, %add3A_585 : i32
    %add3A_587 = vector.broadcast %add3A_586 : i32 to vector<16xi32>
    %add3A_588 = arith.addi %add3A_587, %iota3A : vector<16xi32>
    %lt3A_589 = arith.constant 2047 : i32
    %lt3A_590 = vector.broadcast %lt3A_589 : i32 to vector<16xi32>
    %lt3A_591 = arith.cmpi slt, %add3A_588, %lt3A_590 : vector<16xi32>
    %jit3A_592 = arith.constant 1.000000e+00 : f32
    %jit3A_593 = arith.constant 0.000000e+00 : f32
    %broadcast_in_dim3A_594 = vector.broadcast %jit3A_592 : f32 to vector<16xf32>
    %broadcast_in_dim3A_595 = vector.broadcast %jit3A_593 : f32 to vector<16xf32>
    %select_n3A_596 = arith.select %lt3A_591, %broadcast_in_dim3A_594, %broadcast_in_dim3A_595 : vector<16xi1>, vector<16xf32>
    %get3A_597 = arith.constant 32 : index
    %get3A_598 = tpu.vector_load %arg17[%get3A_597] {strides = array<i32>} : memref<64xf32, #tpu.memory_space<vmem>>, vector<16xf32>,
    %get3A_599 = vector.shape_cast %get3A_598 : vector<16xf32> to vector<16xf32>
    %mul3A_600 = arith.mulf %get3A_599, %select_n3A_596 : vector<16xf32>
    %add3A_601 = arith.addf %add3A_582, %mul3A_600 : vector<16xf32>
    %mul3A_602 = arith.constant 64 : i32
    %mul3A_603 = arith.muli %add3A, %mul3A_602 : i32
    %add3A_604 = arith.constant 48 : i32
    %add3A_605 = arith.addi %mul3A_603, %add3A_604 : i32
    %add3A_606 = vector.broadcast %add3A_605 : i32 to vector<16xi32>
    %add3A_607 = arith.addi %add3A_606, %iota3A : vector<16xi32>
    %lt3A_608 = arith.constant 2047 : i32
    %lt3A_609 = vector.broadcast %lt3A_608 : i32 to vector<16xi32>
    %lt3A_610 = arith.cmpi slt, %add3A_607, %lt3A_609 : vector<16xi32>
    %jit3A_611 = arith.constant 1.000000e+00 : f32
    %jit3A_612 = arith.constant 0.000000e+00 : f32
    %broadcast_in_dim3A_613 = vector.broadcast %jit3A_611 : f32 to vector<16xf32>
    %broadcast_in_dim3A_614 = vector.broadcast %jit3A_612 : f32 to vector<16xf32>
    %select_n3A_615 = arith.select %lt3A_610, %broadcast_in_dim3A_613, %broadcast_in_dim3A_614 : vector<16xi1>, vector<16xf32>
    %get3A_616 = arith.constant 48 : index
    %get3A_617 = tpu.vector_load %arg17[%get3A_616] {strides = array<i32>} : memref<64xf32, #tpu.memory_space<vmem>>, vector<16xf32>,
    %get3A_618 = vector.shape_cast %get3A_617 : vector<16xf32> to vector<16xf32>
    %mul3A_619 = arith.mulf %get3A_618, %select_n3A_615 : vector<16xf32>
    %add3A_620 = arith.addf %add3A_601, %mul3A_619 : vector<16xf32>
    %eq3A = arith.constant 0 : i32
    %eq3A_621 = vector.broadcast %eq3A : i32 to vector<16xi32>
    %eq3A_622 = arith.cmpi eq, %iota3A, %eq3A_621 : vector<16xi32>
    %jit3A_623 = arith.constant 1.000000e+00 : f32
    %jit3A_624 = arith.constant 0.000000e+00 : f32
    %broadcast_in_dim3A_625 = vector.broadcast %jit3A_623 : f32 to vector<16xf32>
    %broadcast_in_dim3A_626 = vector.broadcast %jit3A_624 : f32 to vector<16xf32>
    %select_n3A_627 = arith.select %eq3A_622, %broadcast_in_dim3A_625, %broadcast_in_dim3A_626 : vector<16xi1>, vector<16xf32>
    %eq3A_628 = arith.constant 0 : i32
    %eq3A_629 = arith.cmpi eq, %add3A, %eq3A_628 : i32
    %jit3A_630 = arith.constant 1.000000e+00 : f32
    %jit3A_631 = arith.constant 0.000000e+00 : f32
    %select_n3A_632 = arith.select %eq3A_629, %jit3A_630, %jit3A_631 : f32
    %get3A_633 = arith.constant 0 : index
    %get3A_634 = tpu.vector_load %arg18[%get3A_633] {strides = array<i32>} : memref<16xf32, #tpu.memory_space<vmem>>, vector<16xf32>,
    %get3A_635 = vector.shape_cast %get3A_634 : vector<16xf32> to vector<16xf32>
    %get3A_636 = arith.constant 0 : index
    %get3A_637 = tpu.vector_load %arg19[%get3A_636] {strides = array<i32>} : memref<16xf32, #tpu.memory_space<vmem>>, vector<16xf32>,
    %get3A_638 = vector.shape_cast %get3A_637 : vector<16xf32> to vector<16xf32>
    %add3A_639 = arith.addf %get3A_635, %get3A_638 : vector<16xf32>
    %mul3A_640 = arith.mulf %add3A_639, %select_n3A_627 : vector<16xf32>
    %mul3A_641 = vector.broadcast %select_n3A_632 : f32 to vector<16xf32>
    %mul3A_642 = arith.mulf %mul3A_640, %mul3A_641 : vector<16xf32>
    %add3A_643 = arith.addf %add3A_620, %mul3A_642 : vector<16xf32>
    %mul3A_644 = arith.constant 2.44140625E-4 : f32
    %mul3A_645 = vector.broadcast %mul3A_644 : f32 to vector<16xf32>
    %mul3A_646 = arith.mulf %add3A_542, %mul3A_645 : vector<16xf32>
    %sub3A = arith.subf %mul3A_646, %add3A_643 : vector<16xf32>
    %swap3A_647 = arith.constant 0 : index
    %swap3A_648 = tpu.vector_load %arg20[%swap3A_647] {strides = array<i32>} : memref<16xf32, #tpu.memory_space<vmem>>, vector<16xf32>,
    %swap3A_649 = vector.shape_cast %swap3A_648 : vector<16xf32> to vector<16xf32>
    %swap3A_650 = vector.shape_cast %sub3A : vector<16xf32> to vector<16xf32>
    tpu.vector_store %arg20[%swap3A_647], %swap3A_650 {strides = array<i32>} : memref<16xf32, #tpu.memory_space<vmem>>, vector<16xf32>,
    %mul3A_651 = arith.constant 16 : i32
    %mul3A_652 = arith.muli %add3A, %mul3A_651 : i32
    "tpu.region"() ({
      %run_scoped3A = tpu.sem_alloc : memref<!tpu.dma_semaphore, #tpu.memory_space<semaphore_mem>>
      %dma_start3A_653 = tpu.memref_slice %arg6[%mul3A_652] : memref<512xf32, #tpu.memory_space<hbm>> -> memref<16xf32, #tpu.memory_space<hbm>>
      %dma_start3A_654 = tpu.memref_slice %arg6[%mul3A_652] : memref<512xf32, #tpu.memory_space<hbm>> -> memref<16xf32, #tpu.memory_space<hbm>>
      tpu.enqueue_dma source(%arg20 : memref<16xf32, #tpu.memory_space<vmem>>) target(%dma_start3A_654 : memref<16xf32, #tpu.memory_space<hbm>>) target_semaphore(%run_scoped3A : memref<!tpu.dma_semaphore, #tpu.memory_space<semaphore_mem>>)
      %dma_wait3A_655 = tpu.memref_slice %arg6[%mul3A_652] : memref<512xf32, #tpu.memory_space<hbm>> -> memref<16xf32, #tpu.memory_space<hbm>>
      %dma_wait3A_656 = tpu.memref_slice %arg6[%mul3A_652] : memref<512xf32, #tpu.memory_space<hbm>> -> memref<16xf32, #tpu.memory_space<hbm>>
      tpu.wait_dma2 semaphore(%run_scoped3A : memref<!tpu.dma_semaphore, #tpu.memory_space<semaphore_mem>>) src(%arg20 : memref<16xf32, #tpu.memory_space<vmem>>) dst(%dma_wait3A_656 : memref<16xf32, #tpu.memory_space<hbm>>)
      tpu.yield
    }) : () -> ()
    return
  }
}

</mosaic_0001>

<sc_bundles>
// kernel: _sc_loss.3.cloned.1.call-start
scs
__scs_entry_jumppad:
0x0: {  	(pc) =	sbr.rel $0x88, $3  }
0x1: {  	(tag) =	ssettag $0x0;
	lr =	simm.s32 $0x1  }
0x2: {  	[smem:$0x3F9D] =	sst lr;
	_ =	strace $0xD0000000  }
0x3: {  	_ = 	snop  }
0x4: {  	_ = 	snop  }
0x5: {  	_ = 	snop  }
0x6: {  	_ = 	snop  }
0x7: {  	_ = 	snop  }
__scs_overlays_trampoline_lowered:
0x8: {  	[smem:$0x3FAC] =	sst s0  }
0x9: {  	[smem:$0x3FAD] =	sst s1  }
0xa: {  	[smem:$0x3FAE] =	sst s2  }
0xb: {  	[smem:$0x3FAF] =	sst s3  }
0xc: {  	[smem:$0x3FB0] =	sst s4  }
0xd: {  	[smem:$0x3FB1] =	sst s5  }
0xe: {  	[smem:$0x3FB2] =	sst s6  }
0xf: {  	[smem:$0x3FB3] =	sst s7  }
0x10: {  	[smem:$0x3FB4] =	sst s8  }
0x11: {  	[smem:$0x3FB5] =	sst s9;
	s0 =	simm.s32 @!p0 $0x0  }
0x12: {  	s1 =	sld [smem:$0x3F9B];
	s0 =	simm.s32 @p0 $0x1  }
0x13: {  	[smem:$0x3FB6] =	sst s0;
	s0 =	simm.s32 @!p1 $0x0  }
0x14: {  	s2 =	sld [smem:$0x3F9A];
	s0 =	simm.s32 @p1 $0x1  }
0x15: {  	[smem:$0x3FB7] =	sst s0;
	s0 =	simm.s32 @!p2 $0x0  }
0x16: {  	s3 =	sld [smem:$0x3FDB];
	s0 =	simm.s32 @p2 $0x1  }
0x17: {  	s4 =	simm.s32 $0x1BF5;
	[smem:$0x3FB9] =	sst s0  }
0x18: {  	s0 =	sld [smem:$0x3F9C];
	_ =	swait.ge [sflag:s4], $0x0  }
0x19: {  	s7 =	sld [smem:$0x3F9D]  }
0x1a: {  	s8 =	sadd.s32 $0xFFFFE003, lr  }
0x1b: {  	s9 =	sadd.s32 $0xFFFFFEF7, lr;
	s5 =	simm.s32 $0xFFFFFFFF;
	p2 =	slt.u32 s8, $0xFFFFF086  }
0x1c: {  	p1 =	slt.u32 s9, $0xF7A;
	s5 =	simm.s32 @!p2 $0x0  }
0x1d: {  	s5 =	simm.s32 @p1 $0x1;
	p0 =	seq.s32 s7, s2  }
0x1e: {  	s7 =	smul.u32 @!p0 $0xF7A, s2;
	p2 =	seq.s32 @!p0 s5, $0x0  }
0x1f: {  	s9 =	smul.u32 $0xF7A, s1;
	s8 =	simm.s32 @!p0 $0x1BF5;
	p2 =	por !p2, p0  }
0x20: {  	[sflag:s8] =	ssyncset.s32 @!p0 $0xFFFFF086;
	s6 =	sadd.s32 @!p0 s3, s7;
	s7 =	simm.s32 @!p0 $0x108  }
0x21: {  	s3 =	sadd.s32 s3, s9;
	s6 =	sadd.s32 @!p0 $0x88, s6;
	s7 =	simm.s32 @p2 $0x1082  }
0x22: {  	[simem:s7], [sflag:s8] =	dma.local @!p0 [hbm:s6], $0xF7A  }
0x23: {  	s9 =	sor.u32 $0xD0000000, s2;
	s6 =	simm.s32 $0x108;
	_ =	swait.ge @!p0 [sflag:s8], $0x0  }
0x24: {  	s3 =	sadd.s32 $0x88, s3;
	s6 =	simm.s32 @!p1 $0x1082;
	[sflag:s4] =	ssyncset.s32 $0xFFFFF086  }
0x25: {  	[simem:s6], [sflag:s4] =	dma.local [hbm:s3], $0xF7A  }
0x26: {  	[smem:$0x3F9D] =	sst s1;
	(tag) =	ssettag s2;
	_ =	strace s9  }
0x27: {  	s1 =	sld [smem:$0x3FAD]  }
0x28: {  	s2 =	sld [smem:$0x3FAE]  }
0x29: {  	s4 =	sld [smem:$0x3FB0]  }
0x2a: {  	p0 =	seq.s32 s5, $0x0;
	s5 =	sld [smem:$0x3FB1]  }
0x2b: {  	s6 =	sld [smem:$0x3FB2]  }
0x2c: {  	s7 =	sld [smem:$0x3FB3]  }
0x2d: {  	s3 =	simm.s32 $0x108;
	s8 =	sld [smem:$0x3FB4]  }
0x2e: {  	s3 =	simm.s32 @!p0 $0x1082;
	s9 =	sld [smem:$0x3FB5]  }
0x2f: {  	lr =	sadd.s32 s0, s3;
	s0 =	sld [smem:$0x3FAC]  }
0x30: {  	s3 =	sld [smem:$0x3FAF]  }
0x31: {  	[smem:$0x3FB8] =	sst s10  }
0x32: {  	s10 =	sld [smem:$0x3FB6];
	_ =	sdelay $0x3  }
0x33: {  	p0 =	seq.s32 s10, $0x1;
	s10 =	sld [smem:$0x3FB8];
	_ =	sdelay $0x3  }
0x34: {  	[smem:$0x3FB8] =	sst s10  }
0x35: {  	s10 =	sld [smem:$0x3FB7];
	_ =	sdelay $0x3  }
0x36: {  	p1 =	seq.s32 s10, $0x1;
	s10 =	sld [smem:$0x3FB8];
	_ =	sdelay $0x3  }
0x37: {  	[smem:$0x3FB8] =	sst s10  }
0x38: {  	s10 =	sld [smem:$0x3FB9]  }
0x39: {  	_ = 	snop;
	(pc) =	sbr.ind lr, $3  }
0x3a: {  	_ = 	snop  }
0x3b: {  	_ = 	snop  }
0x3c: {  	p2 =	seq.s32 s10, $0x1;
	s10 =	sld [smem:$0x3FB8]  }
0x3d: {  	_ =	shalt  }
0x3e: {  	_ =	shalt  }
0x3f: {  	_ =	shalt  }
0x40: {  	_ =	shalt  }
0x41: {  	_ =	shalt  }
0x42: {  	_ =	shalt  }
0x43: {  	_ =	shalt  }
0x44: {  	_ =	shalt  }
0x45: {  	_ =	shalt  }
0x46: {  	_ =	shalt  }
0x47: {  	_ =	shalt  }
0x48: {  	_ =	shalt  }
0x49: {  	_ =	shalt  }
0x4a: {  	_ =	shalt  }
0x4b: {  	_ =	shalt  }
0x4c: {  	_ =	shalt  }
0x4d: {  	_ =	shalt  }
0x4e: {  	_ =	shalt  }
0x4f: {  	_ =	shalt  }
0x50: {  	_ =	shalt  }
0x51: {  	_ =	shalt  }
0x52: {  	_ =	shalt  }
0x53: {  	_ =	shalt  }
0x54: {  	_ =	shalt  }
0x55: {  	_ =	shalt  }
0x56: {  	_ =	shalt  }
0x57: {  	_ =	shalt  }
0x58: {  	_ =	shalt  }
0x59: {  	_ =	shalt  }
0x5a: {  	_ =	shalt  }
0x5b: {  	_ =	shalt  }
0x5c: {  	_ =	shalt  }
0x5d: {  	_ =	shalt  }
0x5e: {  	_ =	shalt  }
0x5f: {  	_ =	shalt  }
0x60: {  	_ =	shalt  }
0x61: {  	_ =	shalt  }
0x62: {  	_ =	shalt  }
0x63: {  	_ =	shalt  }
0x64: {  	_ =	shalt  }
0x65: {  	_ =	shalt  }
0x66: {  	_ =	shalt  }
0x67: {  	_ =	shalt  }
0x68: {  	_ =	shalt  }
0x69: {  	_ =	shalt  }
0x6a: {  	_ =	shalt  }
0x6b: {  	_ =	shalt  }
0x6c: {  	_ =	shalt  }
0x6d: {  	_ =	shalt  }
0x6e: {  	_ =	shalt  }
0x6f: {  	_ =	shalt  }
0x70: {  	_ =	shalt  }
0x71: {  	_ =	shalt  }
0x72: {  	_ =	shalt  }
0x73: {  	_ =	shalt  }
0x74: {  	_ =	shalt  }
0x75: {  	_ =	shalt  }
0x76: {  	_ =	shalt  }
0x77: {  	_ =	shalt  }
0x78: {  	_ =	shalt  }
0x79: {  	_ =	shalt  }
0x7a: {  	_ =	shalt  }
0x7b: {  	_ =	shalt  }
0x7c: {  	_ =	shalt  }
0x7d: {  	_ =	shalt  }
0x7e: {  	_ =	shalt  }
0x7f: {  	_ =	shalt  }
0x80: {  	_ =	shalt  }
0x81: {  	_ =	shalt  }
0x82: {  	_ =	shalt  }
0x83: {  	_ =	shalt  }
0x84: {  	_ =	shalt  }
0x85: {  	_ =	shalt  }
0x86: {  	_ =	shalt  }
0x87: {  	_ =	shalt  }
.Lfunc_end0:
.L_simem_size_0:
called_computation_lowered:
.L_overlay_start_0:
0x88: {  	s2 =	sld [smem:$0x3FD9]  }
0x89: {  	s3 =	sld [smem:$0x3FFE];
	_ =	sdelay $0x1  }
0x8a: {  	s1 =	srdreg.scid  }
0x8b: {  	s0 =	sand.u32 $0x1, s1  }
0x8c: {  	s18 =	sshll.u32 s0, $0xA;
	s2 =	sadd.s32 s3, s2  }
0x8d: {  	s2 =	sadd.s32 s2, s18  }
0x8e: {  	[smem:$0x3FC4] =	sst s2  }
0x8f: {  	_ = 	snop  }
0x90: {  	s2 =	sld [smem:$0x3FC9]  }
0x91: {  	s19 =	sld [smem:$0x3FC8]  }
0x92: {  	s4 =	sld [smem:$0x3FC7]  }
0x93: {  	s5 =	sld [smem:$0x3FC6]  }
0x94: {  	s6 =	sld [smem:$0x3FD0];
	(tm) =	ssettm $0x1  }
0x95: {  	s7 =	sld [smem:$0x3FFB];
	_ =	sdelay $0x3  }
0x96: {  	_ =	strace s7  }
0x97: {  	s7 =	sld [smem:$0x3FFC];
	_ =	sdelay $0x3  }
0x98: {  	_ =	strace s7  }
0x99: {  	s7 =	sld [smem:$0x3FFD];
	_ =	sdelay $0x3  }
0x9a: {  	_ =	strace s7  }
0x9b: {  	_ =	strace $0x8FFFFFFF  }
0x9c: {  	s20 =	sld [smem:$0x3FDB];
	_ =	sdelay $0x1  }
0x9d: {  	s8 =	simm.s32 $_scs_section_size  }
0x9e: {  	s9 =	simm.s32 $_size__tile_overlayer_lowered;
	s10 =	simm.s32 $_tile_overlayer_lowered  }
0x9f: {  	s23 =	simm.s32 $0x1BFF;
	s22 =	sshll.u32 s10, $0x1;
	s7 =	sadd.s32 s8, s20  }
0xa0: {  	s11 =	simm.s32 $0x0;
	s21 =	sshll.u32 s9, $0x1;
	s9 =	sadd.s32 s22, s7  }
0xa1: {  	[timem:s11], [sflag:s23] =	dma.local [hbm:s9], s21  }
0xa2: {  	_ =	swait.ge [sflag:s23], s21  }
0xa3: {  	s8 =	ssub.s32 $0x0, s21;
	[sflag:s23] =	ssyncset.done $0x0  }
0xa4: {  	[sflag:s23] =	ssyncadd.s32 s8;
	_ =	sdelay $0x1  }
0xa5: {  	s24 =	simm.s32 $0x1B8B  }
0xa6: {  	_ =	swait.ge [sflag:s24], $0x1  }
0xa7: {  	[sflag:s24] =	ssyncset.done $0x0  }
0xa8: {  	s25 =	simm.s32 $0x1B8E;
	[sflag:s24] =	ssyncadd.s32 $0xFFFFFFFF  }
0xa9: {  	s26 =	simm.s32 $execute0_lowered;
	[smem:$0x3FD2] =	sst s25  }
0xaa: {  	s8 =	sshll.u32 s26, $0x1;
	_ =	strace $0x80000046;
	[dreg:$0x1] =	wrdreg $0xFFFFFFFF  }
0xab: {  	s28 =	simm.s32 $_size_execute0_lowered;
	s7 =	sadd.s32 s7, s8;
	[dreg:$0x0] =	wrdreg $0x0  }
0xac: {  	s8 =	sshll.u32 s28, $0x1;
	[dreg:$0x2] =	wrdreg s7  }
0xad: {  	[dreg:$0x3] =	wrdreg s8  }
0xae: {  	[dreg:$0x4] =	wrdreg $0xC0  }
0xaf: {  	_ =	task [dreg:s11], $0x5FFFF  }
0xb0: {  	[dreg:$0x1] =	wrdreg $0xFFFFFFFF  }
0xb1: {  	[dreg:$0x0] =	wrdreg $0x60  }
0xb2: {  	[dreg:$0x2] =	wrdreg s2  }
0xb3: {  	[dreg:$0x3] =	wrdreg s19  }
0xb4: {  	[dreg:$0x4] =	wrdreg s4  }
0xb5: {  	[dreg:$0x5] =	wrdreg s5  }
0xb6: {  	[dreg:$0x6] =	wrdreg s6  }
0xb7: {  	[dreg:$0x7] =	wrdreg $0x9  }
0xb8: {  	_ =	task.clear_ibuf [dreg:s11], $0x8FFFF;
	_ =	strace $0x90000046  }
0xb9: {  	s29 =	simm.s32 $0x9;
	_ =	strace $0x80000048  }
0xba: {  	_ =	swait.ge [sflag:s29], $0x1  }
0xbb: {  	[sflag:s29] =	ssyncadd.s32 $0xFFFFFFFF  }
0xbc: {  	_ =	strace $0x90000048  }
0xbd: {  	_ =	sfence  }
0xbe: {  	s30 =	sld [smem:$0x0];
	_ =	sdelay $0x2  }
0xbf: {  	s31 =	sshll.u32 s1, $0xD;
	s1 =	sshrl.u32 s1, $0x2  }
0xc0: {  	s3 =	sand.u32 $0x4000, s31;
	s1 =	sadd.s32 s1, s30  }
0xc1: {  	s0 =	sor.u32 s3, s0;
	s1 =	sshll.u32 s1, $0x11  }
0xc2: {  	s0 =	sor.u32 s1, s0  }
0xc3: {  	s0 =	sadd.s32 $0x8F2B, s0  }
0xc4: {  	[sflag:s0] =	ssyncadd.remote.s32 $0x1  }
0xc5: {  	_ =	sfence.sel $0xFFFF  }
0xc6: {  	[dreg:$0x0] =	wrdreg $0xFFFFFFFF;
	(pc) =	sbr.abs _section_cstart, $3  }
0xc7: {  	[dreg:$0x1] =	wrdreg $0xFFFFFFFF  }
0xc8: {  	_ =	task.clear_ibuf [dreg:s11], $0x2FFFF;
	_ =	strace $0x9FFFFFFF  }
0xc9: {  	(tm) =	ssettm $0x7FFFFFFF  }
tec
execute0_lowered:
.L_overlay_start_1:
0x0: {  	(tag) =	ssettag $0x1  }
0x1: {  	v16 =	vlaneseq.u32  }
0x2: {  	v14 =	vmul.u32 $0x100, v16  }
0x3: {  	v27 =	vimm.f32 $0.0e+00  }
0x4: {  	v24 =	vimm.s32 $0x0;
	v25 =	vimm.s32 $0x7FF;
	v1 =	vor.u32 $0xFF, v14  }
0x5: {  	s0 =	srdreg.scid;
	s7 =	stileid.u32;
	v2 =	vor.u32 $0x1000, v14;
	v3 =	vor.u32 $0x10FF, v14;
	v4 =	vor.u32 $0x2000, v14  }
0x6: {  	s0 =	sand.u32 $0x1, s0;
	s7 =	sshll.u32 s7, $0x1;
	v5 =	vor.u32 $0x20FF, v14;
	v6 =	vor.u32 $0x3000, v14;
	v7 =	vor.u32 $0x30FF, v14  }
0x7: {  	s9 =	sor.u32 s0, s7;
	v8 =	vor.u32 $0x4000, v14;
	v9 =	vor.u32 $0x40FF, v14;
	v10 =	vor.u32 $0x5000, v14  }
0x8: {  	s8 =	ssub.s32 $0x2, s0;
	s0 =	sshll.u32 s9, $0xF;
	v11 =	vor.u32 $0x50FF, v14;
	v12 =	vor.u32 $0x6000, v14;
	v13 =	vor.u32 $0x60FF, v14  }
0x9: {  	s1 =	rddreg [dreg:$0x0];
	v17 =	vor.u32 $0x7000, v14;
	v18 =	vor.u32 $0x70FF, v14;
	v0 =	vor.u32 s0, v14  }
0xa: {  	s2 =	rddreg [dreg:$0x1];
	v1 =	vor.u32 s0, v1;
	v2 =	vor.u32 s0, v2;
	v3 =	vor.u32 s0, v3  }
0xb: {  	s3 =	rddreg [dreg:$0x2];
	v4 =	vor.u32 s0, v4;
	v5 =	vor.u32 s0, v5;
	v6 =	vor.u32 s0, v6  }
0xc: {  	s5 =	rddreg [dreg:$0x3];
	s12 =	sshll.u32 s9, $0x6;
	v7 =	vor.u32 s0, v7;
	v8 =	vor.u32 s0, v8;
	v9 =	vor.u32 s0, v9  }
0xd: {  	s4 =	rddreg [dreg:$0x4];
	s6 =	simm.s32 $0x0;
	s17 =	simm.f32 $1.000000000e+00;
	v10 =	vor.u32 s0, v10;
	v15 =	vmov s12;
	v11 =	vor.u32 s0, v11  }
0xe: {  	s11 =	simm.s32 $0x80;
	s13 =	simm.s32 $0x10880;
	p0 =	seq.s32 s9, $0x0;
	v12 =	vor.u32 s0, v12;
	v13 =	vor.u32 s0, v13;
	v14 =	vor.u32 s0, v17  }
0xf: {  	s14 =	sor.u32 $0x10, s12;
	s16 =	sor.u32 $0x20, s12;
	s18 =	sor.u32 $0x30, s12;
	v17 =	vmul.u32 $0x801, v16;
	v19 =	vmul.u32 $0x801, v15;
	v15 =	vor.u32 s0, v18  }
0x10: {  	s15 =	simm.s32 $0x10900;
	s19 =	simm.s32 $0x10480;
	s17 =	simm.s32 @!p0 $0x0;
	v18 =	vor.u32 s14, v16;
	v20 =	vor.u32 s16, v16;
	v21 =	vor.u32 s18, v16  }
0x11: {  	s21 =	simm.s32 $0x10500;
	s23 =	simm.s32 $0x10580;
	s25 =	simm.s32 $0x10600;
	v16 =	vmov s17;
	v17 =	vadd.s32 $0x1, v17;
	v22 =	vmul.u32 $0x801, v18  }
0x12: {  	s28 =	simm.s32 $0x10680;
	s30 =	simm.s32 $0x10700;
	s20 =	simm.s32 $0x10A00;
	vm0 =	vlt.u32 v18, $0x7FF;
	vm1 =	vlt.u32 v20, $0x7FF;
	v19 =	vbroadcast v19, $0x0  }
0x13: {  	s22 =	simm.s32 $0x10D80;
	s24 =	simm.s32 $0x0;
	[smem:$0x7FF] =	sst s6;
	vm2 =	vlt.u32 v21, $0x7FF;
	v18 =	vadd.s32 $0x1, v22;
	v22 =	vmul.u32 $0x801, v21  }
.Ltmp0:
0x14: {  	_ =	strace $0x80000047;
	s26 =	sshrl.u32 s8, $0x1;
	v23 =	vsel vm2, $0x3F800000, v27;
	v17 =	vadd.s32 v17, v19;
	v19 =	vmul.u32 $0x801, v20;
	(pc) =	sbr.rel .LBB2_1-.Ltmp0, $4  }
0x15: {  	s29 =	sshll.u32 s9, $0xC;
	s31 =	sshll.u32 s9, $0x1;
	s10 =	ssub.s32 s8, s26;
	v21 =	vsel vm0, $0x3F800000, v27;
	v18 =	vnsel vm0, $0x0, v18;
	v20 =	vadd.s32 $0x1, v22  }
0x16: {  	s7 =	sadd.s32 s5, s29;
	s8 =	sadd.s32 s4, s31;
	s12 =	simm.s32 $0x10800;
	v22 =	vsel vm1, $0x3F800000, v27;
	v19 =	vadd.s32 $0x1, v19;
	v20 =	vnsel vm2, $0x0, v20  }
0x17: {  	s9 =	smax.u32 s10, $0x1;
	s10 =	simm.s32 $0x4;
	s0 =	simm.s32 $0x10780;
	vm2 =	vcmask $0x300;
	v19 =	vnsel vm1, $0x0, v19;
	vm1 =	vcmask $0x3B00  }
0x18: {  	s14 =	simm.s32 $0x1;
	s16 =	simm.s32 $0x2;
	s17 =	simm.s32 $0x3;
	vm0 =	vmmov $0xffff;
	v26 =	vsel vm1, $0x3F800000, v27;
	v27 =	vsel vm2, $0x3F800000, v27  }
.LBB2_6:
0x19: {  	_ =	swait.ge [sflag:s17], $0x80  }
0x1a: {  	[sflag:s17] =	ssyncset.done $0x0  }
0x1b: {  	[sflag:s17] =	ssyncadd.s32 $0xFFFFFF80  }
0x1c: {  	_ =	swait.ge [sflag:s17], $0x80  }
0x1d: {  	[sflag:s17] =	ssyncset.done $0x0  }
0x1e: {  	[sflag:s17] =	ssyncadd.s32 $0xFFFFFF80  }
0x1f: {  	_ =	swait.ge [sflag:s17], $0x40  }
0x20: {  	[sflag:s17] =	ssyncset.done $0x0  }
0x21: {  	[sflag:s17] =	ssyncadd.s32 $0xFFFFFFC0  }
0x22: {  	_ =	swait.ge [sflag:s17], $0x10  }
0x23: {  	[sflag:s17] =	ssyncset.done $0x0  }
0x24: {  	[sflag:s17] =	ssyncadd.s32 $0xFFFFFFF0  }
0x25: {  	_ =	swait.ge [sflag:s17], $0x10  }
0x26: {  	[sflag:s17] =	ssyncset.done $0x0  }
0x27: {  	s4 =	simm.s32 $0x10980;
	[sflag:s17] =	ssyncadd.s32 $0xFFFFFFF0  }
0x28: {  	[tilespmem:s4], [sflag:$0x1] =	stream.indirect.gather [hbm4b:s2+s11], $0x1, s13, s11, $0xb8;
	[tilespmem:$0x10E00] =	vst v63  }
0x29: {  	_ = 	snop  }
0x2a: {  	[tilespmem:s20], [sflag:$0x2] =	stream.indirect.gather [hbm4b:s3+s11], $0x1, s15, s11, $0xb8;
	[tilespmem:$0x10E00] =	vst v63  }
0x2b: {  	_ =	swait.ge [sflag:s14], $0x80  }
0x2c: {  	[sflag:s14] =	ssyncset.done $0x0  }
0x2d: {  	[sflag:s14] =	ssyncadd.s32 $0xFFFFFF80  }
0x2e: {  	_ =	swait.ge [sflag:s16], $0x80  }
0x2f: {  	[sflag:s16] =	ssyncset.done $0x0  }
0x30: {  	[sflag:s16] =	ssyncadd.s32 $0xFFFFFF80  }
0x31: {  	v29 =	vld [tilespmem:$0x10980];
	_ =	sdelay $0x1  }
0x32: {  	v30 =	vld [tilespmem:$0x10A00];
	_ =	sdelay $0x1  }
0x33: {  	v31 =	vld [tilespmem:$0x10990]  }
0x34: {  	v28 =	vadd.f32 v29, v28  }
0x35: {  	v29 =	vld [tilespmem:$0x10A10]  }
0x36: {  	v28 =	vadd.f32 v30, v28  }
0x37: {  	v51 =	vld [tilespmem:$0x109A0]  }
0x38: {  	v28 =	vadd.f32 v31, v28  }
0x39: {  	v52 =	vld [tilespmem:$0x10A20]  }
0x3a: {  	v28 =	vadd.f32 v29, v28  }
0x3b: {  	v29 =	vld [tilespmem:$0x109B0]  }
0x3c: {  	v28 =	vadd.f32 v51, v28  }
0x3d: {  	v53 =	vld [tilespmem:$0x10A30]  }
0x3e: {  	v28 =	vadd.f32 v52, v28  }
0x3f: {  	v54 =	vld [tilespmem:$0x109C0]  }
0x40: {  	v55 =	vld [tilespmem:$0x109D0];
	v28 =	vadd.f32 v29, v28  }
0x41: {  	v29 =	vld [tilespmem:$0x10A40]  }
0x42: {  	v32 =	vld [tilespmem:$0x10A50];
	v28 =	vadd.f32 v53, v28  }
0x43: {  	v56 =	vld [tilespmem:$0x109E0]  }
0x44: {  	v33 =	vld [tilespmem:$0x10A60];
	v28 =	vadd.f32 v54, v28  }
0x45: {  	v34 =	vld [tilespmem:$0x10C10]  }
0x46: {  	v35 =	vld [tilespmem:$0x10C80];
	v28 =	vadd.f32 v29, v28  }
0x47: {  	v29 =	vld [tilespmem:$0x10C00]  }
0x48: {  	v58 =	vld [tilespmem:$0x10D00];
	v28 =	vadd.f32 v55, v28  }
0x49: {  	v57 =	vld [tilespmem:$0x10C20]  }
0x4a: {  	v59 =	vld [tilespmem:$0x10C30];
	v28 =	vadd.f32 v32, v28  }
0x4b: {  	v36 =	vld [tilespmem:$0x109F0]  }
0x4c: {  	v34 =	vmul.f32 v34, v21;
	v29 =	vadd.f32 $0.0e+00, v29;
	v28 =	vadd.f32 v56, v28  }
0x4d: {  	v60 =	vld [tilespmem:$0x10A70];
	v32 =	vadd.f32 v58, v35  }
0x4e: {  	v30 =	vmul.f32 v57, v22;
	v29 =	vadd.f32 v34, v29;
	v28 =	vadd.f32 v33, v28  }
0x4f: {  	v61 =	vmul.f32 v59, v23  }
0x50: {  	v62 =	vmul.f32 v27, v32;
	v29 =	vadd.f32 v30, v29;
	v28 =	vadd.f32 v36, v28;
	_ =	sdelay $0x1  }
0x51: {  	v63 =	vmul.f32 v62, v16;
	v29 =	vadd.f32 v61, v29;
	v28 =	vadd.f32 v60, v28;
	_ =	sdelay $0x1  }
0x52: {  	v29 =	vadd.f32 v63, v29;
	v28 =	vmul.f32 $2.441406250e-04, v28;
	_ =	sdelay $0x1  }
0x53: {  	s24 =	sadd.s32 $0x1, s24;
	v28 =	vsub.f32 v28, v29  }
0x54: {  	p0 =	sne.s32 s24, s9  }
.Ltmp1:
0x55: {  	[tilespmem:$0x10D80] =	vst v28;
	(pc) =	sbr.rel @!p0 .LBB2_7-.Ltmp1, $4  }
0x56: {  	[hbm4b:s8+s6] =	stream.linear.scatter [tilespmem:s22], [sflag:$0x4], $0x10, $0x38;
	[tilespmem:$0x10E00] =	vst v63  }
0x57: {  	_ =	swait.ge [sflag:s10], $0x10  }
0x58: {  	[sflag:s10] =	ssyncset.done $0x0  }
0x59: {  	[sflag:s10] =	ssyncadd.s32 $0xFFFFFFF0  }
.LBB2_1:
0x5a: {  	[tilespmem:s6], [sflag:$0x4] =	stream.linear.gather [hbm4b:s7+s6], $0x8000, $0x38;
	[tilespmem:$0x10E00] =	vst v63  }
0x5b: {  	_ =	swait.ge [sflag:s10], $0x8000  }
0x5c: {  	[sflag:s10] =	ssyncset.done $0x0  }
0x5d: {  	[sflag:s10] =	ssyncadd.s32 $0xFFFF8000  }
0x5e: {  	s26 =	simm.s32 $0x0;
	[tilespmem:$0x8000] =	vst v24  }
0x5f: {  	v28 =	vld [tilespmem:s26+$0x70]  }
0x60: {  	v29 =	vld [tilespmem:s26+$0x71]  }
0x61: {  	v30 =	vld [tilespmem:s26+$0x0]  }
0x62: {  	v31 =	vld [tilespmem:s26+$0x10]  }
0x63: {  	v32 =	vld [tilespmem:s26+$0x20]  }
0x64: {  	v34 =	vld [tilespmem:s26+$0x30]  }
0x65: {  	v37 =	vld [tilespmem:s26+$0x40]  }
0x66: {  	v36 =	vld [tilespmem:s26+$0x1]  }
0x67: {  	v38 =	vld [tilespmem:s26+$0x11];
	v28 =	vshll.u32 v28, $0xB  }
0x68: {  	v28 =	vadd.s32 v29, v28;
	v29 =	vld [tilespmem:s26+$0x50]  }
0x69: {  	[tilespmem:s26+$0x80F0] =	vst v28;
	v28 =	vld [tilespmem:s26+$0x60]  }
0x6a: {  	v35 =	vld [tilespmem:s26+$0x21]  }
0x6b: {  	v33 =	vld [tilespmem:s26+$0x31]  }
0x6c: {  	v39 =	vshll.u32 v30, $0xB;
	v30 =	vld [tilespmem:s26+$0x41];
	v40 =	vshll.u32 v31, $0xB;
	v34 =	vshll.u32 v34, $0xB  }
0x6d: {  	v31 =	vld [tilespmem:s26+$0x51];
	v39 =	vadd.s32 v36, v39;
	v36 =	vshll.u32 v32, $0xB;
	v32 =	vshll.u32 v37, $0xB  }
0x6e: {  	s29 =	simm.s32 $0x80;
	s31 =	simm.s32 $0x400;
	v38 =	vadd.s32 v38, v40;
	v37 =	vld [tilespmem:s26+$0x61];
	[tilespmem:s26+$0x8080] =	vst v39;
	v29 =	vshll.u32 v29, $0xB;
	v28 =	vshll.u32 v28, $0xB  }
.LBB2_2:
0x6f: {  	p0 =	sne.s32 s31, $0x1FE00;
	v39 =	vld [tilespmem:s29+$0x70];
	[tilespmem:s26+$0x8090] =	vst v38;
	v35 =	vadd.s32 v35, v36  }
0x70: {  	v36 =	vld [tilespmem:s29+$0x71];
	[tilespmem:s26+$0x80A0] =	vst v35;
	v33 =	vadd.s32 v33, v34  }
0x71: {  	v34 =	vld [tilespmem:s29+$0x0];
	[tilespmem:s26+$0x80B0] =	vst v33;
	v30 =	vadd.s32 v30, v32  }
0x72: {  	v32 =	vld [tilespmem:s29+$0x10];
	[tilespmem:s26+$0x80C0] =	vst v30;
	v29 =	vadd.s32 v31, v29  }
0x73: {  	v30 =	vld [tilespmem:s29+$0x20];
	[tilespmem:s26+$0x80D0] =	vst v29;
	v28 =	vadd.s32 v37, v28  }
0x74: {  	v29 =	vld [tilespmem:s29+$0x30];
	v31 =	vshll.u32 v39, $0xB;
	[tilespmem:s26+$0x80E0] =	vst v28;
	s26 =	smov.u32 s29  }
0x75: {  	v28 =	vld [tilespmem:s26+$0x40];
	v31 =	vadd.s32 v36, v31  }
0x76: {  	v37 =	vshll.u32 v34, $0xB;
	v38 =	vld [tilespmem:s26+$0x50];
	[tilespmem:s26+$0x80F0] =	vst v31  }
0x77: {  	v39 =	vshll.u32 v32, $0xB;
	v31 =	vld [tilespmem:s26+$0x60]  }
0x78: {  	v40 =	vld [tilespmem:s26+$0x1];
	v36 =	vshll.u32 v30, $0xB  }
0x79: {  	v41 =	vld [tilespmem:s26+$0x11];
	v34 =	vshll.u32 v29, $0xB  }
.Ltmp2:
0x7a: {  	v35 =	vld [tilespmem:s26+$0x21];
	v32 =	vshll.u32 v28, $0xB;
	(pc) =	sbr.rel @p0 .LBB2_2-.Ltmp2, $4  }
0x7b: {  	v33 =	vld [tilespmem:s26+$0x31];
	v29 =	vshll.u32 v38, $0xB  }
0x7c: {  	v30 =	vld [tilespmem:s26+$0x41];
	v28 =	vshll.u32 v31, $0xB  }
0x7d: {  	v37 =	vadd.s32 v40, v37;
	v31 =	vld [tilespmem:s26+$0x51]  }
0x7e: {  	s29 =	sshra.s32 s31, $0x2;
	s31 =	sadd.s32 $0x200, s31;
	[tilespmem:s26+$0x8080] =	vst v37;
	v38 =	vadd.s32 v41, v39;
	v37 =	vld [tilespmem:s26+$0x61]  }
0x7f: {  	v39 =	vld [tilespmem:s29+$0x70];
	[tilespmem:s26+$0x8090] =	vst v38;
	v35 =	vadd.s32 v35, v36  }
0x80: {  	v56 =	vld [tilespmem:s29+$0x71];
	[tilespmem:s26+$0x80A0] =	vst v35;
	v33 =	vadd.s32 v33, v34  }
0x81: {  	v57 =	vld [tilespmem:s29+$0x0];
	[tilespmem:s26+$0x80B0] =	vst v33;
	v30 =	vadd.s32 v30, v32  }
0x82: {  	v58 =	vld [tilespmem:s29+$0x10];
	[tilespmem:s26+$0x80C0] =	vst v30;
	v29 =	vadd.s32 v31, v29  }
0x83: {  	v30 =	vld [tilespmem:s29+$0x20];
	[tilespmem:s26+$0x80D0] =	vst v29;
	v28 =	vadd.s32 v37, v28  }
0x84: {  	v29 =	vld [tilespmem:s29+$0x30];
	[tilespmem:s26+$0x80E0] =	vst v28  }
0x85: {  	v31 =	vld [tilespmem:s29+$0x40]  }
0x86: {  	v33 =	vld [tilespmem:s29+$0x50]  }
0x87: {  	v35 =	vld [tilespmem:s29+$0x1]  }
0x88: {  	v59 =	vld [tilespmem:s29+$0x11]  }
0x89: {  	v60 =	vld [tilespmem:s29+$0x21]  }
0x8a: {  	v38 =	vld [tilespmem:s29+$0x31]  }
0x8b: {  	v28 =	vshll.u32 v39, $0xB;
	v61 =	vld [tilespmem:s29+$0x41]  }
0x8c: {  	v28 =	vadd.s32 v56, v28;
	v62 =	vld [tilespmem:s29+$0x51];
	v34 =	vshll.u32 v57, $0xB  }
0x8d: {  	[tilespmem:s29+$0x80F0] =	vst v28;
	v28 =	vld [tilespmem:s29+$0x60];
	v32 =	vshll.u32 v58, $0xB;
	v34 =	vadd.s32 v35, v34  }
0x8e: {  	v63 =	vld [tilespmem:s29+$0x61];
	v30 =	vshll.u32 v30, $0xB;
	v32 =	vadd.s32 v59, v32;
	[tilespmem:s29+$0x8080] =	vst v34  }
0x8f: {  	v29 =	vshll.u32 v29, $0xB;
	v30 =	vadd.s32 v60, v30;
	[tilespmem:s29+$0x8090] =	vst v32  }
0x90: {  	v31 =	vshll.u32 v31, $0xB;
	v29 =	vadd.s32 v38, v29;
	[tilespmem:s29+$0x80A0] =	vst v30  }
0x91: {  	v30 =	vshll.u32 v33, $0xB;
	[tilespmem:s29+$0x80B0] =	vst v29;
	v29 =	vadd.s32 v61, v31  }
0x92: {  	v28 =	vshll.u32 v28, $0xB;
	[tilespmem:s29+$0x80C0] =	vst v29;
	v29 =	vadd.s32 v62, v30  }
0x93: {  	v28 =	vadd.s32 v63, v28;
	[tilespmem:s29+$0x80D0] =	vst v29  }
0x94: {  	[tilespmem:s29+$0x80E0] =	vst v28  }
0x95: {  	[tilespmem:$0x10A80] =	vst v0  }
0x96: {  	[tilespmem:$0x10B00] =	vst v1  }
0x97: {  	[tilespmem:$0x10A90] =	vst v2  }
0x98: {  	[tilespmem:$0x10B10] =	vst v3  }
0x99: {  	[tilespmem:$0x10AA0] =	vst v4  }
0x9a: {  	[tilespmem:$0x10B20] =	vst v5  }
0x9b: {  	[tilespmem:$0x10AB0] =	vst v6  }
0x9c: {  	[tilespmem:$0x10B30] =	vst v7  }
0x9d: {  	[tilespmem:$0x10AC0] =	vst v8  }
0x9e: {  	[tilespmem:$0x10B40] =	vst v9  }
0x9f: {  	[tilespmem:$0x10AD0] =	vst v10  }
0xa0: {  	[tilespmem:$0x10B50] =	vst v11  }
0xa1: {  	[tilespmem:$0x10AE0] =	vst v12  }
0xa2: {  	[tilespmem:$0x10B60] =	vst v13  }
0xa3: {  	[tilespmem:$0x10AF0] =	vst v14  }
0xa4: {  	[tilespmem:$0x10B70] =	vst v15  }
0xa5: {  	[tilespmem:$0x10B80] =	vst v17  }
0xa6: {  	[tilespmem:$0x10B90] =	vst v18  }
0xa7: {  	[tilespmem:$0x10BA0] =	vst v19  }
0xa8: {  	s4 =	simm.s32 $0x10A80;
	[tilespmem:$0x10BB0] =	vst v20  }
0xa9: {  	[tilespmem:s13], [sflag:$0x3] =	stream.indirect.gather [hbm4b:s5+s11], $0x1, s4, s11, $0xb8;
	[tilespmem:$0x10E00] =	vst v63  }
0xaa: {  	s18 =	simm.s32 $0x10B00  }
0xab: {  	[tilespmem:s15], [sflag:$0x3] =	stream.indirect.gather [hbm4b:s5+s11], $0x1, s18, s11, $0xb8;
	[tilespmem:$0x10E00] =	vst v63  }
0xac: {  	s26 =	simm.s32 $0x40;
	s29 =	simm.s32 $0x10C00;
	s18 =	simm.s32 $0x10B80  }
0xad: {  	[tilespmem:s29], [sflag:$0x3] =	stream.indirect.gather [hbm4b:s1+s26], $0x1, s18, s26, $0xb8;
	[tilespmem:$0x10E00] =	vst v63  }
0xae: {  	s31 =	simm.s32 $0x10C80;
	s26 =	simm.s32 $0x0  }
0xaf: {  	[tilespmem:s31], [sflag:$0x3] =	stream.indirect_vreg.gather [hbm4b:s2+s26], $0x1, v24, vm0, $0xb8;
	[tilespmem:$0x10E00] =	vst v63  }
0xb0: {  	s18 =	simm.s32 $0x10D00  }
0xb1: {  	[tilespmem:s18], [sflag:$0x3] =	stream.indirect_vreg.gather [hbm4b:s3+s26], $0x1, v25, vm0, $0xb8;
	[tilespmem:$0x10E00] =	vst v63  }
0xb2: {  	s29 =	simm.s32 $0x8080;
	s31 =	simm.s32 $0x10080  }
0xb3: {  	[tilespmem:s31], [sflag:$0x1] =	stream.indirect.gather [hbm4b:s1+s11], $0x1, s29, s11, $0xb8;
	[tilespmem:$0x10E00] =	vst v63  }
0xb4: {  	s29 =	simm.s32 $0x8100;
	s31 =	simm.s32 $0x10100  }
0xb5: {  	[tilespmem:s31], [sflag:$0x1] =	stream.indirect.gather [hbm4b:s1+s11], $0x1, s29, s11, $0xb8;
	[tilespmem:$0x10E00] =	vst v63  }
0xb6: {  	s29 =	simm.s32 $0x8180;
	s31 =	simm.s32 $0x10180  }
0xb7: {  	[tilespmem:s31], [sflag:$0x1] =	stream.indirect.gather [hbm4b:s1+s11], $0x1, s29, s11, $0xb8;
	[tilespmem:$0x10E00] =	vst v63  }
0xb8: {  	s29 =	simm.s32 $0x8200;
	s31 =	simm.s32 $0x10200  }
0xb9: {  	[tilespmem:s31], [sflag:$0x1] =	stream.indirect.gather [hbm4b:s1+s11], $0x1, s29, s11, $0xb8;
	[tilespmem:$0x10E00] =	vst v63  }
0xba: {  	s29 =	simm.s32 $0x8280;
	s31 =	simm.s32 $0x10280  }
0xbb: {  	[tilespmem:s31], [sflag:$0x1] =	stream.indirect.gather [hbm4b:s1+s11], $0x1, s29, s11, $0xb8;
	[tilespmem:$0x10E00] =	vst v63  }
0xbc: {  	s29 =	simm.s32 $0x8300;
	s31 =	simm.s32 $0x10300  }
0xbd: {  	[tilespmem:s31], [sflag:$0x1] =	stream.indirect.gather [hbm4b:s1+s11], $0x1, s29, s11, $0xb8;
	[tilespmem:$0x10E00] =	vst v63  }
0xbe: {  	s29 =	simm.s32 $0x8380;
	s31 =	simm.s32 $0x10380  }
0xbf: {  	[tilespmem:s31], [sflag:$0x1] =	stream.indirect.gather [hbm4b:s1+s11], $0x1, s29, s11, $0xb8;
	[tilespmem:$0x10E00] =	vst v63  }
0xc0: {  	s29 =	simm.s32 $0x8400;
	s31 =	simm.s32 $0x10400  }
0xc1: {  	[tilespmem:s31], [sflag:$0x1] =	stream.indirect.gather [hbm4b:s1+s11], $0x1, s29, s11, $0xb8;
	[tilespmem:$0x10E00] =	vst v63  }
0xc2: {  	s29 =	simm.s32 $0x8480  }
0xc3: {  	[tilespmem:s19], [sflag:$0x2] =	stream.indirect.gather [hbm4b:s1+s11], $0x1, s29, s11, $0xb8;
	[tilespmem:$0x10E00] =	vst v63  }
0xc4: {  	s31 =	simm.s32 $0x8500  }
0xc5: {  	[tilespmem:s21], [sflag:$0x2] =	stream.indirect.gather [hbm4b:s1+s11], $0x1, s31, s11, $0xb8;
	[tilespmem:$0x10E00] =	vst v63  }
0xc6: {  	s18 =	simm.s32 $0x8580  }
0xc7: {  	[tilespmem:s23], [sflag:$0x2] =	stream.indirect.gather [hbm4b:s1+s11], $0x1, s18, s11, $0xb8;
	[tilespmem:$0x10E00] =	vst v63  }
0xc8: {  	s29 =	simm.s32 $0x8600  }
0xc9: {  	[tilespmem:s25], [sflag:$0x2] =	stream.indirect.gather [hbm4b:s1+s11], $0x1, s29, s11, $0xb8;
	[tilespmem:$0x10E00] =	vst v63  }
0xca: {  	s31 =	simm.s32 $0x8680  }
0xcb: {  	[tilespmem:s28], [sflag:$0x2] =	stream.indirect.gather [hbm4b:s1+s11], $0x1, s31, s11, $0xb8;
	[tilespmem:$0x10E00] =	vst v63  }
0xcc: {  	s18 =	simm.s32 $0x8700  }
0xcd: {  	[tilespmem:s30], [sflag:$0x2] =	stream.indirect.gather [hbm4b:s1+s11], $0x1, s18, s11, $0xb8;
	[tilespmem:$0x10E00] =	vst v63  }
0xce: {  	s29 =	simm.s32 $0x8780  }
0xcf: {  	[tilespmem:s0], [sflag:$0x2] =	stream.indirect.gather [hbm4b:s1+s11], $0x1, s29, s11, $0xb8;
	[tilespmem:$0x10E00] =	vst v63  }
0xd0: {  	s31 =	simm.s32 $0x8800  }
0xd1: {  	v28 =	vimm.f32 $0.0e+00;
	[tilespmem:s12], [sflag:$0x2] =	stream.indirect.gather [hbm4b:s1+s11], $0x1, s31, s11, $0xb8;
	[tilespmem:$0x10E00] =	vst v63  }
.LBB2_4:
0xd2: {  	_ =	swait.ge [sflag:s14], $0x80  }
0xd3: {  	[sflag:s14] =	ssyncset.done $0x0  }
0xd4: {  	[sflag:s14] =	ssyncadd.s32 $0xFFFFFF80  }
0xd5: {  	_ =	swait.ge [sflag:s14], $0x80  }
0xd6: {  	[sflag:s14] =	ssyncset.done $0x0  }
0xd7: {  	[sflag:s14] =	ssyncadd.s32 $0xFFFFFF80  }
0xd8: {  	_ =	swait.ge [sflag:s14], $0x80  }
0xd9: {  	[sflag:s14] =	ssyncset.done $0x0  }
0xda: {  	[sflag:s14] =	ssyncadd.s32 $0xFFFFFF80  }
0xdb: {  	_ =	swait.ge [sflag:s14], $0x80  }
0xdc: {  	[sflag:s14] =	ssyncset.done $0x0  }
0xdd: {  	[sflag:s14] =	ssyncadd.s32 $0xFFFFFF80  }
0xde: {  	_ =	swait.ge [sflag:s14], $0x80  }
0xdf: {  	[sflag:s14] =	ssyncset.done $0x0  }
0xe0: {  	[sflag:s14] =	ssyncadd.s32 $0xFFFFFF80  }
0xe1: {  	_ =	swait.ge [sflag:s14], $0x80  }
0xe2: {  	[sflag:s14] =	ssyncset.done $0x0  }
0xe3: {  	[sflag:s14] =	ssyncadd.s32 $0xFFFFFF80  }
0xe4: {  	_ =	swait.ge [sflag:s14], $0x80  }
0xe5: {  	[sflag:s14] =	ssyncset.done $0x0  }
0xe6: {  	[sflag:s14] =	ssyncadd.s32 $0xFFFFFF80  }
0xe7: {  	_ =	swait.ge [sflag:s14], $0x80  }
0xe8: {  	[sflag:s14] =	ssyncset.done $0x0  }
0xe9: {  	[sflag:s14] =	ssyncadd.s32 $0xFFFFFF80  }
0xea: {  	v29 =	vld [tilespmem:$0x10080];
	_ =	sdelay $0x1  }
0xeb: {  	v30 =	vld [tilespmem:$0x10090];
	_ =	sdelay $0x1  }
0xec: {  	v31 =	vld [tilespmem:$0x100A0]  }
0xed: {  	v28 =	vadd.f32 v29, v28  }
0xee: {  	v29 =	vld [tilespmem:$0x100B0]  }
0xef: {  	v28 =	vadd.f32 v30, v28  }
0xf0: {  	v30 =	vld [tilespmem:$0x100C0]  }
0xf1: {  	v28 =	vadd.f32 v31, v28  }
0xf2: {  	v31 =	vld [tilespmem:$0x100D0]  }
0xf3: {  	v28 =	vadd.f32 v29, v28  }
0xf4: {  	v29 =	vld [tilespmem:$0x100E0]  }
0xf5: {  	v28 =	vadd.f32 v30, v28  }
0xf6: {  	v30 =	vld [tilespmem:$0x100F0]  }
0xf7: {  	v28 =	vadd.f32 v31, v28  }
0xf8: {  	v31 =	vld [tilespmem:$0x10100]  }
0xf9: {  	v28 =	vadd.f32 v29, v28  }
0xfa: {  	v29 =	vld [tilespmem:$0x10110]  }
0xfb: {  	v28 =	vadd.f32 v30, v28  }
0xfc: {  	v30 =	vld [tilespmem:$0x10120]  }
0xfd: {  	v28 =	vadd.f32 v31, v28  }
0xfe: {  	v31 =	vld [tilespmem:$0x10130]  }
0xff: {  	v28 =	vadd.f32 v29, v28  }
0x100: {  	v29 =	vld [tilespmem:$0x10140]  }
0x101: {  	v28 =	vadd.f32 v30, v28  }
0x102: {  	v30 =	vld [tilespmem:$0x10150]  }
0x103: {  	v32 =	vld [tilespmem:$0x10170];
	v28 =	vadd.f32 v31, v28  }
0x104: {  	v31 =	vld [tilespmem:$0x10160]  }
0x105: {  	v28 =	vadd.f32 v29, v28;
	_ =	sdelay $0x1  }
0x106: {  	v28 =	vadd.f32 v30, v28  }
0x107: {  	v29 =	vld [tilespmem:$0x10180]  }
0x108: {  	v30 =	vmul.f32 v26, v32;
	v28 =	vadd.f32 v31, v28  }
0x109: {  	v31 =	vld [tilespmem:$0x10190]  }
0x10a: {  	v28 =	vadd.f32 v30, v28  }
0x10b: {  	v30 =	vld [tilespmem:$0x101A0]  }
0x10c: {  	v28 =	vadd.f32 v28, v29  }
0x10d: {  	v29 =	vld [tilespmem:$0x101B0]  }
0x10e: {  	v28 =	vadd.f32 v28, v31  }
0x10f: {  	v31 =	vld [tilespmem:$0x101C0]  }
0x110: {  	v28 =	vadd.f32 v28, v30  }
0x111: {  	v30 =	vld [tilespmem:$0x101D0]  }
0x112: {  	v28 =	vadd.f32 v28, v29  }
0x113: {  	v29 =	vld [tilespmem:$0x101E0]  }
0x114: {  	v28 =	vadd.f32 v28, v31  }
0x115: {  	v31 =	vld [tilespmem:$0x101F0]  }
0x116: {  	v28 =	vadd.f32 v28, v30  }
0x117: {  	v30 =	vld [tilespmem:$0x10200]  }
0x118: {  	v28 =	vadd.f32 v28, v29  }
0x119: {  	v29 =	vld [tilespmem:$0x10210]  }
0x11a: {  	v28 =	vadd.f32 v28, v31  }
0x11b: {  	v31 =	vld [tilespmem:$0x10220]  }
0x11c: {  	v60 =	vld [tilespmem:$0x10230];
	v28 =	vadd.f32 v28, v30  }
0x11d: {  	v33 =	vld [tilespmem:$0x10250]  }
0x11e: {  	v34 =	vld [tilespmem:$0x10270];
	v28 =	vadd.f32 v28, v29  }
0x11f: {  	v30 =	vld [tilespmem:$0x10240]  }
0x120: {  	v35 =	vld [tilespmem:$0x10290];
	v28 =	vadd.f32 v28, v31  }
0x121: {  	v61 =	vld [tilespmem:$0x102A0]  }
0x122: {  	v36 =	vld [tilespmem:$0x102B0];
	v28 =	vadd.f32 v28, v60  }
0x123: {  	v29 =	vld [tilespmem:$0x10260]  }
0x124: {  	v37 =	vld [tilespmem:$0x102D0];
	v28 =	vadd.f32 v28, v30  }
0x125: {  	v62 =	vld [tilespmem:$0x102E0]  }
0x126: {  	v38 =	vld [tilespmem:$0x102F0];
	v28 =	vadd.f32 v28, v33  }
0x127: {  	v31 =	vld [tilespmem:$0x10280]  }
0x128: {  	v63 =	vld [tilespmem:$0x10300];
	v28 =	vadd.f32 v28, v29;
	v29 =	vmul.f32 v26, v34  }
0x129: {  	v39 =	vld [tilespmem:$0x10310]  }
0x12a: {  	v40 =	vld [tilespmem:$0x10330];
	v28 =	vadd.f32 v29, v28  }
0x12b: {  	v41 =	vld [tilespmem:$0x10350]  }
0x12c: {  	v52 =	vld [tilespmem:$0x10360];
	v28 =	vadd.f32 v28, v31  }
0x12d: {  	v42 =	vld [tilespmem:$0x10370]  }
0x12e: {  	v53 =	vld [tilespmem:$0x10380];
	v28 =	vadd.f32 v28, v35  }
0x12f: {  	v30 =	vld [tilespmem:$0x102C0]  }
0x130: {  	v43 =	vld [tilespmem:$0x10390];
	v28 =	vadd.f32 v28, v61  }
0x131: {  	v54 =	vld [tilespmem:$0x103A0]  }
0x132: {  	v44 =	vld [tilespmem:$0x103B0];
	v28 =	vadd.f32 v28, v36  }
0x133: {  	v45 =	vld [tilespmem:$0x103D0]  }
0x134: {  	v55 =	vld [tilespmem:$0x103E0];
	v28 =	vadd.f32 v28, v30  }
0x135: {  	v46 =	vld [tilespmem:$0x103F0]  }
0x136: {  	v56 =	vld [tilespmem:$0x10400];
	v28 =	vadd.f32 v28, v37  }
0x137: {  	v47 =	vld [tilespmem:$0x10410]  }
0x138: {  	v57 =	vld [tilespmem:$0x10420];
	v28 =	vadd.f32 v28, v62  }
0x139: {  	v48 =	vld [tilespmem:$0x10430]  }
0x13a: {  	v58 =	vld [tilespmem:$0x10440];
	v28 =	vadd.f32 v28, v38  }
0x13b: {  	v29 =	vld [tilespmem:$0x10320]  }
0x13c: {  	v49 =	vld [tilespmem:$0x10450];
	v28 =	vadd.f32 v28, v63  }
0x13d: {  	p0 =	seq.s32 s26, $0x1E000;
	v59 =	vld [tilespmem:$0x10460]  }
0x13e: {  	s29 =	sshra.s32 @!p0 s26, $0x2;
	v50 =	vld [tilespmem:$0x10470];
	v28 =	vadd.f32 v28, v39  }
0x13f: {  	s4 =	simm.s32 @!p0 $0x80;
	s18 =	simm.s32 @!p0 $0x10080;
	s31 =	sadd.s32 @!p0 $0x8880, s29;
	v31 =	vld [tilespmem:$0x10340]  }
0x140: {  	v30 =	vld [tilespmem:$0x103C0];
	[tilespmem:s18], [sflag:$0x1] =	stream.indirect.gather @!p0 [hbm4b:s1+s4], $0x1, s31, s4, $0xb8;
	v28 =	vadd.f32 v28, v29  }
0x141: {  	s18 =	sadd.s32 @!p0 $0x8900, s29;
	s31 =	simm.s32 @!p0 $0x10100  }
0x142: {  	[tilespmem:s31], [sflag:$0x1] =	stream.indirect.gather @!p0 [hbm4b:s1+s4], $0x1, s18, s4, $0xb8;
	v28 =	vadd.f32 v28, v40;
	[tilespmem:$0x10E00] =	vst v63  }
0x143: {  	s18 =	sadd.s32 @!p0 $0x8980, s29;
	s31 =	simm.s32 @!p0 $0x10180  }
0x144: {  	[tilespmem:s31], [sflag:$0x1] =	stream.indirect.gather @!p0 [hbm4b:s1+s4], $0x1, s18, s4, $0xb8;
	v28 =	vadd.f32 v28, v31;
	[tilespmem:$0x10E00] =	vst v63  }
0x145: {  	s18 =	sadd.s32 @!p0 $0x8A00, s29;
	s31 =	simm.s32 @!p0 $0x10200  }
0x146: {  	[tilespmem:s31], [sflag:$0x1] =	stream.indirect.gather @!p0 [hbm4b:s1+s4], $0x1, s18, s4, $0xb8;
	v28 =	vadd.f32 v28, v41;
	[tilespmem:$0x10E00] =	vst v63  }
0x147: {  	s18 =	sadd.s32 @!p0 $0x8A80, s29;
	s31 =	simm.s32 @!p0 $0x10280  }
0x148: {  	[tilespmem:s31], [sflag:$0x1] =	stream.indirect.gather @!p0 [hbm4b:s1+s4], $0x1, s18, s4, $0xb8;
	v29 =	vmul.f32 v26, v42;
	v28 =	vadd.f32 v28, v52;
	[tilespmem:$0x10E00] =	vst v63  }
0x149: {  	s18 =	sadd.s32 @!p0 $0x8B00, s29;
	s31 =	simm.s32 @!p0 $0x10300  }
0x14a: {  	[tilespmem:s31], [sflag:$0x1] =	stream.indirect.gather @!p0 [hbm4b:s1+s4], $0x1, s18, s4, $0xb8;
	v28 =	vadd.f32 v29, v28;
	[tilespmem:$0x10E00] =	vst v63  }
0x14b: {  	s18 =	sadd.s32 @!p0 $0x8B80, s29;
	s31 =	simm.s32 @!p0 $0x10380  }
0x14c: {  	[tilespmem:s31], [sflag:$0x1] =	stream.indirect.gather @!p0 [hbm4b:s1+s4], $0x1, s18, s4, $0xb8;
	v28 =	vadd.f32 v28, v53;
	[tilespmem:$0x10E00] =	vst v63  }
0x14d: {  	s18 =	sadd.s32 @!p0 $0x8C00, s29;
	s29 =	simm.s32 @!p0 $0x10400  }
0x14e: {  	[tilespmem:s29], [sflag:$0x1] =	stream.indirect.gather @!p0 [hbm4b:s1+s4], $0x1, s18, s4, $0xb8;
	v28 =	vadd.f32 v28, v43;
	[tilespmem:$0x10E00] =	vst v63  }
0x14f: {  	_ =	swait.ge [sflag:s16], $0x80  }
0x150: {  	[sflag:s16] =	ssyncset.done $0x0;
	v28 =	vadd.f32 v28, v54  }
0x151: {  	[sflag:s16] =	ssyncadd.s32 $0xFFFFFF80  }
0x152: {  	_ =	swait.ge [sflag:s16], $0x80;
	v28 =	vadd.f32 v28, v44  }
0x153: {  	[sflag:s16] =	ssyncset.done $0x0  }
0x154: {  	[sflag:s16] =	ssyncadd.s32 $0xFFFFFF80;
	v28 =	vadd.f32 v28, v30  }
0x155: {  	_ =	swait.ge [sflag:s16], $0x80  }
0x156: {  	[sflag:s16] =	ssyncset.done $0x0;
	v28 =	vadd.f32 v28, v45  }
0x157: {  	[sflag:s16] =	ssyncadd.s32 $0xFFFFFF80  }
0x158: {  	_ =	swait.ge [sflag:s16], $0x80;
	v28 =	vadd.f32 v28, v55  }
0x159: {  	[sflag:s16] =	ssyncset.done $0x0  }
0x15a: {  	[sflag:s16] =	ssyncadd.s32 $0xFFFFFF80;
	v28 =	vadd.f32 v28, v46  }
0x15b: {  	_ =	swait.ge [sflag:s16], $0x80  }
0x15c: {  	[sflag:s16] =	ssyncset.done $0x0;
	v28 =	vadd.f32 v28, v56  }
0x15d: {  	[sflag:s16] =	ssyncadd.s32 $0xFFFFFF80  }
0x15e: {  	_ =	swait.ge [sflag:s16], $0x80;
	v28 =	vadd.f32 v28, v47  }
0x15f: {  	[sflag:s16] =	ssyncset.done $0x0  }
0x160: {  	[sflag:s16] =	ssyncadd.s32 $0xFFFFFF80;
	v28 =	vadd.f32 v28, v57  }
0x161: {  	_ =	swait.ge [sflag:s16], $0x80  }
0x162: {  	[sflag:s16] =	ssyncset.done $0x0;
	v28 =	vadd.f32 v28, v48  }
0x163: {  	[sflag:s16] =	ssyncadd.s32 $0xFFFFFF80  }
0x164: {  	_ =	swait.ge [sflag:s16], $0x80;
	v28 =	vadd.f32 v28, v58  }
0x165: {  	[sflag:s16] =	ssyncset.done $0x0  }
0x166: {  	[sflag:s16] =	ssyncadd.s32 $0xFFFFFF80;
	v28 =	vadd.f32 v28, v49  }
0x167: {  	v29 =	vld [tilespmem:$0x10480]  }
0x168: {  	v30 =	vmul.f32 v26, v50;
	v28 =	vadd.f32 v28, v59  }
0x169: {  	v31 =	vld [tilespmem:$0x10490]  }
0x16a: {  	v28 =	vadd.f32 v30, v28  }
0x16b: {  	v30 =	vld [tilespmem:$0x104A0]  }
0x16c: {  	v28 =	vadd.f32 v29, v28  }
0x16d: {  	v29 =	vld [tilespmem:$0x104B0]  }
0x16e: {  	v28 =	vadd.f32 v31, v28  }
0x16f: {  	v31 =	vld [tilespmem:$0x104C0]  }
0x170: {  	v28 =	vadd.f32 v30, v28  }
0x171: {  	v30 =	vld [tilespmem:$0x104D0]  }
0x172: {  	v28 =	vadd.f32 v29, v28  }
0x173: {  	v29 =	vld [tilespmem:$0x104E0]  }
0x174: {  	v28 =	vadd.f32 v31, v28  }
0x175: {  	v31 =	vld [tilespmem:$0x104F0]  }
0x176: {  	v28 =	vadd.f32 v30, v28  }
0x177: {  	v30 =	vld [tilespmem:$0x10500]  }
0x178: {  	v28 =	vadd.f32 v29, v28  }
0x179: {  	v29 =	vld [tilespmem:$0x10510]  }
0x17a: {  	v28 =	vadd.f32 v31, v28  }
0x17b: {  	v31 =	vld [tilespmem:$0x10520]  }
0x17c: {  	v28 =	vadd.f32 v30, v28  }
0x17d: {  	v30 =	vld [tilespmem:$0x10530]  }
0x17e: {  	v28 =	vadd.f32 v29, v28  }
0x17f: {  	v29 =	vld [tilespmem:$0x10540]  }
0x180: {  	v28 =	vadd.f32 v31, v28  }
0x181: {  	v31 =	vld [tilespmem:$0x10550]  }
0x182: {  	v60 =	vld [tilespmem:$0x10570];
	v28 =	vadd.f32 v30, v28  }
0x183: {  	v30 =	vld [tilespmem:$0x10560]  }
0x184: {  	v28 =	vadd.f32 v29, v28;
	_ =	sdelay $0x1  }
0x185: {  	v28 =	vadd.f32 v31, v28  }
0x186: {  	v29 =	vld [tilespmem:$0x10580]  }
0x187: {  	v28 =	vadd.f32 v30, v28;
	v30 =	vmul.f32 v26, v60  }
0x188: {  	v31 =	vld [tilespmem:$0x10590]  }
0x189: {  	v28 =	vadd.f32 v30, v28  }
0x18a: {  	v30 =	vld [tilespmem:$0x105A0]  }
0x18b: {  	v28 =	vadd.f32 v28, v29  }
0x18c: {  	v29 =	vld [tilespmem:$0x105B0]  }
0x18d: {  	v28 =	vadd.f32 v28, v31  }
0x18e: {  	v31 =	vld [tilespmem:$0x105C0]  }
0x18f: {  	v28 =	vadd.f32 v28, v30  }
0x190: {  	v30 =	vld [tilespmem:$0x105D0]  }
0x191: {  	v28 =	vadd.f32 v28, v29  }
0x192: {  	v29 =	vld [tilespmem:$0x105E0]  }
0x193: {  	v28 =	vadd.f32 v28, v31  }
0x194: {  	v31 =	vld [tilespmem:$0x105F0]  }
0x195: {  	v28 =	vadd.f32 v28, v30  }
0x196: {  	v30 =	vld [tilespmem:$0x10600]  }
0x197: {  	v28 =	vadd.f32 v28, v29  }
0x198: {  	v29 =	vld [tilespmem:$0x10610]  }
0x199: {  	v28 =	vadd.f32 v28, v31  }
0x19a: {  	v31 =	vld [tilespmem:$0x10620]  }
0x19b: {  	v28 =	vadd.f32 v28, v30  }
0x19c: {  	v30 =	vld [tilespmem:$0x10630]  }
0x19d: {  	v28 =	vadd.f32 v28, v29  }
0x19e: {  	v29 =	vld [tilespmem:$0x10640]  }
0x19f: {  	v28 =	vadd.f32 v28, v31  }
0x1a0: {  	v31 =	vld [tilespmem:$0x10650]  }
0x1a1: {  	v61 =	vld [tilespmem:$0x10670];
	v28 =	vadd.f32 v28, v30  }
0x1a2: {  	v30 =	vld [tilespmem:$0x10660]  }
0x1a3: {  	v28 =	vadd.f32 v28, v29;
	_ =	sdelay $0x1  }
0x1a4: {  	v28 =	vadd.f32 v28, v31  }
0x1a5: {  	v29 =	vld [tilespmem:$0x10680]  }
0x1a6: {  	v28 =	vadd.f32 v28, v30;
	v30 =	vmul.f32 v26, v61  }
0x1a7: {  	v31 =	vld [tilespmem:$0x10690]  }
0x1a8: {  	v28 =	vadd.f32 v30, v28  }
0x1a9: {  	v30 =	vld [tilespmem:$0x106A0]  }
0x1aa: {  	v28 =	vadd.f32 v28, v29  }
0x1ab: {  	v29 =	vld [tilespmem:$0x106B0]  }
0x1ac: {  	v28 =	vadd.f32 v28, v31  }
0x1ad: {  	v31 =	vld [tilespmem:$0x106C0]  }
0x1ae: {  	v28 =	vadd.f32 v28, v30  }
0x1af: {  	v30 =	vld [tilespmem:$0x106D0]  }
0x1b0: {  	v28 =	vadd.f32 v28, v29  }
0x1b1: {  	v29 =	vld [tilespmem:$0x106E0]  }
0x1b2: {  	v28 =	vadd.f32 v28, v31  }
0x1b3: {  	v31 =	vld [tilespmem:$0x106F0]  }
0x1b4: {  	v28 =	vadd.f32 v28, v30  }
0x1b5: {  	v30 =	vld [tilespmem:$0x10700]  }
0x1b6: {  	v28 =	vadd.f32 v28, v29  }
0x1b7: {  	v29 =	vld [tilespmem:$0x10710]  }
0x1b8: {  	v28 =	vadd.f32 v28, v31  }
0x1b9: {  	v31 =	vld [tilespmem:$0x10720]  }
0x1ba: {  	v28 =	vadd.f32 v28, v30  }
0x1bb: {  	v30 =	vld [tilespmem:$0x10730]  }
0x1bc: {  	v28 =	vadd.f32 v28, v29  }
0x1bd: {  	v29 =	vld [tilespmem:$0x10740]  }
0x1be: {  	v28 =	vadd.f32 v28, v31  }
0x1bf: {  	v31 =	vld [tilespmem:$0x10750]  }
0x1c0: {  	v62 =	vld [tilespmem:$0x10770];
	v28 =	vadd.f32 v28, v30  }
0x1c1: {  	v30 =	vld [tilespmem:$0x10760]  }
0x1c2: {  	v28 =	vadd.f32 v28, v29;
	_ =	sdelay $0x1  }
0x1c3: {  	v28 =	vadd.f32 v28, v31  }
0x1c4: {  	v29 =	vld [tilespmem:$0x10780]  }
0x1c5: {  	v28 =	vadd.f32 v28, v30;
	v30 =	vmul.f32 v26, v62  }
0x1c6: {  	v31 =	vld [tilespmem:$0x10790]  }
0x1c7: {  	v28 =	vadd.f32 v30, v28  }
0x1c8: {  	v30 =	vld [tilespmem:$0x107A0]  }
0x1c9: {  	v28 =	vadd.f32 v28, v29  }
0x1ca: {  	v29 =	vld [tilespmem:$0x107B0]  }
0x1cb: {  	v28 =	vadd.f32 v28, v31  }
0x1cc: {  	v31 =	vld [tilespmem:$0x107C0]  }
0x1cd: {  	v28 =	vadd.f32 v28, v30  }
0x1ce: {  	v30 =	vld [tilespmem:$0x107D0]  }
0x1cf: {  	v28 =	vadd.f32 v28, v29  }
0x1d0: {  	v29 =	vld [tilespmem:$0x107E0]  }
0x1d1: {  	v28 =	vadd.f32 v28, v31  }
0x1d2: {  	v31 =	vld [tilespmem:$0x107F0]  }
0x1d3: {  	v28 =	vadd.f32 v28, v30  }
0x1d4: {  	v30 =	vld [tilespmem:$0x10800]  }
0x1d5: {  	v28 =	vadd.f32 v28, v29  }
0x1d6: {  	v29 =	vld [tilespmem:$0x10810]  }
0x1d7: {  	v28 =	vadd.f32 v28, v31  }
0x1d8: {  	v31 =	vld [tilespmem:$0x10820]  }
0x1d9: {  	v28 =	vadd.f32 v28, v30  }
0x1da: {  	v30 =	vld [tilespmem:$0x10830]  }
0x1db: {  	v28 =	vadd.f32 v28, v29  }
0x1dc: {  	v29 =	vld [tilespmem:$0x10840]  }
0x1dd: {  	v28 =	vadd.f32 v28, v31  }
0x1de: {  	v31 =	vld [tilespmem:$0x10850]  }
0x1df: {  	v63 =	vld [tilespmem:$0x10870];
	v28 =	vadd.f32 v28, v30  }
0x1e0: {  	v30 =	vld [tilespmem:$0x10860]  }
0x1e1: {  	v28 =	vadd.f32 v28, v29;
	_ =	sdelay $0x1  }
.Ltmp3:
0x1e2: {  	v28 =	vadd.f32 v28, v31;
	(pc) =	sbr.rel @p0 .LBB2_6-.Ltmp3, $3  }
0x1e3: {  	_ = 	snop  }
0x1e4: {  	v29 =	vmul.f32 v26, v63;
	v28 =	vadd.f32 v28, v30;
	_ =	sdelay $0x1  }
0x1e5: {  	v28 =	vadd.f32 v29, v28  }
0x1e6: {  	s4 =	sshra.s32 s26, $0x2  }
0x1e7: {  	s18 =	sadd.s32 $0x8C80, s4  }
0x1e8: {  	[tilespmem:s19], [sflag:$0x2] =	stream.indirect.gather [hbm4b:s1+s11], $0x1, s18, s11, $0xb8;
	[tilespmem:$0x10E00] =	vst v63  }
0x1e9: {  	s29 =	sadd.s32 $0x8D00, s4  }
0x1ea: {  	[tilespmem:s21], [sflag:$0x2] =	stream.indirect.gather [hbm4b:s1+s11], $0x1, s29, s11, $0xb8;
	[tilespmem:$0x10E00] =	vst v63  }
0x1eb: {  	s31 =	sadd.s32 $0x8D80, s4  }
0x1ec: {  	[tilespmem:s23], [sflag:$0x2] =	stream.indirect.gather [hbm4b:s1+s11], $0x1, s31, s11, $0xb8;
	[tilespmem:$0x10E00] =	vst v63  }
0x1ed: {  	s29 =	sadd.s32 $0x8E00, s4  }
0x1ee: {  	[tilespmem:s25], [sflag:$0x2] =	stream.indirect.gather [hbm4b:s1+s11], $0x1, s29, s11, $0xb8;
	[tilespmem:$0x10E00] =	vst v63  }
0x1ef: {  	s31 =	sadd.s32 $0x8E80, s4  }
0x1f0: {  	[tilespmem:s28], [sflag:$0x2] =	stream.indirect.gather [hbm4b:s1+s11], $0x1, s31, s11, $0xb8;
	[tilespmem:$0x10E00] =	vst v63  }
0x1f1: {  	s29 =	sadd.s32 $0x8F00, s4  }
0x1f2: {  	[tilespmem:s30], [sflag:$0x2] =	stream.indirect.gather [hbm4b:s1+s11], $0x1, s29, s11, $0xb8;
	[tilespmem:$0x10E00] =	vst v63  }
.Ltmp4:
0x1f3: {  	_ = 	snop;
	(pc) =	sbr.rel .LBB2_4-.Ltmp4, $4  }
0x1f4: {  	s31 =	sadd.s32 $0x8F80, s4  }
0x1f5: {  	[tilespmem:s0], [sflag:$0x2] =	stream.indirect.gather [hbm4b:s1+s11], $0x1, s31, s11, $0xb8;
	[tilespmem:$0x10E00] =	vst v63  }
0x1f6: {  	s26 =	sadd.s32 $0x2000, s26;
	s4 =	sadd.s32 $0x9000, s4  }
0x1f7: {  	[tilespmem:s12], [sflag:$0x2] =	stream.indirect.gather [hbm4b:s1+s11], $0x1, s4, s11, $0xb8;
	[tilespmem:$0x10E00] =	vst v63  }
.LBB2_7:
0x1f8: {  	_ =	sfence.sel $0x180000  }
0x1f9: {  	[bflag:$0x0] =	sbarrier.arrive $0xFFFF  }
0x1fa: {  	_ =	strace $0x90000047  }
0x1fb: {  	s0 =	stileid.u32;
	[bflag:$0x2] =	sbarrier.arrive $0xFFFF  }
0x1fc: {  	p0 =	sne.s32 s0, $0x0;
	s0 =	rddreg [dreg:$0x5]  }
0x1fd: {  	s0 =	sadd.s32 @!p0 $0x100000, s0  }
0x1fe: {  	[sflag:s0] =	ssyncadd.tile.s32 @!p0 $0x1;
	_ =	shalt  }
.Lfunc_end2:
_tile_overlayer_lowered:
.L_overlay_start_2:
0x1ff: {  	(tag) =	ssettag $0x2  }
0x200: {  	s0 =	rddreg [dreg:$0x0];
	s2 =	stileid.u32  }
0x201: {  	s1 =	rddreg [dreg:$0x1];
	p0 =	sne.s32 s2, $0x0  }
0x202: {  	s3 =	rddreg [dreg:$0x2];
	[bflag:$0x3] =	sbarrier.arrive $0xFFFF;
	s2 =	simm.s32 @!p0 $0x1C04  }
0x203: {  	[timem:s3], [sflag:s2] =	dma.local @!p0 [hbm:s0], s1  }
0x204: {  	s0 =	simm.s32 @!p0 $0x4  }
0x205: {  	_ =	swait.ge @!p0 [sflag:s0], s1  }
0x206: {  	s1 =	ssub.s32 @!p0 $0x0, s1;
	[sflag:s0] =	ssyncset.done @!p0 $0x0  }
0x207: {  	[sflag:s0] =	ssyncadd.s32 @!p0 s1  }
0x208: {  	[bflag:$0x3] =	sbarrier.arrive $0xFFFF  }
0x209: {  	_ =	shalt  }

</sc_bundles>
